<compile_context>
chip_gen: v7x
topology: tpu7x:2x2x1
jax: 0.10.2.dev20260603
libtpu: 0.0.44.dev20260713+nightly
codegen_flags: <defaults>
</compile_context>

<pallas_src>
import functools

import jax
import jax.numpy as jnp
import numpy as np
from jax import lax
from jax.experimental import pallas as pl
from jax.experimental.pallas import tpu as pltpu
from jax.experimental.pallas import tpu_sc as plsc

N, E, F_IN, H, C, CH = 10000, 320000, 128, 16, 10, 3
NC, NS = 2, 16
NW = NC * NS
NPAD = 10240
ROWS_PER_SUB = NPAD // NS
F = 16
EPW = E // NW
K = 128
STEPS = 80
EPWP = STEPS * K
NBUF = 8
STD = float(np.sqrt(2.0 / (N + 1)))

_mesh = plsc.VectorSubcoreMesh(core_axis_name="c", subcore_axis_name="s")



@functools.partial(
    pl.kernel,
    out_type=jax.ShapeDtypeStruct((NC, NPAD), jnp.float32),
    mesh=_mesh,
    scratch_types=[
        pltpu.VMEM((STEPS, K), jnp.int32),
        pltpu.VMEM((128,), jnp.float32),
        pltpu.VMEM((ROWS_PER_SUB,), jnp.float32),
        pltpu.VMEM_SHARED((NPAD,), jnp.float32),
        pltpu.SemaphoreType.DMA,
        [pltpu.SemaphoreType.DMA for _ in range(NBUF)],
    ],
    compiler_params=pltpu.CompilerParams(use_tc_tiling_on_sc=False),
)
def _deg_kernel(ei_hbm, out_hbm, didx, ones_v, zv, acc_s, sem, dsems):
    c = lax.axis_index("c")
    s = lax.axis_index("s")
    wid = s * NC + c

    ld = pltpu.async_copy(ei_hbm.at[1, wid], didx, sem)

    def fill_ones(i, carry):
        ones_v[pl.ds(i * 16, 16)] = jnp.ones((16,), jnp.float32)
        return carry

    lax.fori_loop(0, 128 // 16, fill_ones, 0)

    def fill_zero(i, carry):
        zv[pl.ds(i * 16, 16)] = jnp.zeros((16,), jnp.float32)
        return carry

    lax.fori_loop(0, ROWS_PER_SUB // 16, fill_zero, 0)
    pltpu.sync_copy(zv, acc_s.at[pl.ds(s * ROWS_PER_SUB, ROWS_PER_SUB)])
    ld.wait()
    plsc.subcore_barrier()

    def step(j, carry):
        sds = []
        for b in range(NBUF):
            sds.append(pltpu.async_copy(
                ones_v, acc_s.at[didx.at[j * NBUF + b]],
                dsems[b], add=True))
        for b in range(NBUF):
            sds[b].wait()
        return carry

    lax.fori_loop(0, STEPS // NBUF, step, 0)
    plsc.subcore_barrier()
    pltpu.sync_copy(acc_s.at[pl.ds(s * ROWS_PER_SUB, ROWS_PER_SUB)],
                    out_hbm.at[c, pl.ds(s * ROWS_PER_SUB, ROWS_PER_SUB)])



@functools.partial(
    pl.kernel,
    out_type=jax.ShapeDtypeStruct((NC, NPAD, F), jnp.float32),
    mesh=_mesh,
    scratch_types=[
        pltpu.VMEM((2, STEPS, K), jnp.int32),
        [pltpu.VMEM((K, F), jnp.float32) for _ in range(NBUF)],
        pltpu.VMEM((ROWS_PER_SUB, F), jnp.float32),
        pltpu.VMEM_SHARED((NPAD, F), jnp.float32),
        pltpu.VMEM_SHARED((NPAD, F), jnp.float32),
        [pltpu.SemaphoreType.DMA for _ in range(NBUF)],
        [pltpu.SemaphoreType.DMA for _ in range(NBUF)],
        pltpu.SemaphoreType.DMA,
        pltpu.SemaphoreType.DMA,
    ],
    compiler_params=pltpu.CompilerParams(use_tc_tiling_on_sc=False),
)
def _segsum_kernel(g_hbm, ei_hbm, out_hbm,
                   eidx, rows, zv, acc_s, g_s, sems, ssems, isem, gsem):
    c = lax.axis_index("c")
    s = lax.axis_index("s")
    wid = s * NC + c

    ls = pltpu.async_copy(ei_hbm.at[0, wid], eidx.at[0], isem)
    row0 = s * ROWS_PER_SUB
    lg = pltpu.async_copy(g_hbm.at[pl.ds(row0, ROWS_PER_SUB)],
                          g_s.at[pl.ds(row0, ROWS_PER_SUB)], gsem)

    def fill_zero(i, carry):
        zv[i, :] = jnp.zeros((16,), jnp.float32)
        return carry

    lax.fori_loop(0, ROWS_PER_SUB, fill_zero, 0)
    pltpu.sync_copy(zv, acc_s.at[pl.ds(s * ROWS_PER_SUB, ROWS_PER_SUB)])
    ls.wait()
    pltpu.sync_copy(ei_hbm.at[1, wid], eidx.at[1])
    lg.wait()
    plsc.subcore_barrier()

    def batch(j, carry):
        gds, sds = [], []
        for b in range(NBUF):
            gds.append(pltpu.async_copy(
                g_s.at[eidx.at[0, j * NBUF + b]], rows[b], sems[b]))
        for b in range(NBUF):
            gds[b].wait()
            sds.append(pltpu.async_copy(
                rows[b], acc_s.at[eidx.at[1, j * NBUF + b]], ssems[b],
                add=True))
        for b in range(NBUF):
            sds[b].wait()
        return carry

    lax.fori_loop(0, STEPS // NBUF, batch, 0)
    plsc.subcore_barrier()
    pltpu.sync_copy(acc_s.at[pl.ds(s * ROWS_PER_SUB, ROWS_PER_SUB)],
                    out_hbm.at[c, pl.ds(s * ROWS_PER_SUB, ROWS_PER_SUB)])



def _tc_pre_body(x_ref, w1_ref, degp_ref, g_ref, dinv_ref):
    deg = degp_ref[0, :N, :] + degp_ref[1, :N, :] + 1.0
    dinv = lax.rsqrt(deg)
    dinv_ref[...] = dinv
    g_ref[:N, :] = jnp.dot(x_ref[...], w1_ref[...],
                           preferred_element_type=jnp.float32) * dinv
    g_ref[N:, :] = jnp.zeros((NPAD - N, F), jnp.float32)


def _tc_mid_body(accp_ref, g_ref, dinv_ref, b1_ref, w2p_ref, p_ref):
    acc = accp_ref[0, :N, :] + accp_ref[1, :N, :]
    dinv = dinv_ref[...]
    h = jnp.maximum(dinv * (acc + g_ref[:N, :]) + b1_ref[...], 0.0)
    p_ref[:N, :] = jnp.dot(h, w2p_ref[...],
                           preferred_element_type=jnp.float32) * dinv
    p_ref[N:, :] = jnp.zeros((NPAD - N, F), jnp.float32)


def _tc_head_body(accp_ref, p_ref, dinv_ref, b2_ref, cht_ref, c1w_ref,
                  c1b_ref, c2w_ref, c2b_ref, mlpw_ref, mlpb_ref, gam_ref,
                  bet_ref, out_ref):
    acc = accp_ref[0, :N, :] + accp_ref[1, :N, :]
    dinv = dinv_ref[...]
    z0 = (dinv * (acc + p_ref[:N, :]))[:, :C] + b2_ref[...]
    m = jnp.max(z0, axis=1, keepdims=True)
    lse = m + jnp.log(jnp.sum(jnp.exp(z0 - m), axis=1, keepdims=True))
    h0 = z0 - lse
    w0 = jnp.exp(cht_ref[:, 0:1] * STD)
    w1 = jnp.exp(cht_ref[:, 1:2] * STD)
    w2 = jnp.exp(cht_ref[:, 2:3] * STD)
    o0 = w0 * h0
    o1 = w1 * (jnp.dot(o0, c1w_ref[...],
                       preferred_element_type=jnp.float32) + c1b_ref[...])
    o01 = jnp.concatenate([o0, o1], axis=1)
    o2 = w2 * (jnp.dot(o01, c2w_ref[...],
                       preferred_element_type=jnp.float32) + c2b_ref[...])
    zc = jnp.concatenate([o01, o2], axis=1)
    z = jnp.dot(zc, mlpw_ref[...],
                preferred_element_type=jnp.float32) + mlpb_ref[...]
    mu = jnp.mean(z, axis=0, keepdims=True)
    var = jnp.mean((z - mu) ** 2, axis=0, keepdims=True)
    zn = (z - mu) * lax.rsqrt(var + 1e-5) * gam_ref[...] + bet_ref[...]
    m2 = jnp.max(zn, axis=1, keepdims=True)
    lse2 = m2 + jnp.log(jnp.sum(jnp.exp(zn - m2), axis=1, keepdims=True))
    out_ref[...] = zn - lse2


_tc_pre = pl.pallas_call(
    _tc_pre_body,
    out_shape=[jax.ShapeDtypeStruct((NPAD, H), jnp.float32),
               jax.ShapeDtypeStruct((N, 1), jnp.float32)],
)

_tc_mid = pl.pallas_call(
    _tc_mid_body,
    out_shape=jax.ShapeDtypeStruct((NPAD, F), jnp.float32),
)

_tc_head = pl.pallas_call(
    _tc_head_body,
    out_shape=jax.ShapeDtypeStruct((N, C), jnp.float32),
)


def kernel(x0, x1, x2, edge_index0, edge_index1, edge_index2, conv1_w,
           conv1_b, conv2_w, conv2_b, child1_w, child1_b, child2_w,
           child2_b, mlp_w, mlp_b, bn_gamma, bn_beta, ch_logw):
    ei = edge_index0.astype(jnp.int32).reshape(2, NW, EPW)
    padv = N + jnp.arange(EPWP - EPW, dtype=jnp.int32) % (NPAD - N)
    padv = jnp.broadcast_to(padv, (2, NW, EPWP - EPW))
    ei = jnp.concatenate([ei, padv], axis=2).reshape(2, NW, STEPS, K)

    degp = _deg_kernel(ei)
    g1, dinv = _tc_pre(x0, conv1_w, degp.reshape(NC, NPAD, 1))
    acc1p = _segsum_kernel(g1, ei)
    w2p = jnp.pad(conv2_w, ((0, 0), (0, F - C)))
    p = _tc_mid(acc1p, g1, dinv, conv1_b.reshape(1, H), w2p)
    acc2p = _segsum_kernel(p, ei)
    cht = ch_logw.reshape(CH, N).T
    out = _tc_head(acc2p, p, dinv, conv2_b.reshape(1, C), cht, child1_w,
                   child1_b.reshape(1, C), child2_w, child2_b.reshape(1, C),
                   mlp_w, mlp_b.reshape(1, C), bn_gamma.reshape(1, C),
                   bn_beta.reshape(1, C))
    return out

# --- scband reference (transcript-rebuilt; emitter-appended) ---
"""Pipeline reference for scband-gcn-ancestor-sequential-84817014161572 (READ-ONLY COPY).

The authoritative reference and input builder live on the scoring server;
editing this copy changes nothing except your own understanding.
"""

import jax, jax.numpy as jnp
import numpy as np

N, E, F_IN, H, C, CH = 10000, 320000, 128, 16, 10, 3

def _gcn_conv(x, edge_index, W, b):
    n = x.shape[0]
    loop = jnp.arange(n, dtype=edge_index.dtype)
    src = jnp.concatenate([edge_index[0], loop])
    dst = jnp.concatenate([edge_index[1], loop])
    deg = jnp.zeros((n,), dtype=x.dtype).at[dst].add(1.0)
    dinv = jax.lax.rsqrt(deg)
    norm = dinv[src] * dinv[dst]
    h = x @ W
    out = jnp.zeros((n, W.shape[1]), dtype=x.dtype).at[dst].add(h[src] * norm[:, None])
    return out + b

def _log_softmax(z):
    return z - jax.scipy.special.logsumexp(z, axis=1, keepdims=True)

def setup_inputs(seed: int = 0):
    key = jax.random.key(seed)
    ks = jax.random.split(key, 24)
    inp = {}
    for i in range(CH):
        inp['x%d' % i] = jax.random.normal(ks[i], (N, F_IN), dtype=jnp.float32)
        inp['edge_index%d' % i] = jax.random.randint(ks[3 + i], (2, E), 0, N)
    inp['conv1_w'] = jax.random.normal(ks[6], (F_IN, H), dtype=jnp.float32) / np.sqrt(F_IN).astype(np.float32)
    inp['conv1_b'] = jnp.zeros((H,), jnp.float32)
    inp['conv2_w'] = jax.random.normal(ks[7], (H, C), dtype=jnp.float32) / np.sqrt(H).astype(np.float32)
    inp['conv2_b'] = jnp.zeros((C,), jnp.float32)
    inp['child1_w'] = jax.random.normal(ks[8], (C, C), dtype=jnp.float32) / np.sqrt(C).astype(np.float32)
    inp['child1_b'] = jnp.zeros((C,), jnp.float32)
    inp['child2_w'] = jax.random.normal(ks[9], (2 * C, C), dtype=jnp.float32) / np.sqrt(2 * C).astype(np.float32)
    inp['child2_b'] = jnp.zeros((C,), jnp.float32)
    inp['mlp_w'] = jax.random.normal(ks[10], (CH * C, C), dtype=jnp.float32) / np.sqrt(CH * C).astype(np.float32)
    inp['mlp_b'] = jnp.zeros((C,), jnp.float32)
    inp['bn_gamma'] = jnp.ones((C,), jnp.float32)
    inp['bn_beta'] = jnp.zeros((C,), jnp.float32)
    inp['ch_logw'] = jax.random.normal(ks[11], (CH, N, 1), dtype=jnp.float32)
    return inp

def reference(x0, x1, x2, edge_index0, edge_index1, edge_index2, conv1_w, conv1_b, conv2_w, conv2_b, child1_w, child1_b, child2_w, child2_b, mlp_w, mlp_b, bn_gamma, bn_beta, ch_logw):
    xs = [x0, x1, x2]
    eis = [edge_index0, edge_index1, edge_index2]
    childs = [None, (child1_w, child1_b), (child2_w, child2_b)]
    std = float(np.sqrt(2.0 / (N + 1)))  # xavier_normal_ std for a (N,1) weight
    outputs = []
    for i in range(CH):
        h = _gcn_conv(xs[i], eis[i], conv1_w, conv1_b)
        h = jax.nn.relu(h)
        # F.dropout is identity in eval mode
        h = _gcn_conv(h, eis[i], conv2_w, conv2_b)
        h = _log_softmax(h)
        if i > 0:
            # original code overwrites x with concat of previous channel outputs
            cw, cb = childs[i]
            h = jnp.concatenate(outputs, axis=1) @ cw + cb
        wch = jnp.exp(ch_logw[i] * std)
        outputs.append(wch * h)
    z = jnp.concatenate(outputs, axis=1) @ mlp_w + mlp_b
    mu = z.mean(axis=0)
    var = z.var(axis=0)
    z = (z - mu) / jnp.sqrt(var + 1e-5) * bn_gamma + bn_beta
    return _log_softmax(z)

if __name__ == "__main__":
    import jax
    _d = setup_inputs()
    print(jax.jit(kernel)(*tuple(_d.values())))

</pallas_src>

<mosaic_0001>
#map = affine_map<(d0, d1) -> (0, 0, 0, 0)>
#map1 = affine_map<(d0, d1) -> (0, 0)>
module attributes {stable_mosaic.version = 14 : i64} {
  func.func @_deg_kernel(%arg0: i32, %arg1: i32, %arg2: memref<2x32x80x128xi32, #tpu.memory_space<hbm>>, %arg3: memref<2x10240xf32, #tpu.memory_space<hbm>>, %arg4: memref<80x128xi32, #tpu.memory_space<vmem>>, %arg5: memref<128xf32, #tpu.memory_space<vmem>>, %arg6: memref<640xf32, #tpu.memory_space<vmem>>, %arg7: memref<10240xf32, #tpu.memory_space<vmem_shared>>, %arg8: memref<!tpu.dma_semaphore, #tpu.memory_space<semaphore_mem>>, %arg9: memref<!tpu.dma_semaphore, #tpu.memory_space<semaphore_mem>>, %arg10: memref<!tpu.dma_semaphore, #tpu.memory_space<semaphore_mem>>, %arg11: memref<!tpu.dma_semaphore, #tpu.memory_space<semaphore_mem>>, %arg12: memref<!tpu.dma_semaphore, #tpu.memory_space<semaphore_mem>>, %arg13: memref<!tpu.dma_semaphore, #tpu.memory_space<semaphore_mem>>, %arg14: memref<!tpu.dma_semaphore, #tpu.memory_space<semaphore_mem>>, %arg15: memref<!tpu.dma_semaphore, #tpu.memory_space<semaphore_mem>>, %arg16: memref<!tpu.dma_semaphore, #tpu.memory_space<semaphore_mem>>) attributes {dimension_semantics = [#tpu.dimension_semantics<core_parallel>, #tpu.dimension_semantics<subcore_parallel>], iteration_bounds = array<i64: 2, 16>, scalar_prefetch = 0 : i64, scratch_operands = 13 : i64, tpu.core_type = #tpu.core_type<sc_vector_subcore>, window_params = [{transform_indices = #map}, {transform_indices = #map1}]} {
    %mul3A = arith.constant 2 : i32
    %mul3A_0 = arith.muli %arg1, %mul3A : i32
    %add3A = arith.addi %mul3A_0, %arg0 : i32
    %dma_start3A = arith.constant 1 : i32
    %dma_start3A_1 = arith.constant 0 : i32
    %dma_start3A_2 = arith.constant 0 : i32
    %dma_start3A_3 = tpu.memref_slice %arg2[%dma_start3A, %add3A, %dma_start3A_1, %dma_start3A_2] : memref<2x32x80x128xi32, #tpu.memory_space<hbm>> -> memref<1x1x80x128xi32, #tpu.memory_space<hbm>>
    %dma_start3A_4 = tpu.memref_squeeze %dma_start3A_3 : memref<1x1x80x128xi32, #tpu.memory_space<hbm>> -> memref<80x128xi32, #tpu.memory_space<hbm>>
    %dma_start3A_5 = arith.constant 0 : i32
    %dma_start3A_6 = arith.constant 0 : i32
    %dma_start3A_7 = tpu.memref_slice %arg2[%dma_start3A, %add3A, %dma_start3A_5, %dma_start3A_6] : memref<2x32x80x128xi32, #tpu.memory_space<hbm>> -> memref<1x1x80x128xi32, #tpu.memory_space<hbm>>
    %dma_start3A_8 = tpu.memref_squeeze %dma_start3A_7 : memref<1x1x80x128xi32, #tpu.memory_space<hbm>> -> memref<80x128xi32, #tpu.memory_space<hbm>>
    tpu.enqueue_dma source(%dma_start3A_8 : memref<80x128xi32, #tpu.memory_space<hbm>>) target(%arg4 : memref<80x128xi32, #tpu.memory_space<vmem>>) target_semaphore(%arg8 : memref<!tpu.dma_semaphore, #tpu.memory_space<semaphore_mem>>)
    %scan3A = arith.constant 0 : i32
    %scan3A_9 = arith.constant 0 : i32
    %scan3A_10 = arith.constant 8 : i32
    %scan3A_11 = arith.addi %scan3A_9, %scan3A_10 : i32
    %scan3A_12 = arith.constant 1 : i32
    scf.for %scan3A_41 = %scan3A_9 to %scan3A_11 step %scan3A_12  : i32 {
      %broadcast_in_dim3A = arith.constant 1.000000e+00 : f32
      %broadcast_in_dim3A_42 = vector.broadcast %broadcast_in_dim3A : f32 to vector<16xf32>
      %mul3A_43 = arith.constant 16 : i32
      %mul3A_44 = arith.muli %scan3A_41, %mul3A_43 : i32
      %swap3A = arith.index_cast %mul3A_44 : i32 to index
      %swap3A_45 = tpu.vector_load %arg5[%swap3A] {strides = array<i32>} : memref<128xf32, #tpu.memory_space<vmem>>, vector<16xf32>,
      %swap3A_46 = vector.shape_cast %swap3A_45 : vector<16xf32> to vector<16xf32>
      %swap3A_47 = vector.shape_cast %broadcast_in_dim3A_42 : vector<16xf32> to vector<16xf32>
      tpu.vector_store %arg5[%swap3A], %swap3A_47 {strides = array<i32>} : memref<128xf32, #tpu.memory_space<vmem>>, vector<16xf32>,
    }
    %scan3A_13 = arith.constant 8 : i32
    %scan3A_14 = arith.constant 0 : i32
    %scan3A_15 = arith.constant 0 : i32
    %scan3A_16 = arith.constant 40 : i32
    %scan3A_17 = arith.addi %scan3A_15, %scan3A_16 : i32
    %scan3A_18 = arith.constant 1 : i32
    scf.for %scan3A_41 = %scan3A_15 to %scan3A_17 step %scan3A_18  : i32 {
      %broadcast_in_dim3A = arith.constant 0.000000e+00 : f32
      %broadcast_in_dim3A_42 = vector.broadcast %broadcast_in_dim3A : f32 to vector<16xf32>
      %mul3A_43 = arith.constant 16 : i32
      %mul3A_44 = arith.muli %scan3A_41, %mul3A_43 : i32
      %swap3A = arith.index_cast %mul3A_44 : i32 to index
      %swap3A_45 = tpu.vector_load %arg6[%swap3A] {strides = array<i32>} : memref<640xf32, #tpu.memory_space<vmem>>, vector<16xf32>,
      %swap3A_46 = vector.shape_cast %swap3A_45 : vector<16xf32> to vector<16xf32>
      %swap3A_47 = vector.shape_cast %broadcast_in_dim3A_42 : vector<16xf32> to vector<16xf32>
      tpu.vector_store %arg6[%swap3A], %swap3A_47 {strides = array<i32>} : memref<640xf32, #tpu.memory_space<vmem>>, vector<16xf32>,
    }
    %scan3A_19 = arith.constant 40 : i32
    %mul3A_20 = arith.constant 640 : i32
    %mul3A_21 = arith.muli %arg1, %mul3A_20 : i32
    "tpu.region"() ({
      %run_scoped3A = tpu.sem_alloc : memref<!tpu.dma_semaphore, #tpu.memory_space<semaphore_mem>>
      %dma_start3A_41 = tpu.memref_slice %arg7[%mul3A_21] : memref<10240xf32, #tpu.memory_space<vmem_shared>> -> memref<640xf32, #tpu.memory_space<vmem_shared>>
      %dma_start3A_42 = tpu.memref_slice %arg7[%mul3A_21] : memref<10240xf32, #tpu.memory_space<vmem_shared>> -> memref<640xf32, #tpu.memory_space<vmem_shared>>
      tpu.enqueue_dma source(%arg6 : memref<640xf32, #tpu.memory_space<vmem>>) target(%dma_start3A_42 : memref<640xf32, #tpu.memory_space<vmem_shared>>) target_semaphore(%run_scoped3A : memref<!tpu.dma_semaphore, #tpu.memory_space<semaphore_mem>>)
      %dma_wait3A_43 = tpu.memref_slice %arg7[%mul3A_21] : memref<10240xf32, #tpu.memory_space<vmem_shared>> -> memref<640xf32, #tpu.memory_space<vmem_shared>>
      %dma_wait3A_44 = tpu.memref_slice %arg7[%mul3A_21] : memref<10240xf32, #tpu.memory_space<vmem_shared>> -> memref<640xf32, #tpu.memory_space<vmem_shared>>
      tpu.wait_dma2 semaphore(%run_scoped3A : memref<!tpu.dma_semaphore, #tpu.memory_space<semaphore_mem>>) src(%arg6 : memref<640xf32, #tpu.memory_space<vmem>>) dst(%dma_wait3A_44 : memref<640xf32, #tpu.memory_space<vmem_shared>>)
      tpu.yield
    }) : () -> ()
    %dma_wait3A = arith.constant 1 : i32
    %dma_wait3A_22 = arith.constant 0 : i32
    %dma_wait3A_23 = arith.constant 0 : i32
    %dma_wait3A_24 = tpu.memref_slice %arg2[%dma_wait3A, %add3A, %dma_wait3A_22, %dma_wait3A_23] : memref<2x32x80x128xi32, #tpu.memory_space<hbm>> -> memref<1x1x80x128xi32, #tpu.memory_space<hbm>>
    %dma_wait3A_25 = tpu.memref_squeeze %dma_wait3A_24 : memref<1x1x80x128xi32, #tpu.memory_space<hbm>> -> memref<80x128xi32, #tpu.memory_space<hbm>>
    %dma_wait3A_26 = arith.constant 0 : i32
    %dma_wait3A_27 = arith.constant 0 : i32
    %dma_wait3A_28 = tpu.memref_slice %arg2[%dma_wait3A, %add3A, %dma_wait3A_26, %dma_wait3A_27] : memref<2x32x80x128xi32, #tpu.memory_space<hbm>> -> memref<1x1x80x128xi32, #tpu.memory_space<hbm>>
    %dma_wait3A_29 = tpu.memref_squeeze %dma_wait3A_28 : memref<1x1x80x128xi32, #tpu.memory_space<hbm>> -> memref<80x128xi32, #tpu.memory_space<hbm>>
    tpu.wait_dma2 semaphore(%arg8 : memref<!tpu.dma_semaphore, #tpu.memory_space<semaphore_mem>>) src(%dma_wait3A_29 : memref<80x128xi32, #tpu.memory_space<hbm>>) dst(%arg4 : memref<80x128xi32, #tpu.memory_space<vmem>>)
    %barrier3A = arith.constant 0 : index
    tpu.barrier barrier_id(%barrier3A)
    %scan3A_30 = arith.constant 0 : i32
    %scan3A_31 = arith.constant 0 : i32
    %scan3A_32 = arith.constant 10 : i32
    %scan3A_33 = arith.addi %scan3A_31, %scan3A_32 : i32
    %scan3A_34 = arith.constant 1 : i32
    scf.for %scan3A_41 = %scan3A_31 to %scan3A_33 step %scan3A_34  : i32 {
      %mul3A_42 = arith.constant 8 : i32
      %mul3A_43 = arith.muli %scan3A_41, %mul3A_42 : i32
      %add3A_44 = arith.constant 0 : i32
      %add3A_45 = arith.addi %mul3A_43, %add3A_44 : i32
      %dma_start3A_46 = arith.constant 0 : i32
      %dma_start3A_47 = tpu.memref_slice %arg4[%add3A_45, %dma_start3A_46] : memref<80x128xi32, #tpu.memory_space<vmem>> -> memref<1x128xi32, #tpu.memory_space<vmem>>
      %dma_start3A_48 = tpu.memref_squeeze %dma_start3A_47 : memref<1x128xi32, #tpu.memory_space<vmem>> -> memref<128xi32, #tpu.memory_space<vmem>>
      %dma_start3A_49 = arith.constant 0 : i32
      %dma_start3A_50 = tpu.memref_slice %arg7[%dma_start3A_49] : memref<10240xf32, #tpu.memory_space<vmem_shared>> -> memref<10240xf32, #tpu.memory_space<vmem_shared>>
      tpu.enqueue_indirect_dma source(%arg5 : memref<128xf32, #tpu.memory_space<vmem>>) target(%dma_start3A_50 : memref<10240xf32, #tpu.memory_space<vmem_shared>>) offsets(%dma_start3A_48 : memref<128xi32, #tpu.memory_space<vmem>>) semaphore(%arg9 : memref<!tpu.dma_semaphore, #tpu.memory_space<semaphore_mem>>) {add = true}
      %mul3A_51 = arith.constant 8 : i32
      %mul3A_52 = arith.muli %scan3A_41, %mul3A_51 : i32
      %add3A_53 = arith.constant 1 : i32
      %add3A_54 = arith.addi %mul3A_52, %add3A_53 : i32
      %dma_start3A_55 = arith.constant 0 : i32
      %dma_start3A_56 = tpu.memref_slice %arg4[%add3A_54, %dma_start3A_55] : memref<80x128xi32, #tpu.memory_space<vmem>> -> memref<1x128xi32, #tpu.memory_space<vmem>>
      %dma_start3A_57 = tpu.memref_squeeze %dma_start3A_56 : memref<1x128xi32, #tpu.memory_space<vmem>> -> memref<128xi32, #tpu.memory_space<vmem>>
      %dma_start3A_58 = arith.constant 0 : i32
      %dma_start3A_59 = tpu.memref_slice %arg7[%dma_start3A_58] : memref<10240xf32, #tpu.memory_space<vmem_shared>> -> memref<10240xf32, #tpu.memory_space<vmem_shared>>
      tpu.enqueue_indirect_dma source(%arg5 : memref<128xf32, #tpu.memory_space<vmem>>) target(%dma_start3A_59 : memref<10240xf32, #tpu.memory_space<vmem_shared>>) offsets(%dma_start3A_57 : memref<128xi32, #tpu.memory_space<vmem>>) semaphore(%arg10 : memref<!tpu.dma_semaphore, #tpu.memory_space<semaphore_mem>>) {add = true}
      %mul3A_60 = arith.constant 8 : i32
      %mul3A_61 = arith.muli %scan3A_41, %mul3A_60 : i32
      %add3A_62 = arith.constant 2 : i32
      %add3A_63 = arith.addi %mul3A_61, %add3A_62 : i32
      %dma_start3A_64 = arith.constant 0 : i32
      %dma_start3A_65 = tpu.memref_slice %arg4[%add3A_63, %dma_start3A_64] : memref<80x128xi32, #tpu.memory_space<vmem>> -> memref<1x128xi32, #tpu.memory_space<vmem>>
      %dma_start3A_66 = tpu.memref_squeeze %dma_start3A_65 : memref<1x128xi32, #tpu.memory_space<vmem>> -> memref<128xi32, #tpu.memory_space<vmem>>
      %dma_start3A_67 = arith.constant 0 : i32
      %dma_start3A_68 = tpu.memref_slice %arg7[%dma_start3A_67] : memref<10240xf32, #tpu.memory_space<vmem_shared>> -> memref<10240xf32, #tpu.memory_space<vmem_shared>>
      tpu.enqueue_indirect_dma source(%arg5 : memref<128xf32, #tpu.memory_space<vmem>>) target(%dma_start3A_68 : memref<10240xf32, #tpu.memory_space<vmem_shared>>) offsets(%dma_start3A_66 : memref<128xi32, #tpu.memory_space<vmem>>) semaphore(%arg11 : memref<!tpu.dma_semaphore, #tpu.memory_space<semaphore_mem>>) {add = true}
      %mul3A_69 = arith.constant 8 : i32
      %mul3A_70 = arith.muli %scan3A_41, %mul3A_69 : i32
      %add3A_71 = arith.constant 3 : i32
      %add3A_72 = arith.addi %mul3A_70, %add3A_71 : i32
      %dma_start3A_73 = arith.constant 0 : i32
      %dma_start3A_74 = tpu.memref_slice %arg4[%add3A_72, %dma_start3A_73] : memref<80x128xi32, #tpu.memory_space<vmem>> -> memref<1x128xi32, #tpu.memory_space<vmem>>
      %dma_start3A_75 = tpu.memref_squeeze %dma_start3A_74 : memref<1x128xi32, #tpu.memory_space<vmem>> -> memref<128xi32, #tpu.memory_space<vmem>>
      %dma_start3A_76 = arith.constant 0 : i32
      %dma_start3A_77 = tpu.memref_slice %arg7[%dma_start3A_76] : memref<10240xf32, #tpu.memory_space<vmem_shared>> -> memref<10240xf32, #tpu.memory_space<vmem_shared>>
      tpu.enqueue_indirect_dma source(%arg5 : memref<128xf32, #tpu.memory_space<vmem>>) target(%dma_start3A_77 : memref<10240xf32, #tpu.memory_space<vmem_shared>>) offsets(%dma_start3A_75 : memref<128xi32, #tpu.memory_space<vmem>>) semaphore(%arg12 : memref<!tpu.dma_semaphore, #tpu.memory_space<semaphore_mem>>) {add = true}
      %mul3A_78 = arith.constant 8 : i32
      %mul3A_79 = arith.muli %scan3A_41, %mul3A_78 : i32
      %add3A_80 = arith.constant 4 : i32
      %add3A_81 = arith.addi %mul3A_79, %add3A_80 : i32
      %dma_start3A_82 = arith.constant 0 : i32
      %dma_start3A_83 = tpu.memref_slice %arg4[%add3A_81, %dma_start3A_82] : memref<80x128xi32, #tpu.memory_space<vmem>> -> memref<1x128xi32, #tpu.memory_space<vmem>>
      %dma_start3A_84 = tpu.memref_squeeze %dma_start3A_83 : memref<1x128xi32, #tpu.memory_space<vmem>> -> memref<128xi32, #tpu.memory_space<vmem>>
      %dma_start3A_85 = arith.constant 0 : i32
      %dma_start3A_86 = tpu.memref_slice %arg7[%dma_start3A_85] : memref<10240xf32, #tpu.memory_space<vmem_shared>> -> memref<10240xf32, #tpu.memory_space<vmem_shared>>
      tpu.enqueue_indirect_dma source(%arg5 : memref<128xf32, #tpu.memory_space<vmem>>) target(%dma_start3A_86 : memref<10240xf32, #tpu.memory_space<vmem_shared>>) offsets(%dma_start3A_84 : memref<128xi32, #tpu.memory_space<vmem>>) semaphore(%arg13 : memref<!tpu.dma_semaphore, #tpu.memory_space<semaphore_mem>>) {add = true}
      %mul3A_87 = arith.constant 8 : i32
      %mul3A_88 = arith.muli %scan3A_41, %mul3A_87 : i32
      %add3A_89 = arith.constant 5 : i32
      %add3A_90 = arith.addi %mul3A_88, %add3A_89 : i32
      %dma_start3A_91 = arith.constant 0 : i32
      %dma_start3A_92 = tpu.memref_slice %arg4[%add3A_90, %dma_start3A_91] : memref<80x128xi32, #tpu.memory_space<vmem>> -> memref<1x128xi32, #tpu.memory_space<vmem>>
      %dma_start3A_93 = tpu.memref_squeeze %dma_start3A_92 : memref<1x128xi32, #tpu.memory_space<vmem>> -> memref<128xi32, #tpu.memory_space<vmem>>
      %dma_start3A_94 = arith.constant 0 : i32
      %dma_start3A_95 = tpu.memref_slice %arg7[%dma_start3A_94] : memref<10240xf32, #tpu.memory_space<vmem_shared>> -> memref<10240xf32, #tpu.memory_space<vmem_shared>>
      tpu.enqueue_indirect_dma source(%arg5 : memref<128xf32, #tpu.memory_space<vmem>>) target(%dma_start3A_95 : memref<10240xf32, #tpu.memory_space<vmem_shared>>) offsets(%dma_start3A_93 : memref<128xi32, #tpu.memory_space<vmem>>) semaphore(%arg14 : memref<!tpu.dma_semaphore, #tpu.memory_space<semaphore_mem>>) {add = true}
      %mul3A_96 = arith.constant 8 : i32
      %mul3A_97 = arith.muli %scan3A_41, %mul3A_96 : i32
      %add3A_98 = arith.constant 6 : i32
      %add3A_99 = arith.addi %mul3A_97, %add3A_98 : i32
      %dma_start3A_100 = arith.constant 0 : i32
      %dma_start3A_101 = tpu.memref_slice %arg4[%add3A_99, %dma_start3A_100] : memref<80x128xi32, #tpu.memory_space<vmem>> -> memref<1x128xi32, #tpu.memory_space<vmem>>
      %dma_start3A_102 = tpu.memref_squeeze %dma_start3A_101 : memref<1x128xi32, #tpu.memory_space<vmem>> -> memref<128xi32, #tpu.memory_space<vmem>>
      %dma_start3A_103 = arith.constant 0 : i32
      %dma_start3A_104 = tpu.memref_slice %arg7[%dma_start3A_103] : memref<10240xf32, #tpu.memory_space<vmem_shared>> -> memref<10240xf32, #tpu.memory_space<vmem_shared>>
      tpu.enqueue_indirect_dma source(%arg5 : memref<128xf32, #tpu.memory_space<vmem>>) target(%dma_start3A_104 : memref<10240xf32, #tpu.memory_space<vmem_shared>>) offsets(%dma_start3A_102 : memref<128xi32, #tpu.memory_space<vmem>>) semaphore(%arg15 : memref<!tpu.dma_semaphore, #tpu.memory_space<semaphore_mem>>) {add = true}
      %mul3A_105 = arith.constant 8 : i32
      %mul3A_106 = arith.muli %scan3A_41, %mul3A_105 : i32
      %add3A_107 = arith.constant 7 : i32
      %add3A_108 = arith.addi %mul3A_106, %add3A_107 : i32
      %dma_start3A_109 = arith.constant 0 : i32
      %dma_start3A_110 = tpu.memref_slice %arg4[%add3A_108, %dma_start3A_109] : memref<80x128xi32, #tpu.memory_space<vmem>> -> memref<1x128xi32, #tpu.memory_space<vmem>>
      %dma_start3A_111 = tpu.memref_squeeze %dma_start3A_110 : memref<1x128xi32, #tpu.memory_space<vmem>> -> memref<128xi32, #tpu.memory_space<vmem>>
      %dma_start3A_112 = arith.constant 0 : i32
      %dma_start3A_113 = tpu.memref_slice %arg7[%dma_start3A_112] : memref<10240xf32, #tpu.memory_space<vmem_shared>> -> memref<10240xf32, #tpu.memory_space<vmem_shared>>
      tpu.enqueue_indirect_dma source(%arg5 : memref<128xf32, #tpu.memory_space<vmem>>) target(%dma_start3A_113 : memref<10240xf32, #tpu.memory_space<vmem_shared>>) offsets(%dma_start3A_111 : memref<128xi32, #tpu.memory_space<vmem>>) semaphore(%arg16 : memref<!tpu.dma_semaphore, #tpu.memory_space<semaphore_mem>>) {add = true}
      %dma_wait3A_114 = arith.constant 0 : i32
      %dma_wait3A_115 = tpu.memref_slice %arg4[%add3A_45, %dma_wait3A_114] : memref<80x128xi32, #tpu.memory_space<vmem>> -> memref<1x128xi32, #tpu.memory_space<vmem>>
      %dma_wait3A_116 = tpu.memref_squeeze %dma_wait3A_115 : memref<1x128xi32, #tpu.memory_space<vmem>> -> memref<128xi32, #tpu.memory_space<vmem>>
      %dma_wait3A_117 = arith.constant 0 : i32
      %dma_wait3A_118 = tpu.memref_slice %arg7[%dma_wait3A_117] : memref<10240xf32, #tpu.memory_space<vmem_shared>> -> memref<10240xf32, #tpu.memory_space<vmem_shared>>
      tpu.wait_indirect_dma semaphore(%arg9 : memref<!tpu.dma_semaphore, #tpu.memory_space<semaphore_mem>>) src(%arg5 : memref<128xf32, #tpu.memory_space<vmem>>) dst(%dma_wait3A_118 : memref<10240xf32, #tpu.memory_space<vmem_shared>>)
      %dma_wait3A_119 = arith.constant 0 : i32
      %dma_wait3A_120 = tpu.memref_slice %arg4[%add3A_54, %dma_wait3A_119] : memref<80x128xi32, #tpu.memory_space<vmem>> -> memref<1x128xi32, #tpu.memory_space<vmem>>
      %dma_wait3A_121 = tpu.memref_squeeze %dma_wait3A_120 : memref<1x128xi32, #tpu.memory_space<vmem>> -> memref<128xi32, #tpu.memory_space<vmem>>
      %dma_wait3A_122 = arith.constant 0 : i32
      %dma_wait3A_123 = tpu.memref_slice %arg7[%dma_wait3A_122] : memref<10240xf32, #tpu.memory_space<vmem_shared>> -> memref<10240xf32, #tpu.memory_space<vmem_shared>>
      tpu.wait_indirect_dma semaphore(%arg10 : memref<!tpu.dma_semaphore, #tpu.memory_space<semaphore_mem>>) src(%arg5 : memref<128xf32, #tpu.memory_space<vmem>>) dst(%dma_wait3A_123 : memref<10240xf32, #tpu.memory_space<vmem_shared>>)
      %dma_wait3A_124 = arith.constant 0 : i32
      %dma_wait3A_125 = tpu.memref_slice %arg4[%add3A_63, %dma_wait3A_124] : memref<80x128xi32, #tpu.memory_space<vmem>> -> memref<1x128xi32, #tpu.memory_space<vmem>>
      %dma_wait3A_126 = tpu.memref_squeeze %dma_wait3A_125 : memref<1x128xi32, #tpu.memory_space<vmem>> -> memref<128xi32, #tpu.memory_space<vmem>>
      %dma_wait3A_127 = arith.constant 0 : i32
      %dma_wait3A_128 = tpu.memref_slice %arg7[%dma_wait3A_127] : memref<10240xf32, #tpu.memory_space<vmem_shared>> -> memref<10240xf32, #tpu.memory_space<vmem_shared>>
      tpu.wait_indirect_dma semaphore(%arg11 : memref<!tpu.dma_semaphore, #tpu.memory_space<semaphore_mem>>) src(%arg5 : memref<128xf32, #tpu.memory_space<vmem>>) dst(%dma_wait3A_128 : memref<10240xf32, #tpu.memory_space<vmem_shared>>)
      %dma_wait3A_129 = arith.constant 0 : i32
      %dma_wait3A_130 = tpu.memref_slice %arg4[%add3A_72, %dma_wait3A_129] : memref<80x128xi32, #tpu.memory_space<vmem>> -> memref<1x128xi32, #tpu.memory_space<vmem>>
      %dma_wait3A_131 = tpu.memref_squeeze %dma_wait3A_130 : memref<1x128xi32, #tpu.memory_space<vmem>> -> memref<128xi32, #tpu.memory_space<vmem>>
      %dma_wait3A_132 = arith.constant 0 : i32
      %dma_wait3A_133 = tpu.memref_slice %arg7[%dma_wait3A_132] : memref<10240xf32, #tpu.memory_space<vmem_shared>> -> memref<10240xf32, #tpu.memory_space<vmem_shared>>
      tpu.wait_indirect_dma semaphore(%arg12 : memref<!tpu.dma_semaphore, #tpu.memory_space<semaphore_mem>>) src(%arg5 : memref<128xf32, #tpu.memory_space<vmem>>) dst(%dma_wait3A_133 : memref<10240xf32, #tpu.memory_space<vmem_shared>>)
      %dma_wait3A_134 = arith.constant 0 : i32
      %dma_wait3A_135 = tpu.memref_slice %arg4[%add3A_81, %dma_wait3A_134] : memref<80x128xi32, #tpu.memory_space<vmem>> -> memref<1x128xi32, #tpu.memory_space<vmem>>
      %dma_wait3A_136 = tpu.memref_squeeze %dma_wait3A_135 : memref<1x128xi32, #tpu.memory_space<vmem>> -> memref<128xi32, #tpu.memory_space<vmem>>
      %dma_wait3A_137 = arith.constant 0 : i32
      %dma_wait3A_138 = tpu.memref_slice %arg7[%dma_wait3A_137] : memref<10240xf32, #tpu.memory_space<vmem_shared>> -> memref<10240xf32, #tpu.memory_space<vmem_shared>>
      tpu.wait_indirect_dma semaphore(%arg13 : memref<!tpu.dma_semaphore, #tpu.memory_space<semaphore_mem>>) src(%arg5 : memref<128xf32, #tpu.memory_space<vmem>>) dst(%dma_wait3A_138 : memref<10240xf32, #tpu.memory_space<vmem_shared>>)
      %dma_wait3A_139 = arith.constant 0 : i32
      %dma_wait3A_140 = tpu.memref_slice %arg4[%add3A_90, %dma_wait3A_139] : memref<80x128xi32, #tpu.memory_space<vmem>> -> memref<1x128xi32, #tpu.memory_space<vmem>>
      %dma_wait3A_141 = tpu.memref_squeeze %dma_wait3A_140 : memref<1x128xi32, #tpu.memory_space<vmem>> -> memref<128xi32, #tpu.memory_space<vmem>>
      %dma_wait3A_142 = arith.constant 0 : i32
      %dma_wait3A_143 = tpu.memref_slice %arg7[%dma_wait3A_142] : memref<10240xf32, #tpu.memory_space<vmem_shared>> -> memref<10240xf32, #tpu.memory_space<vmem_shared>>
      tpu.wait_indirect_dma semaphore(%arg14 : memref<!tpu.dma_semaphore, #tpu.memory_space<semaphore_mem>>) src(%arg5 : memref<128xf32, #tpu.memory_space<vmem>>) dst(%dma_wait3A_143 : memref<10240xf32, #tpu.memory_space<vmem_shared>>)
      %dma_wait3A_144 = arith.constant 0 : i32
      %dma_wait3A_145 = tpu.memref_slice %arg4[%add3A_99, %dma_wait3A_144] : memref<80x128xi32, #tpu.memory_space<vmem>> -> memref<1x128xi32, #tpu.memory_space<vmem>>
      %dma_wait3A_146 = tpu.memref_squeeze %dma_wait3A_145 : memref<1x128xi32, #tpu.memory_space<vmem>> -> memref<128xi32, #tpu.memory_space<vmem>>
      %dma_wait3A_147 = arith.constant 0 : i32
      %dma_wait3A_148 = tpu.memref_slice %arg7[%dma_wait3A_147] : memref<10240xf32, #tpu.memory_space<vmem_shared>> -> memref<10240xf32, #tpu.memory_space<vmem_shared>>
      tpu.wait_indirect_dma semaphore(%arg15 : memref<!tpu.dma_semaphore, #tpu.memory_space<semaphore_mem>>) src(%arg5 : memref<128xf32, #tpu.memory_space<vmem>>) dst(%dma_wait3A_148 : memref<10240xf32, #tpu.memory_space<vmem_shared>>)
      %dma_wait3A_149 = arith.constant 0 : i32
      %dma_wait3A_150 = tpu.memref_slice %arg4[%add3A_108, %dma_wait3A_149] : memref<80x128xi32, #tpu.memory_space<vmem>> -> memref<1x128xi32, #tpu.memory_space<vmem>>
      %dma_wait3A_151 = tpu.memref_squeeze %dma_wait3A_150 : memref<1x128xi32, #tpu.memory_space<vmem>> -> memref<128xi32, #tpu.memory_space<vmem>>
      %dma_wait3A_152 = arith.constant 0 : i32
      %dma_wait3A_153 = tpu.memref_slice %arg7[%dma_wait3A_152] : memref<10240xf32, #tpu.memory_space<vmem_shared>> -> memref<10240xf32, #tpu.memory_space<vmem_shared>>
      tpu.wait_indirect_dma semaphore(%arg16 : memref<!tpu.dma_semaphore, #tpu.memory_space<semaphore_mem>>) src(%arg5 : memref<128xf32, #tpu.memory_space<vmem>>) dst(%dma_wait3A_153 : memref<10240xf32, #tpu.memory_space<vmem_shared>>)
    }
    %scan3A_35 = arith.constant 10 : i32
    %barrier3A_36 = arith.constant 0 : index
    tpu.barrier barrier_id(%barrier3A_36)
    %mul3A_37 = arith.constant 640 : i32
    %mul3A_38 = arith.muli %arg1, %mul3A_37 : i32
    %mul3A_39 = arith.constant 640 : i32
    %mul3A_40 = arith.muli %arg1, %mul3A_39 : i32
    "tpu.region"() ({
      %run_scoped3A = tpu.sem_alloc : memref<!tpu.dma_semaphore, #tpu.memory_space<semaphore_mem>>
      %dma_start3A_41 = tpu.memref_slice %arg3[%arg0, %mul3A_40] : memref<2x10240xf32, #tpu.memory_space<hbm>> -> memref<1x640xf32, #tpu.memory_space<hbm>>
      %dma_start3A_42 = tpu.memref_squeeze %dma_start3A_41 : memref<1x640xf32, #tpu.memory_space<hbm>> -> memref<640xf32, #tpu.memory_space<hbm>>
      %dma_start3A_43 = tpu.memref_slice %arg7[%mul3A_38] : memref<10240xf32, #tpu.memory_space<vmem_shared>> -> memref<640xf32, #tpu.memory_space<vmem_shared>>
      tpu.enqueue_dma source(%dma_start3A_43 : memref<640xf32, #tpu.memory_space<vmem_shared>>) target(%dma_start3A_42 : memref<640xf32, #tpu.memory_space<hbm>>) target_semaphore(%run_scoped3A : memref<!tpu.dma_semaphore, #tpu.memory_space<semaphore_mem>>)
      %dma_wait3A_44 = tpu.memref_slice %arg3[%arg0, %mul3A_40] : memref<2x10240xf32, #tpu.memory_space<hbm>> -> memref<1x640xf32, #tpu.memory_space<hbm>>
      %dma_wait3A_45 = tpu.memref_squeeze %dma_wait3A_44 : memref<1x640xf32, #tpu.memory_space<hbm>> -> memref<640xf32, #tpu.memory_space<hbm>>
      %dma_wait3A_46 = tpu.memref_slice %arg7[%mul3A_38] : memref<10240xf32, #tpu.memory_space<vmem_shared>> -> memref<640xf32, #tpu.memory_space<vmem_shared>>
      tpu.wait_dma2 semaphore(%run_scoped3A : memref<!tpu.dma_semaphore, #tpu.memory_space<semaphore_mem>>) src(%dma_wait3A_46 : memref<640xf32, #tpu.memory_space<vmem_shared>>) dst(%dma_wait3A_45 : memref<640xf32, #tpu.memory_space<hbm>>)
      tpu.yield
    }) : () -> ()
    return
  }
}

#map = affine_map<(d0, d1) -> (0, 0)>
#map1 = affine_map<(d0, d1) -> (0, 0, 0, 0)>
#map2 = affine_map<(d0, d1) -> (0, 0, 0)>
module attributes {stable_mosaic.version = 14 : i64} {
  func.func @_segsum_kernel(%arg0: i32, %arg1: i32, %arg2: memref<10240x16xf32, #tpu.memory_space<hbm>>, %arg3: memref<2x32x80x128xi32, #tpu.memory_space<hbm>>, %arg4: memref<2x10240x16xf32, #tpu.memory_space<hbm>>, %arg5: memref<2x80x128xi32, #tpu.memory_space<vmem>>, %arg6: memref<128x16xf32, #tpu.memory_space<vmem>>, %arg7: memref<128x16xf32, #tpu.memory_space<vmem>>, %arg8: memref<128x16xf32, #tpu.memory_space<vmem>>, %arg9: memref<128x16xf32, #tpu.memory_space<vmem>>, %arg10: memref<128x16xf32, #tpu.memory_space<vmem>>, %arg11: memref<128x16xf32, #tpu.memory_space<vmem>>, %arg12: memref<128x16xf32, #tpu.memory_space<vmem>>, %arg13: memref<128x16xf32, #tpu.memory_space<vmem>>, %arg14: memref<640x16xf32, #tpu.memory_space<vmem>>, %arg15: memref<10240x16xf32, #tpu.memory_space<vmem_shared>>, %arg16: memref<10240x16xf32, #tpu.memory_space<vmem_shared>>, %arg17: memref<!tpu.dma_semaphore, #tpu.memory_space<semaphore_mem>>, %arg18: memref<!tpu.dma_semaphore, #tpu.memory_space<semaphore_mem>>, %arg19: memref<!tpu.dma_semaphore, #tpu.memory_space<semaphore_mem>>, %arg20: memref<!tpu.dma_semaphore, #tpu.memory_space<semaphore_mem>>, %arg21: memref<!tpu.dma_semaphore, #tpu.memory_space<semaphore_mem>>, %arg22: memref<!tpu.dma_semaphore, #tpu.memory_space<semaphore_mem>>, %arg23: memref<!tpu.dma_semaphore, #tpu.memory_space<semaphore_mem>>, %arg24: memref<!tpu.dma_semaphore, #tpu.memory_space<semaphore_mem>>, %arg25: memref<!tpu.dma_semaphore, #tpu.memory_space<semaphore_mem>>, %arg26: memref<!tpu.dma_semaphore, #tpu.memory_space<semaphore_mem>>, %arg27: memref<!tpu.dma_semaphore, #tpu.memory_space<semaphore_mem>>, %arg28: memref<!tpu.dma_semaphore, #tpu.memory_space<semaphore_mem>>, %arg29: memref<!tpu.dma_semaphore, #tpu.memory_space<semaphore_mem>>, %arg30: memref<!tpu.dma_semaphore, #tpu.memory_space<semaphore_mem>>, %arg31: memref<!tpu.dma_semaphore, #tpu.memory_space<semaphore_mem>>, %arg32: memref<!tpu.dma_semaphore, #tpu.memory_space<semaphore_mem>>, %arg33: memref<!tpu.dma_semaphore, #tpu.memory_space<semaphore_mem>>, %arg34: memref<!tpu.dma_semaphore, #tpu.memory_space<semaphore_mem>>) attributes {dimension_semantics = [#tpu.dimension_semantics<core_parallel>, #tpu.dimension_semantics<subcore_parallel>], iteration_bounds = array<i64: 2, 16>, scalar_prefetch = 0 : i64, scratch_operands = 30 : i64, tpu.core_type = #tpu.core_type<sc_vector_subcore>, window_params = [{transform_indices = #map}, {transform_indices = #map1}, {transform_indices = #map2}]} {
    %mul3A = arith.constant 2 : i32
    %mul3A_0 = arith.muli %arg1, %mul3A : i32
    %add3A = arith.addi %mul3A_0, %arg0 : i32
    %dma_start3A = arith.constant 0 : i32
    %dma_start3A_1 = arith.constant 0 : i32
    %dma_start3A_2 = arith.constant 0 : i32
    %dma_start3A_3 = arith.constant 0 : i32
    %dma_start3A_4 = tpu.memref_slice %arg5[%dma_start3A_1, %dma_start3A_2, %dma_start3A_3] : memref<2x80x128xi32, #tpu.memory_space<vmem>> -> memref<1x80x128xi32, #tpu.memory_space<vmem>>
    %dma_start3A_5 = tpu.memref_squeeze %dma_start3A_4 : memref<1x80x128xi32, #tpu.memory_space<vmem>> -> memref<80x128xi32, #tpu.memory_space<vmem>>
    %dma_start3A_6 = arith.constant 0 : i32
    %dma_start3A_7 = arith.constant 0 : i32
    %dma_start3A_8 = tpu.memref_slice %arg3[%dma_start3A, %add3A, %dma_start3A_6, %dma_start3A_7] : memref<2x32x80x128xi32, #tpu.memory_space<hbm>> -> memref<1x1x80x128xi32, #tpu.memory_space<hbm>>
    %dma_start3A_9 = tpu.memref_squeeze %dma_start3A_8 : memref<1x1x80x128xi32, #tpu.memory_space<hbm>> -> memref<80x128xi32, #tpu.memory_space<hbm>>
    %dma_start3A_10 = arith.constant 0 : i32
    %dma_start3A_11 = arith.constant 0 : i32
    %dma_start3A_12 = tpu.memref_slice %arg5[%dma_start3A_1, %dma_start3A_10, %dma_start3A_11] : memref<2x80x128xi32, #tpu.memory_space<vmem>> -> memref<1x80x128xi32, #tpu.memory_space<vmem>>
    %dma_start3A_13 = tpu.memref_squeeze %dma_start3A_12 : memref<1x80x128xi32, #tpu.memory_space<vmem>> -> memref<80x128xi32, #tpu.memory_space<vmem>>
    %dma_start3A_14 = arith.constant 0 : i32
    %dma_start3A_15 = arith.constant 0 : i32
    %dma_start3A_16 = tpu.memref_slice %arg3[%dma_start3A, %add3A, %dma_start3A_14, %dma_start3A_15] : memref<2x32x80x128xi32, #tpu.memory_space<hbm>> -> memref<1x1x80x128xi32, #tpu.memory_space<hbm>>
    %dma_start3A_17 = tpu.memref_squeeze %dma_start3A_16 : memref<1x1x80x128xi32, #tpu.memory_space<hbm>> -> memref<80x128xi32, #tpu.memory_space<hbm>>
    tpu.enqueue_dma source(%dma_start3A_17 : memref<80x128xi32, #tpu.memory_space<hbm>>) target(%dma_start3A_13 : memref<80x128xi32, #tpu.memory_space<vmem>>) target_semaphore(%arg33 : memref<!tpu.dma_semaphore, #tpu.memory_space<semaphore_mem>>)
    %mul3A_18 = arith.constant 640 : i32
    %mul3A_19 = arith.muli %arg1, %mul3A_18 : i32
    %dma_start3A_20 = arith.constant 0 : i32
    %dma_start3A_21 = tpu.memref_slice %arg16[%mul3A_19, %dma_start3A_20] : memref<10240x16xf32, #tpu.memory_space<vmem_shared>> -> memref<640x16xf32, #tpu.memory_space<vmem_shared>>
    %dma_start3A_22 = arith.constant 0 : i32
    %dma_start3A_23 = tpu.memref_slice %arg2[%mul3A_19, %dma_start3A_22] : memref<10240x16xf32, #tpu.memory_space<hbm>> -> memref<640x16xf32, #tpu.memory_space<hbm>>
    tpu.enqueue_dma source(%dma_start3A_23 : memref<640x16xf32, #tpu.memory_space<hbm>>) target(%dma_start3A_21 : memref<640x16xf32, #tpu.memory_space<vmem_shared>>) target_semaphore(%arg34 : memref<!tpu.dma_semaphore, #tpu.memory_space<semaphore_mem>>)
    %scan3A = arith.constant 0 : i32
    %scan3A_24 = arith.constant 0 : i32
    %scan3A_25 = arith.constant 640 : i32
    %scan3A_26 = arith.addi %scan3A_24, %scan3A_25 : i32
    %scan3A_27 = arith.constant 1 : i32
    scf.for %scan3A_64 = %scan3A_24 to %scan3A_26 step %scan3A_27  : i32 {
      %broadcast_in_dim3A = arith.constant 0.000000e+00 : f32
      %broadcast_in_dim3A_65 = vector.broadcast %broadcast_in_dim3A : f32 to vector<16xf32>
      %swap3A = arith.index_cast %scan3A_64 : i32 to index
      %swap3A_66 = arith.constant 0 : index
      %swap3A_67 = tpu.vector_load %arg14[%swap3A, %swap3A_66] {strides = array<i32>} : memref<640x16xf32, #tpu.memory_space<vmem>>, vector<1x16xf32>,
      %swap3A_68 = vector.shape_cast %swap3A_67 : vector<1x16xf32> to vector<16xf32>
      %swap3A_69 = vector.shape_cast %broadcast_in_dim3A_65 : vector<16xf32> to vector<1x16xf32>
      tpu.vector_store %arg14[%swap3A, %swap3A_66], %swap3A_69 {strides = array<i32>} : memref<640x16xf32, #tpu.memory_space<vmem>>, vector<1x16xf32>,
    }
    %scan3A_28 = arith.constant 640 : i32
    %mul3A_29 = arith.constant 640 : i32
    %mul3A_30 = arith.muli %arg1, %mul3A_29 : i32
    "tpu.region"() ({
      %run_scoped3A_64 = tpu.sem_alloc : memref<!tpu.dma_semaphore, #tpu.memory_space<semaphore_mem>>
      %dma_start3A_65 = arith.constant 0 : i32
      %dma_start3A_66 = tpu.memref_slice %arg15[%mul3A_30, %dma_start3A_65] : memref<10240x16xf32, #tpu.memory_space<vmem_shared>> -> memref<640x16xf32, #tpu.memory_space<vmem_shared>>
      %dma_start3A_67 = arith.constant 0 : i32
      %dma_start3A_68 = tpu.memref_slice %arg15[%mul3A_30, %dma_start3A_67] : memref<10240x16xf32, #tpu.memory_space<vmem_shared>> -> memref<640x16xf32, #tpu.memory_space<vmem_shared>>
      tpu.enqueue_dma source(%arg14 : memref<640x16xf32, #tpu.memory_space<vmem>>) target(%dma_start3A_68 : memref<640x16xf32, #tpu.memory_space<vmem_shared>>) target_semaphore(%run_scoped3A_64 : memref<!tpu.dma_semaphore, #tpu.memory_space<semaphore_mem>>)
      %dma_wait3A_69 = arith.constant 0 : i32
      %dma_wait3A_70 = tpu.memref_slice %arg15[%mul3A_30, %dma_wait3A_69] : memref<10240x16xf32, #tpu.memory_space<vmem_shared>> -> memref<640x16xf32, #tpu.memory_space<vmem_shared>>
      %dma_wait3A_71 = arith.constant 0 : i32
      %dma_wait3A_72 = tpu.memref_slice %arg15[%mul3A_30, %dma_wait3A_71] : memref<10240x16xf32, #tpu.memory_space<vmem_shared>> -> memref<640x16xf32, #tpu.memory_space<vmem_shared>>
      tpu.wait_dma2 semaphore(%run_scoped3A_64 : memref<!tpu.dma_semaphore, #tpu.memory_space<semaphore_mem>>) src(%arg14 : memref<640x16xf32, #tpu.memory_space<vmem>>) dst(%dma_wait3A_72 : memref<640x16xf32, #tpu.memory_space<vmem_shared>>)
      tpu.yield
    }) : () -> ()
    %dma_wait3A = arith.constant 0 : i32
    %dma_wait3A_31 = arith.constant 0 : i32
    %dma_wait3A_32 = arith.constant 0 : i32
    %dma_wait3A_33 = arith.constant 0 : i32
    %dma_wait3A_34 = tpu.memref_slice %arg5[%dma_wait3A_31, %dma_wait3A_32, %dma_wait3A_33] : memref<2x80x128xi32, #tpu.memory_space<vmem>> -> memref<1x80x128xi32, #tpu.memory_space<vmem>>
    %dma_wait3A_35 = tpu.memref_squeeze %dma_wait3A_34 : memref<1x80x128xi32, #tpu.memory_space<vmem>> -> memref<80x128xi32, #tpu.memory_space<vmem>>
    %dma_wait3A_36 = arith.constant 0 : i32
    %dma_wait3A_37 = arith.constant 0 : i32
    %dma_wait3A_38 = tpu.memref_slice %arg3[%dma_wait3A, %add3A, %dma_wait3A_36, %dma_wait3A_37] : memref<2x32x80x128xi32, #tpu.memory_space<hbm>> -> memref<1x1x80x128xi32, #tpu.memory_space<hbm>>
    %dma_wait3A_39 = tpu.memref_squeeze %dma_wait3A_38 : memref<1x1x80x128xi32, #tpu.memory_space<hbm>> -> memref<80x128xi32, #tpu.memory_space<hbm>>
    %dma_wait3A_40 = arith.constant 0 : i32
    %dma_wait3A_41 = arith.constant 0 : i32
    %dma_wait3A_42 = tpu.memref_slice %arg5[%dma_wait3A_31, %dma_wait3A_40, %dma_wait3A_41] : memref<2x80x128xi32, #tpu.memory_space<vmem>> -> memref<1x80x128xi32, #tpu.memory_space<vmem>>
    %dma_wait3A_43 = tpu.memref_squeeze %dma_wait3A_42 : memref<1x80x128xi32, #tpu.memory_space<vmem>> -> memref<80x128xi32, #tpu.memory_space<vmem>>
    %dma_wait3A_44 = arith.constant 0 : i32
    %dma_wait3A_45 = arith.constant 0 : i32
    %dma_wait3A_46 = tpu.memref_slice %arg3[%dma_wait3A, %add3A, %dma_wait3A_44, %dma_wait3A_45] : memref<2x32x80x128xi32, #tpu.memory_space<hbm>> -> memref<1x1x80x128xi32, #tpu.memory_space<hbm>>
    %dma_wait3A_47 = tpu.memref_squeeze %dma_wait3A_46 : memref<1x1x80x128xi32, #tpu.memory_space<hbm>> -> memref<80x128xi32, #tpu.memory_space<hbm>>
    tpu.wait_dma2 semaphore(%arg33 : memref<!tpu.dma_semaphore, #tpu.memory_space<semaphore_mem>>) src(%dma_wait3A_47 : memref<80x128xi32, #tpu.memory_space<hbm>>) dst(%dma_wait3A_43 : memref<80x128xi32, #tpu.memory_space<vmem>>)
    %run_scoped3A = arith.constant 1 : i32
    %run_scoped3A_48 = arith.constant 1 : i32
    "tpu.region"() ({
      %run_scoped3A_64 = tpu.sem_alloc : memref<!tpu.dma_semaphore, #tpu.memory_space<semaphore_mem>>
      %dma_start3A_65 = arith.constant 0 : i32
      %dma_start3A_66 = arith.constant 0 : i32
      %dma_start3A_67 = tpu.memref_slice %arg5[%run_scoped3A_48, %dma_start3A_65, %dma_start3A_66] : memref<2x80x128xi32, #tpu.memory_space<vmem>> -> memref<1x80x128xi32, #tpu.memory_space<vmem>>
      %dma_start3A_68 = tpu.memref_squeeze %dma_start3A_67 : memref<1x80x128xi32, #tpu.memory_space<vmem>> -> memref<80x128xi32, #tpu.memory_space<vmem>>
      %dma_start3A_69 = arith.constant 0 : i32
      %dma_start3A_70 = arith.constant 0 : i32
      %dma_start3A_71 = tpu.memref_slice %arg3[%run_scoped3A, %add3A, %dma_start3A_69, %dma_start3A_70] : memref<2x32x80x128xi32, #tpu.memory_space<hbm>> -> memref<1x1x80x128xi32, #tpu.memory_space<hbm>>
      %dma_start3A_72 = tpu.memref_squeeze %dma_start3A_71 : memref<1x1x80x128xi32, #tpu.memory_space<hbm>> -> memref<80x128xi32, #tpu.memory_space<hbm>>
      %dma_start3A_73 = arith.constant 0 : i32
      %dma_start3A_74 = arith.constant 0 : i32
      %dma_start3A_75 = tpu.memref_slice %arg5[%run_scoped3A_48, %dma_start3A_73, %dma_start3A_74] : memref<2x80x128xi32, #tpu.memory_space<vmem>> -> memref<1x80x128xi32, #tpu.memory_space<vmem>>
      %dma_start3A_76 = tpu.memref_squeeze %dma_start3A_75 : memref<1x80x128xi32, #tpu.memory_space<vmem>> -> memref<80x128xi32, #tpu.memory_space<vmem>>
      %dma_start3A_77 = arith.constant 0 : i32
      %dma_start3A_78 = arith.constant 0 : i32
      %dma_start3A_79 = tpu.memref_slice %arg3[%run_scoped3A, %add3A, %dma_start3A_77, %dma_start3A_78] : memref<2x32x80x128xi32, #tpu.memory_space<hbm>> -> memref<1x1x80x128xi32, #tpu.memory_space<hbm>>
      %dma_start3A_80 = tpu.memref_squeeze %dma_start3A_79 : memref<1x1x80x128xi32, #tpu.memory_space<hbm>> -> memref<80x128xi32, #tpu.memory_space<hbm>>
      tpu.enqueue_dma source(%dma_start3A_80 : memref<80x128xi32, #tpu.memory_space<hbm>>) target(%dma_start3A_76 : memref<80x128xi32, #tpu.memory_space<vmem>>) target_semaphore(%run_scoped3A_64 : memref<!tpu.dma_semaphore, #tpu.memory_space<semaphore_mem>>)
      %dma_wait3A_81 = arith.constant 0 : i32
      %dma_wait3A_82 = arith.constant 0 : i32
      %dma_wait3A_83 = tpu.memref_slice %arg5[%run_scoped3A_48, %dma_wait3A_81, %dma_wait3A_82] : memref<2x80x128xi32, #tpu.memory_space<vmem>> -> memref<1x80x128xi32, #tpu.memory_space<vmem>>
      %dma_wait3A_84 = tpu.memref_squeeze %dma_wait3A_83 : memref<1x80x128xi32, #tpu.memory_space<vmem>> -> memref<80x128xi32, #tpu.memory_space<vmem>>
      %dma_wait3A_85 = arith.constant 0 : i32
      %dma_wait3A_86 = arith.constant 0 : i32
      %dma_wait3A_87 = tpu.memref_slice %arg3[%run_scoped3A, %add3A, %dma_wait3A_85, %dma_wait3A_86] : memref<2x32x80x128xi32, #tpu.memory_space<hbm>> -> memref<1x1x80x128xi32, #tpu.memory_space<hbm>>
      %dma_wait3A_88 = tpu.memref_squeeze %dma_wait3A_87 : memref<1x1x80x128xi32, #tpu.memory_space<hbm>> -> memref<80x128xi32, #tpu.memory_space<hbm>>
      %dma_wait3A_89 = arith.constant 0 : i32
      %dma_wait3A_90 = arith.constant 0 : i32
      %dma_wait3A_91 = tpu.memref_slice %arg5[%run_scoped3A_48, %dma_wait3A_89, %dma_wait3A_90] : memref<2x80x128xi32, #tpu.memory_space<vmem>> -> memref<1x80x128xi32, #tpu.memory_space<vmem>>
      %dma_wait3A_92 = tpu.memref_squeeze %dma_wait3A_91 : memref<1x80x128xi32, #tpu.memory_space<vmem>> -> memref<80x128xi32, #tpu.memory_space<vmem>>
      %dma_wait3A_93 = arith.constant 0 : i32
      %dma_wait3A_94 = arith.constant 0 : i32
      %dma_wait3A_95 = tpu.memref_slice %arg3[%run_scoped3A, %add3A, %dma_wait3A_93, %dma_wait3A_94] : memref<2x32x80x128xi32, #tpu.memory_space<hbm>> -> memref<1x1x80x128xi32, #tpu.memory_space<hbm>>
      %dma_wait3A_96 = tpu.memref_squeeze %dma_wait3A_95 : memref<1x1x80x128xi32, #tpu.memory_space<hbm>> -> memref<80x128xi32, #tpu.memory_space<hbm>>
      tpu.wait_dma2 semaphore(%run_scoped3A_64 : memref<!tpu.dma_semaphore, #tpu.memory_space<semaphore_mem>>) src(%dma_wait3A_96 : memref<80x128xi32, #tpu.memory_space<hbm>>) dst(%dma_wait3A_92 : memref<80x128xi32, #tpu.memory_space<vmem>>)
      tpu.yield
    }) : () -> ()
    %dma_wait3A_49 = arith.constant 0 : i32
    %dma_wait3A_50 = tpu.memref_slice %arg16[%mul3A_19, %dma_wait3A_49] : memref<10240x16xf32, #tpu.memory_space<vmem_shared>> -> memref<640x16xf32, #tpu.memory_space<vmem_shared>>
    %dma_wait3A_51 = arith.constant 0 : i32
    %dma_wait3A_52 = tpu.memref_slice %arg2[%mul3A_19, %dma_wait3A_51] : memref<10240x16xf32, #tpu.memory_space<hbm>> -> memref<640x16xf32, #tpu.memory_space<hbm>>
    tpu.wait_dma2 semaphore(%arg34 : memref<!tpu.dma_semaphore, #tpu.memory_space<semaphore_mem>>) src(%dma_wait3A_52 : memref<640x16xf32, #tpu.memory_space<hbm>>) dst(%dma_wait3A_50 : memref<640x16xf32, #tpu.memory_space<vmem_shared>>)
    %barrier3A = arith.constant 0 : index
    tpu.barrier barrier_id(%barrier3A)
    %scan3A_53 = arith.constant 0 : i32
    %scan3A_54 = arith.constant 0 : i32
    %scan3A_55 = arith.constant 10 : i32
    %scan3A_56 = arith.addi %scan3A_54, %scan3A_55 : i32
    %scan3A_57 = arith.constant 1 : i32
    scf.for %scan3A_64 = %scan3A_54 to %scan3A_56 step %scan3A_57  : i32 {
      %mul3A_65 = arith.constant 8 : i32
      %mul3A_66 = arith.muli %scan3A_64, %mul3A_65 : i32
      %add3A_67 = arith.constant 0 : i32
      %add3A_68 = arith.addi %mul3A_66, %add3A_67 : i32
      %dma_start3A_69 = arith.constant 0 : i32
      %dma_start3A_70 = arith.constant 0 : i32
      %dma_start3A_71 = tpu.memref_slice %arg5[%dma_start3A_69, %add3A_68, %dma_start3A_70] : memref<2x80x128xi32, #tpu.memory_space<vmem>> -> memref<1x1x128xi32, #tpu.memory_space<vmem>>
      %dma_start3A_72 = tpu.memref_squeeze %dma_start3A_71 : memref<1x1x128xi32, #tpu.memory_space<vmem>> -> memref<128xi32, #tpu.memory_space<vmem>>
      %dma_start3A_73 = arith.constant 0 : i32
      %dma_start3A_74 = arith.constant 0 : i32
      %dma_start3A_75 = tpu.memref_slice %arg16[%dma_start3A_73, %dma_start3A_74] : memref<10240x16xf32, #tpu.memory_space<vmem_shared>> -> memref<10240x16xf32, #tpu.memory_space<vmem_shared>>
      tpu.enqueue_indirect_dma source(%dma_start3A_75 : memref<10240x16xf32, #tpu.memory_space<vmem_shared>>) target(%arg6 : memref<128x16xf32, #tpu.memory_space<vmem>>) offsets(%dma_start3A_72 : memref<128xi32, #tpu.memory_space<vmem>>) semaphore(%arg17 : memref<!tpu.dma_semaphore, #tpu.memory_space<semaphore_mem>>)
      %mul3A_76 = arith.constant 8 : i32
      %mul3A_77 = arith.muli %scan3A_64, %mul3A_76 : i32
      %add3A_78 = arith.constant 1 : i32
      %add3A_79 = arith.addi %mul3A_77, %add3A_78 : i32
      %dma_start3A_80 = arith.constant 0 : i32
      %dma_start3A_81 = arith.constant 0 : i32
      %dma_start3A_82 = tpu.memref_slice %arg5[%dma_start3A_80, %add3A_79, %dma_start3A_81] : memref<2x80x128xi32, #tpu.memory_space<vmem>> -> memref<1x1x128xi32, #tpu.memory_space<vmem>>
      %dma_start3A_83 = tpu.memref_squeeze %dma_start3A_82 : memref<1x1x128xi32, #tpu.memory_space<vmem>> -> memref<128xi32, #tpu.memory_space<vmem>>
      %dma_start3A_84 = arith.constant 0 : i32
      %dma_start3A_85 = arith.constant 0 : i32
      %dma_start3A_86 = tpu.memref_slice %arg16[%dma_start3A_84, %dma_start3A_85] : memref<10240x16xf32, #tpu.memory_space<vmem_shared>> -> memref<10240x16xf32, #tpu.memory_space<vmem_shared>>
      tpu.enqueue_indirect_dma source(%dma_start3A_86 : memref<10240x16xf32, #tpu.memory_space<vmem_shared>>) target(%arg7 : memref<128x16xf32, #tpu.memory_space<vmem>>) offsets(%dma_start3A_83 : memref<128xi32, #tpu.memory_space<vmem>>) semaphore(%arg18 : memref<!tpu.dma_semaphore, #tpu.memory_space<semaphore_mem>>)
      %mul3A_87 = arith.constant 8 : i32
      %mul3A_88 = arith.muli %scan3A_64, %mul3A_87 : i32
      %add3A_89 = arith.constant 2 : i32
      %add3A_90 = arith.addi %mul3A_88, %add3A_89 : i32
      %dma_start3A_91 = arith.constant 0 : i32
      %dma_start3A_92 = arith.constant 0 : i32
      %dma_start3A_93 = tpu.memref_slice %arg5[%dma_start3A_91, %add3A_90, %dma_start3A_92] : memref<2x80x128xi32, #tpu.memory_space<vmem>> -> memref<1x1x128xi32, #tpu.memory_space<vmem>>
      %dma_start3A_94 = tpu.memref_squeeze %dma_start3A_93 : memref<1x1x128xi32, #tpu.memory_space<vmem>> -> memref<128xi32, #tpu.memory_space<vmem>>
      %dma_start3A_95 = arith.constant 0 : i32
      %dma_start3A_96 = arith.constant 0 : i32
      %dma_start3A_97 = tpu.memref_slice %arg16[%dma_start3A_95, %dma_start3A_96] : memref<10240x16xf32, #tpu.memory_space<vmem_shared>> -> memref<10240x16xf32, #tpu.memory_space<vmem_shared>>
      tpu.enqueue_indirect_dma source(%dma_start3A_97 : memref<10240x16xf32, #tpu.memory_space<vmem_shared>>) target(%arg8 : memref<128x16xf32, #tpu.memory_space<vmem>>) offsets(%dma_start3A_94 : memref<128xi32, #tpu.memory_space<vmem>>) semaphore(%arg19 : memref<!tpu.dma_semaphore, #tpu.memory_space<semaphore_mem>>)
      %mul3A_98 = arith.constant 8 : i32
      %mul3A_99 = arith.muli %scan3A_64, %mul3A_98 : i32
      %add3A_100 = arith.constant 3 : i32
      %add3A_101 = arith.addi %mul3A_99, %add3A_100 : i32
      %dma_start3A_102 = arith.constant 0 : i32
      %dma_start3A_103 = arith.constant 0 : i32
      %dma_start3A_104 = tpu.memref_slice %arg5[%dma_start3A_102, %add3A_101, %dma_start3A_103] : memref<2x80x128xi32, #tpu.memory_space<vmem>> -> memref<1x1x128xi32, #tpu.memory_space<vmem>>
      %dma_start3A_105 = tpu.memref_squeeze %dma_start3A_104 : memref<1x1x128xi32, #tpu.memory_space<vmem>> -> memref<128xi32, #tpu.memory_space<vmem>>
      %dma_start3A_106 = arith.constant 0 : i32
      %dma_start3A_107 = arith.constant 0 : i32
      %dma_start3A_108 = tpu.memref_slice %arg16[%dma_start3A_106, %dma_start3A_107] : memref<10240x16xf32, #tpu.memory_space<vmem_shared>> -> memref<10240x16xf32, #tpu.memory_space<vmem_shared>>
      tpu.enqueue_indirect_dma source(%dma_start3A_108 : memref<10240x16xf32, #tpu.memory_space<vmem_shared>>) target(%arg9 : memref<128x16xf32, #tpu.memory_space<vmem>>) offsets(%dma_start3A_105 : memref<128xi32, #tpu.memory_space<vmem>>) semaphore(%arg20 : memref<!tpu.dma_semaphore, #tpu.memory_space<semaphore_mem>>)
      %mul3A_109 = arith.constant 8 : i32
      %mul3A_110 = arith.muli %scan3A_64, %mul3A_109 : i32
      %add3A_111 = arith.constant 4 : i32
      %add3A_112 = arith.addi %mul3A_110, %add3A_111 : i32
      %dma_start3A_113 = arith.constant 0 : i32
      %dma_start3A_114 = arith.constant 0 : i32
      %dma_start3A_115 = tpu.memref_slice %arg5[%dma_start3A_113, %add3A_112, %dma_start3A_114] : memref<2x80x128xi32, #tpu.memory_space<vmem>> -> memref<1x1x128xi32, #tpu.memory_space<vmem>>
      %dma_start3A_116 = tpu.memref_squeeze %dma_start3A_115 : memref<1x1x128xi32, #tpu.memory_space<vmem>> -> memref<128xi32, #tpu.memory_space<vmem>>
      %dma_start3A_117 = arith.constant 0 : i32
      %dma_start3A_118 = arith.constant 0 : i32
      %dma_start3A_119 = tpu.memref_slice %arg16[%dma_start3A_117, %dma_start3A_118] : memref<10240x16xf32, #tpu.memory_space<vmem_shared>> -> memref<10240x16xf32, #tpu.memory_space<vmem_shared>>
      tpu.enqueue_indirect_dma source(%dma_start3A_119 : memref<10240x16xf32, #tpu.memory_space<vmem_shared>>) target(%arg10 : memref<128x16xf32, #tpu.memory_space<vmem>>) offsets(%dma_start3A_116 : memref<128xi32, #tpu.memory_space<vmem>>) semaphore(%arg21 : memref<!tpu.dma_semaphore, #tpu.memory_space<semaphore_mem>>)
      %mul3A_120 = arith.constant 8 : i32
      %mul3A_121 = arith.muli %scan3A_64, %mul3A_120 : i32
      %add3A_122 = arith.constant 5 : i32
      %add3A_123 = arith.addi %mul3A_121, %add3A_122 : i32
      %dma_start3A_124 = arith.constant 0 : i32
      %dma_start3A_125 = arith.constant 0 : i32
      %dma_start3A_126 = tpu.memref_slice %arg5[%dma_start3A_124, %add3A_123, %dma_start3A_125] : memref<2x80x128xi32, #tpu.memory_space<vmem>> -> memref<1x1x128xi32, #tpu.memory_space<vmem>>
      %dma_start3A_127 = tpu.memref_squeeze %dma_start3A_126 : memref<1x1x128xi32, #tpu.memory_space<vmem>> -> memref<128xi32, #tpu.memory_space<vmem>>
      %dma_start3A_128 = arith.constant 0 : i32
      %dma_start3A_129 = arith.constant 0 : i32
      %dma_start3A_130 = tpu.memref_slice %arg16[%dma_start3A_128, %dma_start3A_129] : memref<10240x16xf32, #tpu.memory_space<vmem_shared>> -> memref<10240x16xf32, #tpu.memory_space<vmem_shared>>
      tpu.enqueue_indirect_dma source(%dma_start3A_130 : memref<10240x16xf32, #tpu.memory_space<vmem_shared>>) target(%arg11 : memref<128x16xf32, #tpu.memory_space<vmem>>) offsets(%dma_start3A_127 : memref<128xi32, #tpu.memory_space<vmem>>) semaphore(%arg22 : memref<!tpu.dma_semaphore, #tpu.memory_space<semaphore_mem>>)
      %mul3A_131 = arith.constant 8 : i32
      %mul3A_132 = arith.muli %scan3A_64, %mul3A_131 : i32
      %add3A_133 = arith.constant 6 : i32
      %add3A_134 = arith.addi %mul3A_132, %add3A_133 : i32
      %dma_start3A_135 = arith.constant 0 : i32
      %dma_start3A_136 = arith.constant 0 : i32
      %dma_start3A_137 = tpu.memref_slice %arg5[%dma_start3A_135, %add3A_134, %dma_start3A_136] : memref<2x80x128xi32, #tpu.memory_space<vmem>> -> memref<1x1x128xi32, #tpu.memory_space<vmem>>
      %dma_start3A_138 = tpu.memref_squeeze %dma_start3A_137 : memref<1x1x128xi32, #tpu.memory_space<vmem>> -> memref<128xi32, #tpu.memory_space<vmem>>
      %dma_start3A_139 = arith.constant 0 : i32
      %dma_start3A_140 = arith.constant 0 : i32
      %dma_start3A_141 = tpu.memref_slice %arg16[%dma_start3A_139, %dma_start3A_140] : memref<10240x16xf32, #tpu.memory_space<vmem_shared>> -> memref<10240x16xf32, #tpu.memory_space<vmem_shared>>
      tpu.enqueue_indirect_dma source(%dma_start3A_141 : memref<10240x16xf32, #tpu.memory_space<vmem_shared>>) target(%arg12 : memref<128x16xf32, #tpu.memory_space<vmem>>) offsets(%dma_start3A_138 : memref<128xi32, #tpu.memory_space<vmem>>) semaphore(%arg23 : memref<!tpu.dma_semaphore, #tpu.memory_space<semaphore_mem>>)
      %mul3A_142 = arith.constant 8 : i32
      %mul3A_143 = arith.muli %scan3A_64, %mul3A_142 : i32
      %add3A_144 = arith.constant 7 : i32
      %add3A_145 = arith.addi %mul3A_143, %add3A_144 : i32
      %dma_start3A_146 = arith.constant 0 : i32
      %dma_start3A_147 = arith.constant 0 : i32
      %dma_start3A_148 = tpu.memref_slice %arg5[%dma_start3A_146, %add3A_145, %dma_start3A_147] : memref<2x80x128xi32, #tpu.memory_space<vmem>> -> memref<1x1x128xi32, #tpu.memory_space<vmem>>
      %dma_start3A_149 = tpu.memref_squeeze %dma_start3A_148 : memref<1x1x128xi32, #tpu.memory_space<vmem>> -> memref<128xi32, #tpu.memory_space<vmem>>
      %dma_start3A_150 = arith.constant 0 : i32
      %dma_start3A_151 = arith.constant 0 : i32
      %dma_start3A_152 = tpu.memref_slice %arg16[%dma_start3A_150, %dma_start3A_151] : memref<10240x16xf32, #tpu.memory_space<vmem_shared>> -> memref<10240x16xf32, #tpu.memory_space<vmem_shared>>
      tpu.enqueue_indirect_dma source(%dma_start3A_152 : memref<10240x16xf32, #tpu.memory_space<vmem_shared>>) target(%arg13 : memref<128x16xf32, #tpu.memory_space<vmem>>) offsets(%dma_start3A_149 : memref<128xi32, #tpu.memory_space<vmem>>) semaphore(%arg24 : memref<!tpu.dma_semaphore, #tpu.memory_space<semaphore_mem>>)
      %dma_wait3A_153 = arith.constant 0 : i32
      %dma_wait3A_154 = arith.constant 0 : i32
      %dma_wait3A_155 = tpu.memref_slice %arg5[%dma_wait3A_153, %add3A_68, %dma_wait3A_154] : memref<2x80x128xi32, #tpu.memory_space<vmem>> -> memref<1x1x128xi32, #tpu.memory_space<vmem>>
      %dma_wait3A_156 = tpu.memref_squeeze %dma_wait3A_155 : memref<1x1x128xi32, #tpu.memory_space<vmem>> -> memref<128xi32, #tpu.memory_space<vmem>>
      %dma_wait3A_157 = arith.constant 0 : i32
      %dma_wait3A_158 = arith.constant 0 : i32
      %dma_wait3A_159 = tpu.memref_slice %arg16[%dma_wait3A_157, %dma_wait3A_158] : memref<10240x16xf32, #tpu.memory_space<vmem_shared>> -> memref<10240x16xf32, #tpu.memory_space<vmem_shared>>
      tpu.wait_indirect_dma semaphore(%arg17 : memref<!tpu.dma_semaphore, #tpu.memory_space<semaphore_mem>>) src(%dma_wait3A_159 : memref<10240x16xf32, #tpu.memory_space<vmem_shared>>) dst(%arg6 : memref<128x16xf32, #tpu.memory_space<vmem>>)
      %mul3A_160 = arith.constant 8 : i32
      %mul3A_161 = arith.muli %scan3A_64, %mul3A_160 : i32
      %add3A_162 = arith.constant 0 : i32
      %add3A_163 = arith.addi %mul3A_161, %add3A_162 : i32
      %dma_start3A_164 = arith.constant 1 : i32
      %dma_start3A_165 = arith.constant 0 : i32
      %dma_start3A_166 = tpu.memref_slice %arg5[%dma_start3A_164, %add3A_163, %dma_start3A_165] : memref<2x80x128xi32, #tpu.memory_space<vmem>> -> memref<1x1x128xi32, #tpu.memory_space<vmem>>
      %dma_start3A_167 = tpu.memref_squeeze %dma_start3A_166 : memref<1x1x128xi32, #tpu.memory_space<vmem>> -> memref<128xi32, #tpu.memory_space<vmem>>
      %dma_start3A_168 = arith.constant 0 : i32
      %dma_start3A_169 = arith.constant 0 : i32
      %dma_start3A_170 = tpu.memref_slice %arg15[%dma_start3A_168, %dma_start3A_169] : memref<10240x16xf32, #tpu.memory_space<vmem_shared>> -> memref<10240x16xf32, #tpu.memory_space<vmem_shared>>
      tpu.enqueue_indirect_dma source(%arg6 : memref<128x16xf32, #tpu.memory_space<vmem>>) target(%dma_start3A_170 : memref<10240x16xf32, #tpu.memory_space<vmem_shared>>) offsets(%dma_start3A_167 : memref<128xi32, #tpu.memory_space<vmem>>) semaphore(%arg25 : memref<!tpu.dma_semaphore, #tpu.memory_space<semaphore_mem>>) {add = true}
      %dma_wait3A_171 = arith.constant 0 : i32
      %dma_wait3A_172 = arith.constant 0 : i32
      %dma_wait3A_173 = tpu.memref_slice %arg5[%dma_wait3A_171, %add3A_79, %dma_wait3A_172] : memref<2x80x128xi32, #tpu.memory_space<vmem>> -> memref<1x1x128xi32, #tpu.memory_space<vmem>>
      %dma_wait3A_174 = tpu.memref_squeeze %dma_wait3A_173 : memref<1x1x128xi32, #tpu.memory_space<vmem>> -> memref<128xi32, #tpu.memory_space<vmem>>
      %dma_wait3A_175 = arith.constant 0 : i32
      %dma_wait3A_176 = arith.constant 0 : i32
      %dma_wait3A_177 = tpu.memref_slice %arg16[%dma_wait3A_175, %dma_wait3A_176] : memref<10240x16xf32, #tpu.memory_space<vmem_shared>> -> memref<10240x16xf32, #tpu.memory_space<vmem_shared>>
      tpu.wait_indirect_dma semaphore(%arg18 : memref<!tpu.dma_semaphore, #tpu.memory_space<semaphore_mem>>) src(%dma_wait3A_177 : memref<10240x16xf32, #tpu.memory_space<vmem_shared>>) dst(%arg7 : memref<128x16xf32, #tpu.memory_space<vmem>>)
      %mul3A_178 = arith.constant 8 : i32
      %mul3A_179 = arith.muli %scan3A_64, %mul3A_178 : i32
      %add3A_180 = arith.constant 1 : i32
      %add3A_181 = arith.addi %mul3A_179, %add3A_180 : i32
      %dma_start3A_182 = arith.constant 1 : i32
      %dma_start3A_183 = arith.constant 0 : i32
      %dma_start3A_184 = tpu.memref_slice %arg5[%dma_start3A_182, %add3A_181, %dma_start3A_183] : memref<2x80x128xi32, #tpu.memory_space<vmem>> -> memref<1x1x128xi32, #tpu.memory_space<vmem>>
      %dma_start3A_185 = tpu.memref_squeeze %dma_start3A_184 : memref<1x1x128xi32, #tpu.memory_space<vmem>> -> memref<128xi32, #tpu.memory_space<vmem>>
      %dma_start3A_186 = arith.constant 0 : i32
      %dma_start3A_187 = arith.constant 0 : i32
      %dma_start3A_188 = tpu.memref_slice %arg15[%dma_start3A_186, %dma_start3A_187] : memref<10240x16xf32, #tpu.memory_space<vmem_shared>> -> memref<10240x16xf32, #tpu.memory_space<vmem_shared>>
      tpu.enqueue_indirect_dma source(%arg7 : memref<128x16xf32, #tpu.memory_space<vmem>>) target(%dma_start3A_188 : memref<10240x16xf32, #tpu.memory_space<vmem_shared>>) offsets(%dma_start3A_185 : memref<128xi32, #tpu.memory_space<vmem>>) semaphore(%arg26 : memref<!tpu.dma_semaphore, #tpu.memory_space<semaphore_mem>>) {add = true}
      %dma_wait3A_189 = arith.constant 0 : i32
      %dma_wait3A_190 = arith.constant 0 : i32
      %dma_wait3A_191 = tpu.memref_slice %arg5[%dma_wait3A_189, %add3A_90, %dma_wait3A_190] : memref<2x80x128xi32, #tpu.memory_space<vmem>> -> memref<1x1x128xi32, #tpu.memory_space<vmem>>
      %dma_wait3A_192 = tpu.memref_squeeze %dma_wait3A_191 : memref<1x1x128xi32, #tpu.memory_space<vmem>> -> memref<128xi32, #tpu.memory_space<vmem>>
      %dma_wait3A_193 = arith.constant 0 : i32
      %dma_wait3A_194 = arith.constant 0 : i32
      %dma_wait3A_195 = tpu.memref_slice %arg16[%dma_wait3A_193, %dma_wait3A_194] : memref<10240x16xf32, #tpu.memory_space<vmem_shared>> -> memref<10240x16xf32, #tpu.memory_space<vmem_shared>>
      tpu.wait_indirect_dma semaphore(%arg19 : memref<!tpu.dma_semaphore, #tpu.memory_space<semaphore_mem>>) src(%dma_wait3A_195 : memref<10240x16xf32, #tpu.memory_space<vmem_shared>>) dst(%arg8 : memref<128x16xf32, #tpu.memory_space<vmem>>)
      %mul3A_196 = arith.constant 8 : i32
      %mul3A_197 = arith.muli %scan3A_64, %mul3A_196 : i32
      %add3A_198 = arith.constant 2 : i32
      %add3A_199 = arith.addi %mul3A_197, %add3A_198 : i32
      %dma_start3A_200 = arith.constant 1 : i32
      %dma_start3A_201 = arith.constant 0 : i32
      %dma_start3A_202 = tpu.memref_slice %arg5[%dma_start3A_200, %add3A_199, %dma_start3A_201] : memref<2x80x128xi32, #tpu.memory_space<vmem>> -> memref<1x1x128xi32, #tpu.memory_space<vmem>>
      %dma_start3A_203 = tpu.memref_squeeze %dma_start3A_202 : memref<1x1x128xi32, #tpu.memory_space<vmem>> -> memref<128xi32, #tpu.memory_space<vmem>>
      %dma_start3A_204 = arith.constant 0 : i32
      %dma_start3A_205 = arith.constant 0 : i32
      %dma_start3A_206 = tpu.memref_slice %arg15[%dma_start3A_204, %dma_start3A_205] : memref<10240x16xf32, #tpu.memory_space<vmem_shared>> -> memref<10240x16xf32, #tpu.memory_space<vmem_shared>>
      tpu.enqueue_indirect_dma source(%arg8 : memref<128x16xf32, #tpu.memory_space<vmem>>) target(%dma_start3A_206 : memref<10240x16xf32, #tpu.memory_space<vmem_shared>>) offsets(%dma_start3A_203 : memref<128xi32, #tpu.memory_space<vmem>>) semaphore(%arg27 : memref<!tpu.dma_semaphore, #tpu.memory_space<semaphore_mem>>) {add = true}
      %dma_wait3A_207 = arith.constant 0 : i32
      %dma_wait3A_208 = arith.constant 0 : i32
      %dma_wait3A_209 = tpu.memref_slice %arg5[%dma_wait3A_207, %add3A_101, %dma_wait3A_208] : memref<2x80x128xi32, #tpu.memory_space<vmem>> -> memref<1x1x128xi32, #tpu.memory_space<vmem>>
      %dma_wait3A_210 = tpu.memref_squeeze %dma_wait3A_209 : memref<1x1x128xi32, #tpu.memory_space<vmem>> -> memref<128xi32, #tpu.memory_space<vmem>>
      %dma_wait3A_211 = arith.constant 0 : i32
      %dma_wait3A_212 = arith.constant 0 : i32
      %dma_wait3A_213 = tpu.memref_slice %arg16[%dma_wait3A_211, %dma_wait3A_212] : memref<10240x16xf32, #tpu.memory_space<vmem_shared>> -> memref<10240x16xf32, #tpu.memory_space<vmem_shared>>
      tpu.wait_indirect_dma semaphore(%arg20 : memref<!tpu.dma_semaphore, #tpu.memory_space<semaphore_mem>>) src(%dma_wait3A_213 : memref<10240x16xf32, #tpu.memory_space<vmem_shared>>) dst(%arg9 : memref<128x16xf32, #tpu.memory_space<vmem>>)
      %mul3A_214 = arith.constant 8 : i32
      %mul3A_215 = arith.muli %scan3A_64, %mul3A_214 : i32
      %add3A_216 = arith.constant 3 : i32
      %add3A_217 = arith.addi %mul3A_215, %add3A_216 : i32
      %dma_start3A_218 = arith.constant 1 : i32
      %dma_start3A_219 = arith.constant 0 : i32
      %dma_start3A_220 = tpu.memref_slice %arg5[%dma_start3A_218, %add3A_217, %dma_start3A_219] : memref<2x80x128xi32, #tpu.memory_space<vmem>> -> memref<1x1x128xi32, #tpu.memory_space<vmem>>
      %dma_start3A_221 = tpu.memref_squeeze %dma_start3A_220 : memref<1x1x128xi32, #tpu.memory_space<vmem>> -> memref<128xi32, #tpu.memory_space<vmem>>
      %dma_start3A_222 = arith.constant 0 : i32
      %dma_start3A_223 = arith.constant 0 : i32
      %dma_start3A_224 = tpu.memref_slice %arg15[%dma_start3A_222, %dma_start3A_223] : memref<10240x16xf32, #tpu.memory_space<vmem_shared>> -> memref<10240x16xf32, #tpu.memory_space<vmem_shared>>
      tpu.enqueue_indirect_dma source(%arg9 : memref<128x16xf32, #tpu.memory_space<vmem>>) target(%dma_start3A_224 : memref<10240x16xf32, #tpu.memory_space<vmem_shared>>) offsets(%dma_start3A_221 : memref<128xi32, #tpu.memory_space<vmem>>) semaphore(%arg28 : memref<!tpu.dma_semaphore, #tpu.memory_space<semaphore_mem>>) {add = true}
      %dma_wait3A_225 = arith.constant 0 : i32
      %dma_wait3A_226 = arith.constant 0 : i32
      %dma_wait3A_227 = tpu.memref_slice %arg5[%dma_wait3A_225, %add3A_112, %dma_wait3A_226] : memref<2x80x128xi32, #tpu.memory_space<vmem>> -> memref<1x1x128xi32, #tpu.memory_space<vmem>>
      %dma_wait3A_228 = tpu.memref_squeeze %dma_wait3A_227 : memref<1x1x128xi32, #tpu.memory_space<vmem>> -> memref<128xi32, #tpu.memory_space<vmem>>
      %dma_wait3A_229 = arith.constant 0 : i32
      %dma_wait3A_230 = arith.constant 0 : i32
      %dma_wait3A_231 = tpu.memref_slice %arg16[%dma_wait3A_229, %dma_wait3A_230] : memref<10240x16xf32, #tpu.memory_space<vmem_shared>> -> memref<10240x16xf32, #tpu.memory_space<vmem_shared>>
      tpu.wait_indirect_dma semaphore(%arg21 : memref<!tpu.dma_semaphore, #tpu.memory_space<semaphore_mem>>) src(%dma_wait3A_231 : memref<10240x16xf32, #tpu.memory_space<vmem_shared>>) dst(%arg10 : memref<128x16xf32, #tpu.memory_space<vmem>>)
      %mul3A_232 = arith.constant 8 : i32
      %mul3A_233 = arith.muli %scan3A_64, %mul3A_232 : i32
      %add3A_234 = arith.constant 4 : i32
      %add3A_235 = arith.addi %mul3A_233, %add3A_234 : i32
      %dma_start3A_236 = arith.constant 1 : i32
      %dma_start3A_237 = arith.constant 0 : i32
      %dma_start3A_238 = tpu.memref_slice %arg5[%dma_start3A_236, %add3A_235, %dma_start3A_237] : memref<2x80x128xi32, #tpu.memory_space<vmem>> -> memref<1x1x128xi32, #tpu.memory_space<vmem>>
      %dma_start3A_239 = tpu.memref_squeeze %dma_start3A_238 : memref<1x1x128xi32, #tpu.memory_space<vmem>> -> memref<128xi32, #tpu.memory_space<vmem>>
      %dma_start3A_240 = arith.constant 0 : i32
      %dma_start3A_241 = arith.constant 0 : i32
      %dma_start3A_242 = tpu.memref_slice %arg15[%dma_start3A_240, %dma_start3A_241] : memref<10240x16xf32, #tpu.memory_space<vmem_shared>> -> memref<10240x16xf32, #tpu.memory_space<vmem_shared>>
      tpu.enqueue_indirect_dma source(%arg10 : memref<128x16xf32, #tpu.memory_space<vmem>>) target(%dma_start3A_242 : memref<10240x16xf32, #tpu.memory_space<vmem_shared>>) offsets(%dma_start3A_239 : memref<128xi32, #tpu.memory_space<vmem>>) semaphore(%arg29 : memref<!tpu.dma_semaphore, #tpu.memory_space<semaphore_mem>>) {add = true}
      %dma_wait3A_243 = arith.constant 0 : i32
      %dma_wait3A_244 = arith.constant 0 : i32
      %dma_wait3A_245 = tpu.memref_slice %arg5[%dma_wait3A_243, %add3A_123, %dma_wait3A_244] : memref<2x80x128xi32, #tpu.memory_space<vmem>> -> memref<1x1x128xi32, #tpu.memory_space<vmem>>
      %dma_wait3A_246 = tpu.memref_squeeze %dma_wait3A_245 : memref<1x1x128xi32, #tpu.memory_space<vmem>> -> memref<128xi32, #tpu.memory_space<vmem>>
      %dma_wait3A_247 = arith.constant 0 : i32
      %dma_wait3A_248 = arith.constant 0 : i32
      %dma_wait3A_249 = tpu.memref_slice %arg16[%dma_wait3A_247, %dma_wait3A_248] : memref<10240x16xf32, #tpu.memory_space<vmem_shared>> -> memref<10240x16xf32, #tpu.memory_space<vmem_shared>>
      tpu.wait_indirect_dma semaphore(%arg22 : memref<!tpu.dma_semaphore, #tpu.memory_space<semaphore_mem>>) src(%dma_wait3A_249 : memref<10240x16xf32, #tpu.memory_space<vmem_shared>>) dst(%arg11 : memref<128x16xf32, #tpu.memory_space<vmem>>)
      %mul3A_250 = arith.constant 8 : i32
      %mul3A_251 = arith.muli %scan3A_64, %mul3A_250 : i32
      %add3A_252 = arith.constant 5 : i32
      %add3A_253 = arith.addi %mul3A_251, %add3A_252 : i32
      %dma_start3A_254 = arith.constant 1 : i32
      %dma_start3A_255 = arith.constant 0 : i32
      %dma_start3A_256 = tpu.memref_slice %arg5[%dma_start3A_254, %add3A_253, %dma_start3A_255] : memref<2x80x128xi32, #tpu.memory_space<vmem>> -> memref<1x1x128xi32, #tpu.memory_space<vmem>>
      %dma_start3A_257 = tpu.memref_squeeze %dma_start3A_256 : memref<1x1x128xi32, #tpu.memory_space<vmem>> -> memref<128xi32, #tpu.memory_space<vmem>>
      %dma_start3A_258 = arith.constant 0 : i32
      %dma_start3A_259 = arith.constant 0 : i32
      %dma_start3A_260 = tpu.memref_slice %arg15[%dma_start3A_258, %dma_start3A_259] : memref<10240x16xf32, #tpu.memory_space<vmem_shared>> -> memref<10240x16xf32, #tpu.memory_space<vmem_shared>>
      tpu.enqueue_indirect_dma source(%arg11 : memref<128x16xf32, #tpu.memory_space<vmem>>) target(%dma_start3A_260 : memref<10240x16xf32, #tpu.memory_space<vmem_shared>>) offsets(%dma_start3A_257 : memref<128xi32, #tpu.memory_space<vmem>>) semaphore(%arg30 : memref<!tpu.dma_semaphore, #tpu.memory_space<semaphore_mem>>) {add = true}
      %dma_wait3A_261 = arith.constant 0 : i32
      %dma_wait3A_262 = arith.constant 0 : i32
      %dma_wait3A_263 = tpu.memref_slice %arg5[%dma_wait3A_261, %add3A_134, %dma_wait3A_262] : memref<2x80x128xi32, #tpu.memory_space<vmem>> -> memref<1x1x128xi32, #tpu.memory_space<vmem>>
      %dma_wait3A_264 = tpu.memref_squeeze %dma_wait3A_263 : memref<1x1x128xi32, #tpu.memory_space<vmem>> -> memref<128xi32, #tpu.memory_space<vmem>>
      %dma_wait3A_265 = arith.constant 0 : i32
      %dma_wait3A_266 = arith.constant 0 : i32
      %dma_wait3A_267 = tpu.memref_slice %arg16[%dma_wait3A_265, %dma_wait3A_266] : memref<10240x16xf32, #tpu.memory_space<vmem_shared>> -> memref<10240x16xf32, #tpu.memory_space<vmem_shared>>
      tpu.wait_indirect_dma semaphore(%arg23 : memref<!tpu.dma_semaphore, #tpu.memory_space<semaphore_mem>>) src(%dma_wait3A_267 : memref<10240x16xf32, #tpu.memory_space<vmem_shared>>) dst(%arg12 : memref<128x16xf32, #tpu.memory_space<vmem>>)
      %mul3A_268 = arith.constant 8 : i32
      %mul3A_269 = arith.muli %scan3A_64, %mul3A_268 : i32
      %add3A_270 = arith.constant 6 : i32
      %add3A_271 = arith.addi %mul3A_269, %add3A_270 : i32
      %dma_start3A_272 = arith.constant 1 : i32
      %dma_start3A_273 = arith.constant 0 : i32
      %dma_start3A_274 = tpu.memref_slice %arg5[%dma_start3A_272, %add3A_271, %dma_start3A_273] : memref<2x80x128xi32, #tpu.memory_space<vmem>> -> memref<1x1x128xi32, #tpu.memory_space<vmem>>
      %dma_start3A_275 = tpu.memref_squeeze %dma_start3A_274 : memref<1x1x128xi32, #tpu.memory_space<vmem>> -> memref<128xi32, #tpu.memory_space<vmem>>
      %dma_start3A_276 = arith.constant 0 : i32
      %dma_start3A_277 = arith.constant 0 : i32
      %dma_start3A_278 = tpu.memref_slice %arg15[%dma_start3A_276, %dma_start3A_277] : memref<10240x16xf32, #tpu.memory_space<vmem_shared>> -> memref<10240x16xf32, #tpu.memory_space<vmem_shared>>
      tpu.enqueue_indirect_dma source(%arg12 : memref<128x16xf32, #tpu.memory_space<vmem>>) target(%dma_start3A_278 : memref<10240x16xf32, #tpu.memory_space<vmem_shared>>) offsets(%dma_start3A_275 : memref<128xi32, #tpu.memory_space<vmem>>) semaphore(%arg31 : memref<!tpu.dma_semaphore, #tpu.memory_space<semaphore_mem>>) {add = true}
      %dma_wait3A_279 = arith.constant 0 : i32
      %dma_wait3A_280 = arith.constant 0 : i32
      %dma_wait3A_281 = tpu.memref_slice %arg5[%dma_wait3A_279, %add3A_145, %dma_wait3A_280] : memref<2x80x128xi32, #tpu.memory_space<vmem>> -> memref<1x1x128xi32, #tpu.memory_space<vmem>>
      %dma_wait3A_282 = tpu.memref_squeeze %dma_wait3A_281 : memref<1x1x128xi32, #tpu.memory_space<vmem>> -> memref<128xi32, #tpu.memory_space<vmem>>
      %dma_wait3A_283 = arith.constant 0 : i32
      %dma_wait3A_284 = arith.constant 0 : i32
      %dma_wait3A_285 = tpu.memref_slice %arg16[%dma_wait3A_283, %dma_wait3A_284] : memref<10240x16xf32, #tpu.memory_space<vmem_shared>> -> memref<10240x16xf32, #tpu.memory_space<vmem_shared>>
      tpu.wait_indirect_dma semaphore(%arg24 : memref<!tpu.dma_semaphore, #tpu.memory_space<semaphore_mem>>) src(%dma_wait3A_285 : memref<10240x16xf32, #tpu.memory_space<vmem_shared>>) dst(%arg13 : memref<128x16xf32, #tpu.memory_space<vmem>>)
      %mul3A_286 = arith.constant 8 : i32
      %mul3A_287 = arith.muli %scan3A_64, %mul3A_286 : i32
      %add3A_288 = arith.constant 7 : i32
      %add3A_289 = arith.addi %mul3A_287, %add3A_288 : i32
      %dma_start3A_290 = arith.constant 1 : i32
      %dma_start3A_291 = arith.constant 0 : i32
      %dma_start3A_292 = tpu.memref_slice %arg5[%dma_start3A_290, %add3A_289, %dma_start3A_291] : memref<2x80x128xi32, #tpu.memory_space<vmem>> -> memref<1x1x128xi32, #tpu.memory_space<vmem>>
      %dma_start3A_293 = tpu.memref_squeeze %dma_start3A_292 : memref<1x1x128xi32, #tpu.memory_space<vmem>> -> memref<128xi32, #tpu.memory_space<vmem>>
      %dma_start3A_294 = arith.constant 0 : i32
      %dma_start3A_295 = arith.constant 0 : i32
      %dma_start3A_296 = tpu.memref_slice %arg15[%dma_start3A_294, %dma_start3A_295] : memref<10240x16xf32, #tpu.memory_space<vmem_shared>> -> memref<10240x16xf32, #tpu.memory_space<vmem_shared>>
      tpu.enqueue_indirect_dma source(%arg13 : memref<128x16xf32, #tpu.memory_space<vmem>>) target(%dma_start3A_296 : memref<10240x16xf32, #tpu.memory_space<vmem_shared>>) offsets(%dma_start3A_293 : memref<128xi32, #tpu.memory_space<vmem>>) semaphore(%arg32 : memref<!tpu.dma_semaphore, #tpu.memory_space<semaphore_mem>>) {add = true}
      %dma_wait3A_297 = arith.constant 1 : i32
      %dma_wait3A_298 = arith.constant 0 : i32
      %dma_wait3A_299 = tpu.memref_slice %arg5[%dma_wait3A_297, %add3A_163, %dma_wait3A_298] : memref<2x80x128xi32, #tpu.memory_space<vmem>> -> memref<1x1x128xi32, #tpu.memory_space<vmem>>
      %dma_wait3A_300 = tpu.memref_squeeze %dma_wait3A_299 : memref<1x1x128xi32, #tpu.memory_space<vmem>> -> memref<128xi32, #tpu.memory_space<vmem>>
      %dma_wait3A_301 = arith.constant 0 : i32
      %dma_wait3A_302 = arith.constant 0 : i32
      %dma_wait3A_303 = tpu.memref_slice %arg15[%dma_wait3A_301, %dma_wait3A_302] : memref<10240x16xf32, #tpu.memory_space<vmem_shared>> -> memref<10240x16xf32, #tpu.memory_space<vmem_shared>>
      tpu.wait_indirect_dma semaphore(%arg25 : memref<!tpu.dma_semaphore, #tpu.memory_space<semaphore_mem>>) src(%arg6 : memref<128x16xf32, #tpu.memory_space<vmem>>) dst(%dma_wait3A_303 : memref<10240x16xf32, #tpu.memory_space<vmem_shared>>)
      %dma_wait3A_304 = arith.constant 1 : i32
      %dma_wait3A_305 = arith.constant 0 : i32
      %dma_wait3A_306 = tpu.memref_slice %arg5[%dma_wait3A_304, %add3A_181, %dma_wait3A_305] : memref<2x80x128xi32, #tpu.memory_space<vmem>> -> memref<1x1x128xi32, #tpu.memory_space<vmem>>
      %dma_wait3A_307 = tpu.memref_squeeze %dma_wait3A_306 : memref<1x1x128xi32, #tpu.memory_space<vmem>> -> memref<128xi32, #tpu.memory_space<vmem>>
      %dma_wait3A_308 = arith.constant 0 : i32
      %dma_wait3A_309 = arith.constant 0 : i32
      %dma_wait3A_310 = tpu.memref_slice %arg15[%dma_wait3A_308, %dma_wait3A_309] : memref<10240x16xf32, #tpu.memory_space<vmem_shared>> -> memref<10240x16xf32, #tpu.memory_space<vmem_shared>>
      tpu.wait_indirect_dma semaphore(%arg26 : memref<!tpu.dma_semaphore, #tpu.memory_space<semaphore_mem>>) src(%arg7 : memref<128x16xf32, #tpu.memory_space<vmem>>) dst(%dma_wait3A_310 : memref<10240x16xf32, #tpu.memory_space<vmem_shared>>)
      %dma_wait3A_311 = arith.constant 1 : i32
      %dma_wait3A_312 = arith.constant 0 : i32
      %dma_wait3A_313 = tpu.memref_slice %arg5[%dma_wait3A_311, %add3A_199, %dma_wait3A_312] : memref<2x80x128xi32, #tpu.memory_space<vmem>> -> memref<1x1x128xi32, #tpu.memory_space<vmem>>
      %dma_wait3A_314 = tpu.memref_squeeze %dma_wait3A_313 : memref<1x1x128xi32, #tpu.memory_space<vmem>> -> memref<128xi32, #tpu.memory_space<vmem>>
      %dma_wait3A_315 = arith.constant 0 : i32
      %dma_wait3A_316 = arith.constant 0 : i32
      %dma_wait3A_317 = tpu.memref_slice %arg15[%dma_wait3A_315, %dma_wait3A_316] : memref<10240x16xf32, #tpu.memory_space<vmem_shared>> -> memref<10240x16xf32, #tpu.memory_space<vmem_shared>>
      tpu.wait_indirect_dma semaphore(%arg27 : memref<!tpu.dma_semaphore, #tpu.memory_space<semaphore_mem>>) src(%arg8 : memref<128x16xf32, #tpu.memory_space<vmem>>) dst(%dma_wait3A_317 : memref<10240x16xf32, #tpu.memory_space<vmem_shared>>)
      %dma_wait3A_318 = arith.constant 1 : i32
      %dma_wait3A_319 = arith.constant 0 : i32
      %dma_wait3A_320 = tpu.memref_slice %arg5[%dma_wait3A_318, %add3A_217, %dma_wait3A_319] : memref<2x80x128xi32, #tpu.memory_space<vmem>> -> memref<1x1x128xi32, #tpu.memory_space<vmem>>
      %dma_wait3A_321 = tpu.memref_squeeze %dma_wait3A_320 : memref<1x1x128xi32, #tpu.memory_space<vmem>> -> memref<128xi32, #tpu.memory_space<vmem>>
      %dma_wait3A_322 = arith.constant 0 : i32
      %dma_wait3A_323 = arith.constant 0 : i32
      %dma_wait3A_324 = tpu.memref_slice %arg15[%dma_wait3A_322, %dma_wait3A_323] : memref<10240x16xf32, #tpu.memory_space<vmem_shared>> -> memref<10240x16xf32, #tpu.memory_space<vmem_shared>>
      tpu.wait_indirect_dma semaphore(%arg28 : memref<!tpu.dma_semaphore, #tpu.memory_space<semaphore_mem>>) src(%arg9 : memref<128x16xf32, #tpu.memory_space<vmem>>) dst(%dma_wait3A_324 : memref<10240x16xf32, #tpu.memory_space<vmem_shared>>)
      %dma_wait3A_325 = arith.constant 1 : i32
      %dma_wait3A_326 = arith.constant 0 : i32
      %dma_wait3A_327 = tpu.memref_slice %arg5[%dma_wait3A_325, %add3A_235, %dma_wait3A_326] : memref<2x80x128xi32, #tpu.memory_space<vmem>> -> memref<1x1x128xi32, #tpu.memory_space<vmem>>
      %dma_wait3A_328 = tpu.memref_squeeze %dma_wait3A_327 : memref<1x1x128xi32, #tpu.memory_space<vmem>> -> memref<128xi32, #tpu.memory_space<vmem>>
      %dma_wait3A_329 = arith.constant 0 : i32
      %dma_wait3A_330 = arith.constant 0 : i32
      %dma_wait3A_331 = tpu.memref_slice %arg15[%dma_wait3A_329, %dma_wait3A_330] : memref<10240x16xf32, #tpu.memory_space<vmem_shared>> -> memref<10240x16xf32, #tpu.memory_space<vmem_shared>>
      tpu.wait_indirect_dma semaphore(%arg29 : memref<!tpu.dma_semaphore, #tpu.memory_space<semaphore_mem>>) src(%arg10 : memref<128x16xf32, #tpu.memory_space<vmem>>) dst(%dma_wait3A_331 : memref<10240x16xf32, #tpu.memory_space<vmem_shared>>)
      %dma_wait3A_332 = arith.constant 1 : i32
      %dma_wait3A_333 = arith.constant 0 : i32
      %dma_wait3A_334 = tpu.memref_slice %arg5[%dma_wait3A_332, %add3A_253, %dma_wait3A_333] : memref<2x80x128xi32, #tpu.memory_space<vmem>> -> memref<1x1x128xi32, #tpu.memory_space<vmem>>
      %dma_wait3A_335 = tpu.memref_squeeze %dma_wait3A_334 : memref<1x1x128xi32, #tpu.memory_space<vmem>> -> memref<128xi32, #tpu.memory_space<vmem>>
      %dma_wait3A_336 = arith.constant 0 : i32
      %dma_wait3A_337 = arith.constant 0 : i32
      %dma_wait3A_338 = tpu.memref_slice %arg15[%dma_wait3A_336, %dma_wait3A_337] : memref<10240x16xf32, #tpu.memory_space<vmem_shared>> -> memref<10240x16xf32, #tpu.memory_space<vmem_shared>>
      tpu.wait_indirect_dma semaphore(%arg30 : memref<!tpu.dma_semaphore, #tpu.memory_space<semaphore_mem>>) src(%arg11 : memref<128x16xf32, #tpu.memory_space<vmem>>) dst(%dma_wait3A_338 : memref<10240x16xf32, #tpu.memory_space<vmem_shared>>)
      %dma_wait3A_339 = arith.constant 1 : i32
      %dma_wait3A_340 = arith.constant 0 : i32
      %dma_wait3A_341 = tpu.memref_slice %arg5[%dma_wait3A_339, %add3A_271, %dma_wait3A_340] : memref<2x80x128xi32, #tpu.memory_space<vmem>> -> memref<1x1x128xi32, #tpu.memory_space<vmem>>
      %dma_wait3A_342 = tpu.memref_squeeze %dma_wait3A_341 : memref<1x1x128xi32, #tpu.memory_space<vmem>> -> memref<128xi32, #tpu.memory_space<vmem>>
      %dma_wait3A_343 = arith.constant 0 : i32
      %dma_wait3A_344 = arith.constant 0 : i32
      %dma_wait3A_345 = tpu.memref_slice %arg15[%dma_wait3A_343, %dma_wait3A_344] : memref<10240x16xf32, #tpu.memory_space<vmem_shared>> -> memref<10240x16xf32, #tpu.memory_space<vmem_shared>>
      tpu.wait_indirect_dma semaphore(%arg31 : memref<!tpu.dma_semaphore, #tpu.memory_space<semaphore_mem>>) src(%arg12 : memref<128x16xf32, #tpu.memory_space<vmem>>) dst(%dma_wait3A_345 : memref<10240x16xf32, #tpu.memory_space<vmem_shared>>)
      %dma_wait3A_346 = arith.constant 1 : i32
      %dma_wait3A_347 = arith.constant 0 : i32
      %dma_wait3A_348 = tpu.memref_slice %arg5[%dma_wait3A_346, %add3A_289, %dma_wait3A_347] : memref<2x80x128xi32, #tpu.memory_space<vmem>> -> memref<1x1x128xi32, #tpu.memory_space<vmem>>
      %dma_wait3A_349 = tpu.memref_squeeze %dma_wait3A_348 : memref<1x1x128xi32, #tpu.memory_space<vmem>> -> memref<128xi32, #tpu.memory_space<vmem>>
      %dma_wait3A_350 = arith.constant 0 : i32
      %dma_wait3A_351 = arith.constant 0 : i32
      %dma_wait3A_352 = tpu.memref_slice %arg15[%dma_wait3A_350, %dma_wait3A_351] : memref<10240x16xf32, #tpu.memory_space<vmem_shared>> -> memref<10240x16xf32, #tpu.memory_space<vmem_shared>>
      tpu.wait_indirect_dma semaphore(%arg32 : memref<!tpu.dma_semaphore, #tpu.memory_space<semaphore_mem>>) src(%arg13 : memref<128x16xf32, #tpu.memory_space<vmem>>) dst(%dma_wait3A_352 : memref<10240x16xf32, #tpu.memory_space<vmem_shared>>)
    }
    %scan3A_58 = arith.constant 10 : i32
    %barrier3A_59 = arith.constant 0 : index
    tpu.barrier barrier_id(%barrier3A_59)
    %mul3A_60 = arith.constant 640 : i32
    %mul3A_61 = arith.muli %arg1, %mul3A_60 : i32
    %mul3A_62 = arith.constant 640 : i32
    %mul3A_63 = arith.muli %arg1, %mul3A_62 : i32
    "tpu.region"() ({
      %run_scoped3A_64 = tpu.sem_alloc : memref<!tpu.dma_semaphore, #tpu.memory_space<semaphore_mem>>
      %dma_start3A_65 = arith.constant 0 : i32
      %dma_start3A_66 = tpu.memref_slice %arg4[%arg0, %mul3A_63, %dma_start3A_65] : memref<2x10240x16xf32, #tpu.memory_space<hbm>> -> memref<1x640x16xf32, #tpu.memory_space<hbm>>
      %dma_start3A_67 = tpu.memref_squeeze %dma_start3A_66 : memref<1x640x16xf32, #tpu.memory_space<hbm>> -> memref<640x16xf32, #tpu.memory_space<hbm>>
      %dma_start3A_68 = arith.constant 0 : i32
      %dma_start3A_69 = tpu.memref_slice %arg15[%mul3A_61, %dma_start3A_68] : memref<10240x16xf32, #tpu.memory_space<vmem_shared>> -> memref<640x16xf32, #tpu.memory_space<vmem_shared>>
      tpu.enqueue_dma source(%dma_start3A_69 : memref<640x16xf32, #tpu.memory_space<vmem_shared>>) target(%dma_start3A_67 : memref<640x16xf32, #tpu.memory_space<hbm>>) target_semaphore(%run_scoped3A_64 : memref<!tpu.dma_semaphore, #tpu.memory_space<semaphore_mem>>)
      %dma_wait3A_70 = arith.constant 0 : i32
      %dma_wait3A_71 = tpu.memref_slice %arg4[%arg0, %mul3A_63, %dma_wait3A_70] : memref<2x10240x16xf32, #tpu.memory_space<hbm>> -> memref<1x640x16xf32, #tpu.memory_space<hbm>>
      %dma_wait3A_72 = tpu.memref_squeeze %dma_wait3A_71 : memref<1x640x16xf32, #tpu.memory_space<hbm>> -> memref<640x16xf32, #tpu.memory_space<hbm>>
      %dma_wait3A_73 = arith.constant 0 : i32
      %dma_wait3A_74 = tpu.memref_slice %arg15[%mul3A_61, %dma_wait3A_73] : memref<10240x16xf32, #tpu.memory_space<vmem_shared>> -> memref<640x16xf32, #tpu.memory_space<vmem_shared>>
      tpu.wait_dma2 semaphore(%run_scoped3A_64 : memref<!tpu.dma_semaphore, #tpu.memory_space<semaphore_mem>>) src(%dma_wait3A_74 : memref<640x16xf32, #tpu.memory_space<vmem_shared>>) dst(%dma_wait3A_72 : memref<640x16xf32, #tpu.memory_space<hbm>>)
      tpu.yield
    }) : () -> ()
    return
  }
}

#map = affine_map<(d0, d1) -> (0, 0)>
#map1 = affine_map<(d0, d1) -> (0, 0, 0, 0)>
#map2 = affine_map<(d0, d1) -> (0, 0, 0)>
module attributes {stable_mosaic.version = 14 : i64} {
  func.func @_segsum_kernel(%arg0: i32, %arg1: i32, %arg2: memref<10240x16xf32, #tpu.memory_space<hbm>>, %arg3: memref<2x32x80x128xi32, #tpu.memory_space<hbm>>, %arg4: memref<2x10240x16xf32, #tpu.memory_space<hbm>>, %arg5: memref<2x80x128xi32, #tpu.memory_space<vmem>>, %arg6: memref<128x16xf32, #tpu.memory_space<vmem>>, %arg7: memref<128x16xf32, #tpu.memory_space<vmem>>, %arg8: memref<128x16xf32, #tpu.memory_space<vmem>>, %arg9: memref<128x16xf32, #tpu.memory_space<vmem>>, %arg10: memref<128x16xf32, #tpu.memory_space<vmem>>, %arg11: memref<128x16xf32, #tpu.memory_space<vmem>>, %arg12: memref<128x16xf32, #tpu.memory_space<vmem>>, %arg13: memref<128x16xf32, #tpu.memory_space<vmem>>, %arg14: memref<640x16xf32, #tpu.memory_space<vmem>>, %arg15: memref<10240x16xf32, #tpu.memory_space<vmem_shared>>, %arg16: memref<10240x16xf32, #tpu.memory_space<vmem_shared>>, %arg17: memref<!tpu.dma_semaphore, #tpu.memory_space<semaphore_mem>>, %arg18: memref<!tpu.dma_semaphore, #tpu.memory_space<semaphore_mem>>, %arg19: memref<!tpu.dma_semaphore, #tpu.memory_space<semaphore_mem>>, %arg20: memref<!tpu.dma_semaphore, #tpu.memory_space<semaphore_mem>>, %arg21: memref<!tpu.dma_semaphore, #tpu.memory_space<semaphore_mem>>, %arg22: memref<!tpu.dma_semaphore, #tpu.memory_space<semaphore_mem>>, %arg23: memref<!tpu.dma_semaphore, #tpu.memory_space<semaphore_mem>>, %arg24: memref<!tpu.dma_semaphore, #tpu.memory_space<semaphore_mem>>, %arg25: memref<!tpu.dma_semaphore, #tpu.memory_space<semaphore_mem>>, %arg26: memref<!tpu.dma_semaphore, #tpu.memory_space<semaphore_mem>>, %arg27: memref<!tpu.dma_semaphore, #tpu.memory_space<semaphore_mem>>, %arg28: memref<!tpu.dma_semaphore, #tpu.memory_space<semaphore_mem>>, %arg29: memref<!tpu.dma_semaphore, #tpu.memory_space<semaphore_mem>>, %arg30: memref<!tpu.dma_semaphore, #tpu.memory_space<semaphore_mem>>, %arg31: memref<!tpu.dma_semaphore, #tpu.memory_space<semaphore_mem>>, %arg32: memref<!tpu.dma_semaphore, #tpu.memory_space<semaphore_mem>>, %arg33: memref<!tpu.dma_semaphore, #tpu.memory_space<semaphore_mem>>, %arg34: memref<!tpu.dma_semaphore, #tpu.memory_space<semaphore_mem>>) attributes {dimension_semantics = [#tpu.dimension_semantics<core_parallel>, #tpu.dimension_semantics<subcore_parallel>], iteration_bounds = array<i64: 2, 16>, scalar_prefetch = 0 : i64, scratch_operands = 30 : i64, tpu.core_type = #tpu.core_type<sc_vector_subcore>, window_params = [{transform_indices = #map}, {transform_indices = #map1}, {transform_indices = #map2}]} {
    %mul3A = arith.constant 2 : i32
    %mul3A_0 = arith.muli %arg1, %mul3A : i32
    %add3A = arith.addi %mul3A_0, %arg0 : i32
    %dma_start3A = arith.constant 0 : i32
    %dma_start3A_1 = arith.constant 0 : i32
    %dma_start3A_2 = arith.constant 0 : i32
    %dma_start3A_3 = arith.constant 0 : i32
    %dma_start3A_4 = tpu.memref_slice %arg5[%dma_start3A_1, %dma_start3A_2, %dma_start3A_3] : memref<2x80x128xi32, #tpu.memory_space<vmem>> -> memref<1x80x128xi32, #tpu.memory_space<vmem>>
    %dma_start3A_5 = tpu.memref_squeeze %dma_start3A_4 : memref<1x80x128xi32, #tpu.memory_space<vmem>> -> memref<80x128xi32, #tpu.memory_space<vmem>>
    %dma_start3A_6 = arith.constant 0 : i32
    %dma_start3A_7 = arith.constant 0 : i32
    %dma_start3A_8 = tpu.memref_slice %arg3[%dma_start3A, %add3A, %dma_start3A_6, %dma_start3A_7] : memref<2x32x80x128xi32, #tpu.memory_space<hbm>> -> memref<1x1x80x128xi32, #tpu.memory_space<hbm>>
    %dma_start3A_9 = tpu.memref_squeeze %dma_start3A_8 : memref<1x1x80x128xi32, #tpu.memory_space<hbm>> -> memref<80x128xi32, #tpu.memory_space<hbm>>
    %dma_start3A_10 = arith.constant 0 : i32
    %dma_start3A_11 = arith.constant 0 : i32
    %dma_start3A_12 = tpu.memref_slice %arg5[%dma_start3A_1, %dma_start3A_10, %dma_start3A_11] : memref<2x80x128xi32, #tpu.memory_space<vmem>> -> memref<1x80x128xi32, #tpu.memory_space<vmem>>
    %dma_start3A_13 = tpu.memref_squeeze %dma_start3A_12 : memref<1x80x128xi32, #tpu.memory_space<vmem>> -> memref<80x128xi32, #tpu.memory_space<vmem>>
    %dma_start3A_14 = arith.constant 0 : i32
    %dma_start3A_15 = arith.constant 0 : i32
    %dma_start3A_16 = tpu.memref_slice %arg3[%dma_start3A, %add3A, %dma_start3A_14, %dma_start3A_15] : memref<2x32x80x128xi32, #tpu.memory_space<hbm>> -> memref<1x1x80x128xi32, #tpu.memory_space<hbm>>
    %dma_start3A_17 = tpu.memref_squeeze %dma_start3A_16 : memref<1x1x80x128xi32, #tpu.memory_space<hbm>> -> memref<80x128xi32, #tpu.memory_space<hbm>>
    tpu.enqueue_dma source(%dma_start3A_17 : memref<80x128xi32, #tpu.memory_space<hbm>>) target(%dma_start3A_13 : memref<80x128xi32, #tpu.memory_space<vmem>>) target_semaphore(%arg33 : memref<!tpu.dma_semaphore, #tpu.memory_space<semaphore_mem>>)
    %mul3A_18 = arith.constant 640 : i32
    %mul3A_19 = arith.muli %arg1, %mul3A_18 : i32
    %dma_start3A_20 = arith.constant 0 : i32
    %dma_start3A_21 = tpu.memref_slice %arg16[%mul3A_19, %dma_start3A_20] : memref<10240x16xf32, #tpu.memory_space<vmem_shared>> -> memref<640x16xf32, #tpu.memory_space<vmem_shared>>
    %dma_start3A_22 = arith.constant 0 : i32
    %dma_start3A_23 = tpu.memref_slice %arg2[%mul3A_19, %dma_start3A_22] : memref<10240x16xf32, #tpu.memory_space<hbm>> -> memref<640x16xf32, #tpu.memory_space<hbm>>
    tpu.enqueue_dma source(%dma_start3A_23 : memref<640x16xf32, #tpu.memory_space<hbm>>) target(%dma_start3A_21 : memref<640x16xf32, #tpu.memory_space<vmem_shared>>) target_semaphore(%arg34 : memref<!tpu.dma_semaphore, #tpu.memory_space<semaphore_mem>>)
    %scan3A = arith.constant 0 : i32
    %scan3A_24 = arith.constant 0 : i32
    %scan3A_25 = arith.constant 640 : i32
    %scan3A_26 = arith.addi %scan3A_24, %scan3A_25 : i32
    %scan3A_27 = arith.constant 1 : i32
    scf.for %scan3A_64 = %scan3A_24 to %scan3A_26 step %scan3A_27  : i32 {
      %broadcast_in_dim3A = arith.constant 0.000000e+00 : f32
      %broadcast_in_dim3A_65 = vector.broadcast %broadcast_in_dim3A : f32 to vector<16xf32>
      %swap3A = arith.index_cast %scan3A_64 : i32 to index
      %swap3A_66 = arith.constant 0 : index
      %swap3A_67 = tpu.vector_load %arg14[%swap3A, %swap3A_66] {strides = array<i32>} : memref<640x16xf32, #tpu.memory_space<vmem>>, vector<1x16xf32>,
      %swap3A_68 = vector.shape_cast %swap3A_67 : vector<1x16xf32> to vector<16xf32>
      %swap3A_69 = vector.shape_cast %broadcast_in_dim3A_65 : vector<16xf32> to vector<1x16xf32>
      tpu.vector_store %arg14[%swap3A, %swap3A_66], %swap3A_69 {strides = array<i32>} : memref<640x16xf32, #tpu.memory_space<vmem>>, vector<1x16xf32>,
    }
    %scan3A_28 = arith.constant 640 : i32
    %mul3A_29 = arith.constant 640 : i32
    %mul3A_30 = arith.muli %arg1, %mul3A_29 : i32
    "tpu.region"() ({
      %run_scoped3A_64 = tpu.sem_alloc : memref<!tpu.dma_semaphore, #tpu.memory_space<semaphore_mem>>
      %dma_start3A_65 = arith.constant 0 : i32
      %dma_start3A_66 = tpu.memref_slice %arg15[%mul3A_30, %dma_start3A_65] : memref<10240x16xf32, #tpu.memory_space<vmem_shared>> -> memref<640x16xf32, #tpu.memory_space<vmem_shared>>
      %dma_start3A_67 = arith.constant 0 : i32
      %dma_start3A_68 = tpu.memref_slice %arg15[%mul3A_30, %dma_start3A_67] : memref<10240x16xf32, #tpu.memory_space<vmem_shared>> -> memref<640x16xf32, #tpu.memory_space<vmem_shared>>
      tpu.enqueue_dma source(%arg14 : memref<640x16xf32, #tpu.memory_space<vmem>>) target(%dma_start3A_68 : memref<640x16xf32, #tpu.memory_space<vmem_shared>>) target_semaphore(%run_scoped3A_64 : memref<!tpu.dma_semaphore, #tpu.memory_space<semaphore_mem>>)
      %dma_wait3A_69 = arith.constant 0 : i32
      %dma_wait3A_70 = tpu.memref_slice %arg15[%mul3A_30, %dma_wait3A_69] : memref<10240x16xf32, #tpu.memory_space<vmem_shared>> -> memref<640x16xf32, #tpu.memory_space<vmem_shared>>
      %dma_wait3A_71 = arith.constant 0 : i32
      %dma_wait3A_72 = tpu.memref_slice %arg15[%mul3A_30, %dma_wait3A_71] : memref<10240x16xf32, #tpu.memory_space<vmem_shared>> -> memref<640x16xf32, #tpu.memory_space<vmem_shared>>
      tpu.wait_dma2 semaphore(%run_scoped3A_64 : memref<!tpu.dma_semaphore, #tpu.memory_space<semaphore_mem>>) src(%arg14 : memref<640x16xf32, #tpu.memory_space<vmem>>) dst(%dma_wait3A_72 : memref<640x16xf32, #tpu.memory_space<vmem_shared>>)
      tpu.yield
    }) : () -> ()
    %dma_wait3A = arith.constant 0 : i32
    %dma_wait3A_31 = arith.constant 0 : i32
    %dma_wait3A_32 = arith.constant 0 : i32
    %dma_wait3A_33 = arith.constant 0 : i32
    %dma_wait3A_34 = tpu.memref_slice %arg5[%dma_wait3A_31, %dma_wait3A_32, %dma_wait3A_33] : memref<2x80x128xi32, #tpu.memory_space<vmem>> -> memref<1x80x128xi32, #tpu.memory_space<vmem>>
    %dma_wait3A_35 = tpu.memref_squeeze %dma_wait3A_34 : memref<1x80x128xi32, #tpu.memory_space<vmem>> -> memref<80x128xi32, #tpu.memory_space<vmem>>
    %dma_wait3A_36 = arith.constant 0 : i32
    %dma_wait3A_37 = arith.constant 0 : i32
    %dma_wait3A_38 = tpu.memref_slice %arg3[%dma_wait3A, %add3A, %dma_wait3A_36, %dma_wait3A_37] : memref<2x32x80x128xi32, #tpu.memory_space<hbm>> -> memref<1x1x80x128xi32, #tpu.memory_space<hbm>>
    %dma_wait3A_39 = tpu.memref_squeeze %dma_wait3A_38 : memref<1x1x80x128xi32, #tpu.memory_space<hbm>> -> memref<80x128xi32, #tpu.memory_space<hbm>>
    %dma_wait3A_40 = arith.constant 0 : i32
    %dma_wait3A_41 = arith.constant 0 : i32
    %dma_wait3A_42 = tpu.memref_slice %arg5[%dma_wait3A_31, %dma_wait3A_40, %dma_wait3A_41] : memref<2x80x128xi32, #tpu.memory_space<vmem>> -> memref<1x80x128xi32, #tpu.memory_space<vmem>>
    %dma_wait3A_43 = tpu.memref_squeeze %dma_wait3A_42 : memref<1x80x128xi32, #tpu.memory_space<vmem>> -> memref<80x128xi32, #tpu.memory_space<vmem>>
    %dma_wait3A_44 = arith.constant 0 : i32
    %dma_wait3A_45 = arith.constant 0 : i32
    %dma_wait3A_46 = tpu.memref_slice %arg3[%dma_wait3A, %add3A, %dma_wait3A_44, %dma_wait3A_45] : memref<2x32x80x128xi32, #tpu.memory_space<hbm>> -> memref<1x1x80x128xi32, #tpu.memory_space<hbm>>
    %dma_wait3A_47 = tpu.memref_squeeze %dma_wait3A_46 : memref<1x1x80x128xi32, #tpu.memory_space<hbm>> -> memref<80x128xi32, #tpu.memory_space<hbm>>
    tpu.wait_dma2 semaphore(%arg33 : memref<!tpu.dma_semaphore, #tpu.memory_space<semaphore_mem>>) src(%dma_wait3A_47 : memref<80x128xi32, #tpu.memory_space<hbm>>) dst(%dma_wait3A_43 : memref<80x128xi32, #tpu.memory_space<vmem>>)
    %run_scoped3A = arith.constant 1 : i32
    %run_scoped3A_48 = arith.constant 1 : i32
    "tpu.region"() ({
      %run_scoped3A_64 = tpu.sem_alloc : memref<!tpu.dma_semaphore, #tpu.memory_space<semaphore_mem>>
      %dma_start3A_65 = arith.constant 0 : i32
      %dma_start3A_66 = arith.constant 0 : i32
      %dma_start3A_67 = tpu.memref_slice %arg5[%run_scoped3A_48, %dma_start3A_65, %dma_start3A_66] : memref<2x80x128xi32, #tpu.memory_space<vmem>> -> memref<1x80x128xi32, #tpu.memory_space<vmem>>
      %dma_start3A_68 = tpu.memref_squeeze %dma_start3A_67 : memref<1x80x128xi32, #tpu.memory_space<vmem>> -> memref<80x128xi32, #tpu.memory_space<vmem>>
      %dma_start3A_69 = arith.constant 0 : i32
      %dma_start3A_70 = arith.constant 0 : i32
      %dma_start3A_71 = tpu.memref_slice %arg3[%run_scoped3A, %add3A, %dma_start3A_69, %dma_start3A_70] : memref<2x32x80x128xi32, #tpu.memory_space<hbm>> -> memref<1x1x80x128xi32, #tpu.memory_space<hbm>>
      %dma_start3A_72 = tpu.memref_squeeze %dma_start3A_71 : memref<1x1x80x128xi32, #tpu.memory_space<hbm>> -> memref<80x128xi32, #tpu.memory_space<hbm>>
      %dma_start3A_73 = arith.constant 0 : i32
      %dma_start3A_74 = arith.constant 0 : i32
      %dma_start3A_75 = tpu.memref_slice %arg5[%run_scoped3A_48, %dma_start3A_73, %dma_start3A_74] : memref<2x80x128xi32, #tpu.memory_space<vmem>> -> memref<1x80x128xi32, #tpu.memory_space<vmem>>
      %dma_start3A_76 = tpu.memref_squeeze %dma_start3A_75 : memref<1x80x128xi32, #tpu.memory_space<vmem>> -> memref<80x128xi32, #tpu.memory_space<vmem>>
      %dma_start3A_77 = arith.constant 0 : i32
      %dma_start3A_78 = arith.constant 0 : i32
      %dma_start3A_79 = tpu.memref_slice %arg3[%run_scoped3A, %add3A, %dma_start3A_77, %dma_start3A_78] : memref<2x32x80x128xi32, #tpu.memory_space<hbm>> -> memref<1x1x80x128xi32, #tpu.memory_space<hbm>>
      %dma_start3A_80 = tpu.memref_squeeze %dma_start3A_79 : memref<1x1x80x128xi32, #tpu.memory_space<hbm>> -> memref<80x128xi32, #tpu.memory_space<hbm>>
      tpu.enqueue_dma source(%dma_start3A_80 : memref<80x128xi32, #tpu.memory_space<hbm>>) target(%dma_start3A_76 : memref<80x128xi32, #tpu.memory_space<vmem>>) target_semaphore(%run_scoped3A_64 : memref<!tpu.dma_semaphore, #tpu.memory_space<semaphore_mem>>)
      %dma_wait3A_81 = arith.constant 0 : i32
      %dma_wait3A_82 = arith.constant 0 : i32
      %dma_wait3A_83 = tpu.memref_slice %arg5[%run_scoped3A_48, %dma_wait3A_81, %dma_wait3A_82] : memref<2x80x128xi32, #tpu.memory_space<vmem>> -> memref<1x80x128xi32, #tpu.memory_space<vmem>>
      %dma_wait3A_84 = tpu.memref_squeeze %dma_wait3A_83 : memref<1x80x128xi32, #tpu.memory_space<vmem>> -> memref<80x128xi32, #tpu.memory_space<vmem>>
      %dma_wait3A_85 = arith.constant 0 : i32
      %dma_wait3A_86 = arith.constant 0 : i32
      %dma_wait3A_87 = tpu.memref_slice %arg3[%run_scoped3A, %add3A, %dma_wait3A_85, %dma_wait3A_86] : memref<2x32x80x128xi32, #tpu.memory_space<hbm>> -> memref<1x1x80x128xi32, #tpu.memory_space<hbm>>
      %dma_wait3A_88 = tpu.memref_squeeze %dma_wait3A_87 : memref<1x1x80x128xi32, #tpu.memory_space<hbm>> -> memref<80x128xi32, #tpu.memory_space<hbm>>
      %dma_wait3A_89 = arith.constant 0 : i32
      %dma_wait3A_90 = arith.constant 0 : i32
      %dma_wait3A_91 = tpu.memref_slice %arg5[%run_scoped3A_48, %dma_wait3A_89, %dma_wait3A_90] : memref<2x80x128xi32, #tpu.memory_space<vmem>> -> memref<1x80x128xi32, #tpu.memory_space<vmem>>
      %dma_wait3A_92 = tpu.memref_squeeze %dma_wait3A_91 : memref<1x80x128xi32, #tpu.memory_space<vmem>> -> memref<80x128xi32, #tpu.memory_space<vmem>>
      %dma_wait3A_93 = arith.constant 0 : i32
      %dma_wait3A_94 = arith.constant 0 : i32
      %dma_wait3A_95 = tpu.memref_slice %arg3[%run_scoped3A, %add3A, %dma_wait3A_93, %dma_wait3A_94] : memref<2x32x80x128xi32, #tpu.memory_space<hbm>> -> memref<1x1x80x128xi32, #tpu.memory_space<hbm>>
      %dma_wait3A_96 = tpu.memref_squeeze %dma_wait3A_95 : memref<1x1x80x128xi32, #tpu.memory_space<hbm>> -> memref<80x128xi32, #tpu.memory_space<hbm>>
      tpu.wait_dma2 semaphore(%run_scoped3A_64 : memref<!tpu.dma_semaphore, #tpu.memory_space<semaphore_mem>>) src(%dma_wait3A_96 : memref<80x128xi32, #tpu.memory_space<hbm>>) dst(%dma_wait3A_92 : memref<80x128xi32, #tpu.memory_space<vmem>>)
      tpu.yield
    }) : () -> ()
    %dma_wait3A_49 = arith.constant 0 : i32
    %dma_wait3A_50 = tpu.memref_slice %arg16[%mul3A_19, %dma_wait3A_49] : memref<10240x16xf32, #tpu.memory_space<vmem_shared>> -> memref<640x16xf32, #tpu.memory_space<vmem_shared>>
    %dma_wait3A_51 = arith.constant 0 : i32
    %dma_wait3A_52 = tpu.memref_slice %arg2[%mul3A_19, %dma_wait3A_51] : memref<10240x16xf32, #tpu.memory_space<hbm>> -> memref<640x16xf32, #tpu.memory_space<hbm>>
    tpu.wait_dma2 semaphore(%arg34 : memref<!tpu.dma_semaphore, #tpu.memory_space<semaphore_mem>>) src(%dma_wait3A_52 : memref<640x16xf32, #tpu.memory_space<hbm>>) dst(%dma_wait3A_50 : memref<640x16xf32, #tpu.memory_space<vmem_shared>>)
    %barrier3A = arith.constant 0 : index
    tpu.barrier barrier_id(%barrier3A)
    %scan3A_53 = arith.constant 0 : i32
    %scan3A_54 = arith.constant 0 : i32
    %scan3A_55 = arith.constant 10 : i32
    %scan3A_56 = arith.addi %scan3A_54, %scan3A_55 : i32
    %scan3A_57 = arith.constant 1 : i32
    scf.for %scan3A_64 = %scan3A_54 to %scan3A_56 step %scan3A_57  : i32 {
      %mul3A_65 = arith.constant 8 : i32
      %mul3A_66 = arith.muli %scan3A_64, %mul3A_65 : i32
      %add3A_67 = arith.constant 0 : i32
      %add3A_68 = arith.addi %mul3A_66, %add3A_67 : i32
      %dma_start3A_69 = arith.constant 0 : i32
      %dma_start3A_70 = arith.constant 0 : i32
      %dma_start3A_71 = tpu.memref_slice %arg5[%dma_start3A_69, %add3A_68, %dma_start3A_70] : memref<2x80x128xi32, #tpu.memory_space<vmem>> -> memref<1x1x128xi32, #tpu.memory_space<vmem>>
      %dma_start3A_72 = tpu.memref_squeeze %dma_start3A_71 : memref<1x1x128xi32, #tpu.memory_space<vmem>> -> memref<128xi32, #tpu.memory_space<vmem>>
      %dma_start3A_73 = arith.constant 0 : i32
      %dma_start3A_74 = arith.constant 0 : i32
      %dma_start3A_75 = tpu.memref_slice %arg16[%dma_start3A_73, %dma_start3A_74] : memref<10240x16xf32, #tpu.memory_space<vmem_shared>> -> memref<10240x16xf32, #tpu.memory_space<vmem_shared>>
      tpu.enqueue_indirect_dma source(%dma_start3A_75 : memref<10240x16xf32, #tpu.memory_space<vmem_shared>>) target(%arg6 : memref<128x16xf32, #tpu.memory_space<vmem>>) offsets(%dma_start3A_72 : memref<128xi32, #tpu.memory_space<vmem>>) semaphore(%arg17 : memref<!tpu.dma_semaphore, #tpu.memory_space<semaphore_mem>>)
      %mul3A_76 = arith.constant 8 : i32
      %mul3A_77 = arith.muli %scan3A_64, %mul3A_76 : i32
      %add3A_78 = arith.constant 1 : i32
      %add3A_79 = arith.addi %mul3A_77, %add3A_78 : i32
      %dma_start3A_80 = arith.constant 0 : i32
      %dma_start3A_81 = arith.constant 0 : i32
      %dma_start3A_82 = tpu.memref_slice %arg5[%dma_start3A_80, %add3A_79, %dma_start3A_81] : memref<2x80x128xi32, #tpu.memory_space<vmem>> -> memref<1x1x128xi32, #tpu.memory_space<vmem>>
      %dma_start3A_83 = tpu.memref_squeeze %dma_start3A_82 : memref<1x1x128xi32, #tpu.memory_space<vmem>> -> memref<128xi32, #tpu.memory_space<vmem>>
      %dma_start3A_84 = arith.constant 0 : i32
      %dma_start3A_85 = arith.constant 0 : i32
      %dma_start3A_86 = tpu.memref_slice %arg16[%dma_start3A_84, %dma_start3A_85] : memref<10240x16xf32, #tpu.memory_space<vmem_shared>> -> memref<10240x16xf32, #tpu.memory_space<vmem_shared>>
      tpu.enqueue_indirect_dma source(%dma_start3A_86 : memref<10240x16xf32, #tpu.memory_space<vmem_shared>>) target(%arg7 : memref<128x16xf32, #tpu.memory_space<vmem>>) offsets(%dma_start3A_83 : memref<128xi32, #tpu.memory_space<vmem>>) semaphore(%arg18 : memref<!tpu.dma_semaphore, #tpu.memory_space<semaphore_mem>>)
      %mul3A_87 = arith.constant 8 : i32
      %mul3A_88 = arith.muli %scan3A_64, %mul3A_87 : i32
      %add3A_89 = arith.constant 2 : i32
      %add3A_90 = arith.addi %mul3A_88, %add3A_89 : i32
      %dma_start3A_91 = arith.constant 0 : i32
      %dma_start3A_92 = arith.constant 0 : i32
      %dma_start3A_93 = tpu.memref_slice %arg5[%dma_start3A_91, %add3A_90, %dma_start3A_92] : memref<2x80x128xi32, #tpu.memory_space<vmem>> -> memref<1x1x128xi32, #tpu.memory_space<vmem>>
      %dma_start3A_94 = tpu.memref_squeeze %dma_start3A_93 : memref<1x1x128xi32, #tpu.memory_space<vmem>> -> memref<128xi32, #tpu.memory_space<vmem>>
      %dma_start3A_95 = arith.constant 0 : i32
      %dma_start3A_96 = arith.constant 0 : i32
      %dma_start3A_97 = tpu.memref_slice %arg16[%dma_start3A_95, %dma_start3A_96] : memref<10240x16xf32, #tpu.memory_space<vmem_shared>> -> memref<10240x16xf32, #tpu.memory_space<vmem_shared>>
      tpu.enqueue_indirect_dma source(%dma_start3A_97 : memref<10240x16xf32, #tpu.memory_space<vmem_shared>>) target(%arg8 : memref<128x16xf32, #tpu.memory_space<vmem>>) offsets(%dma_start3A_94 : memref<128xi32, #tpu.memory_space<vmem>>) semaphore(%arg19 : memref<!tpu.dma_semaphore, #tpu.memory_space<semaphore_mem>>)
      %mul3A_98 = arith.constant 8 : i32
      %mul3A_99 = arith.muli %scan3A_64, %mul3A_98 : i32
      %add3A_100 = arith.constant 3 : i32
      %add3A_101 = arith.addi %mul3A_99, %add3A_100 : i32
      %dma_start3A_102 = arith.constant 0 : i32
      %dma_start3A_103 = arith.constant 0 : i32
      %dma_start3A_104 = tpu.memref_slice %arg5[%dma_start3A_102, %add3A_101, %dma_start3A_103] : memref<2x80x128xi32, #tpu.memory_space<vmem>> -> memref<1x1x128xi32, #tpu.memory_space<vmem>>
      %dma_start3A_105 = tpu.memref_squeeze %dma_start3A_104 : memref<1x1x128xi32, #tpu.memory_space<vmem>> -> memref<128xi32, #tpu.memory_space<vmem>>
      %dma_start3A_106 = arith.constant 0 : i32
      %dma_start3A_107 = arith.constant 0 : i32
      %dma_start3A_108 = tpu.memref_slice %arg16[%dma_start3A_106, %dma_start3A_107] : memref<10240x16xf32, #tpu.memory_space<vmem_shared>> -> memref<10240x16xf32, #tpu.memory_space<vmem_shared>>
      tpu.enqueue_indirect_dma source(%dma_start3A_108 : memref<10240x16xf32, #tpu.memory_space<vmem_shared>>) target(%arg9 : memref<128x16xf32, #tpu.memory_space<vmem>>) offsets(%dma_start3A_105 : memref<128xi32, #tpu.memory_space<vmem>>) semaphore(%arg20 : memref<!tpu.dma_semaphore, #tpu.memory_space<semaphore_mem>>)
      %mul3A_109 = arith.constant 8 : i32
      %mul3A_110 = arith.muli %scan3A_64, %mul3A_109 : i32
      %add3A_111 = arith.constant 4 : i32
      %add3A_112 = arith.addi %mul3A_110, %add3A_111 : i32
      %dma_start3A_113 = arith.constant 0 : i32
      %dma_start3A_114 = arith.constant 0 : i32
      %dma_start3A_115 = tpu.memref_slice %arg5[%dma_start3A_113, %add3A_112, %dma_start3A_114] : memref<2x80x128xi32, #tpu.memory_space<vmem>> -> memref<1x1x128xi32, #tpu.memory_space<vmem>>
      %dma_start3A_116 = tpu.memref_squeeze %dma_start3A_115 : memref<1x1x128xi32, #tpu.memory_space<vmem>> -> memref<128xi32, #tpu.memory_space<vmem>>
      %dma_start3A_117 = arith.constant 0 : i32
      %dma_start3A_118 = arith.constant 0 : i32
      %dma_start3A_119 = tpu.memref_slice %arg16[%dma_start3A_117, %dma_start3A_118] : memref<10240x16xf32, #tpu.memory_space<vmem_shared>> -> memref<10240x16xf32, #tpu.memory_space<vmem_shared>>
      tpu.enqueue_indirect_dma source(%dma_start3A_119 : memref<10240x16xf32, #tpu.memory_space<vmem_shared>>) target(%arg10 : memref<128x16xf32, #tpu.memory_space<vmem>>) offsets(%dma_start3A_116 : memref<128xi32, #tpu.memory_space<vmem>>) semaphore(%arg21 : memref<!tpu.dma_semaphore, #tpu.memory_space<semaphore_mem>>)
      %mul3A_120 = arith.constant 8 : i32
      %mul3A_121 = arith.muli %scan3A_64, %mul3A_120 : i32
      %add3A_122 = arith.constant 5 : i32
      %add3A_123 = arith.addi %mul3A_121, %add3A_122 : i32
      %dma_start3A_124 = arith.constant 0 : i32
      %dma_start3A_125 = arith.constant 0 : i32
      %dma_start3A_126 = tpu.memref_slice %arg5[%dma_start3A_124, %add3A_123, %dma_start3A_125] : memref<2x80x128xi32, #tpu.memory_space<vmem>> -> memref<1x1x128xi32, #tpu.memory_space<vmem>>
      %dma_start3A_127 = tpu.memref_squeeze %dma_start3A_126 : memref<1x1x128xi32, #tpu.memory_space<vmem>> -> memref<128xi32, #tpu.memory_space<vmem>>
      %dma_start3A_128 = arith.constant 0 : i32
      %dma_start3A_129 = arith.constant 0 : i32
      %dma_start3A_130 = tpu.memref_slice %arg16[%dma_start3A_128, %dma_start3A_129] : memref<10240x16xf32, #tpu.memory_space<vmem_shared>> -> memref<10240x16xf32, #tpu.memory_space<vmem_shared>>
      tpu.enqueue_indirect_dma source(%dma_start3A_130 : memref<10240x16xf32, #tpu.memory_space<vmem_shared>>) target(%arg11 : memref<128x16xf32, #tpu.memory_space<vmem>>) offsets(%dma_start3A_127 : memref<128xi32, #tpu.memory_space<vmem>>) semaphore(%arg22 : memref<!tpu.dma_semaphore, #tpu.memory_space<semaphore_mem>>)
      %mul3A_131 = arith.constant 8 : i32
      %mul3A_132 = arith.muli %scan3A_64, %mul3A_131 : i32
      %add3A_133 = arith.constant 6 : i32
      %add3A_134 = arith.addi %mul3A_132, %add3A_133 : i32
      %dma_start3A_135 = arith.constant 0 : i32
      %dma_start3A_136 = arith.constant 0 : i32
      %dma_start3A_137 = tpu.memref_slice %arg5[%dma_start3A_135, %add3A_134, %dma_start3A_136] : memref<2x80x128xi32, #tpu.memory_space<vmem>> -> memref<1x1x128xi32, #tpu.memory_space<vmem>>
      %dma_start3A_138 = tpu.memref_squeeze %dma_start3A_137 : memref<1x1x128xi32, #tpu.memory_space<vmem>> -> memref<128xi32, #tpu.memory_space<vmem>>
      %dma_start3A_139 = arith.constant 0 : i32
      %dma_start3A_140 = arith.constant 0 : i32
      %dma_start3A_141 = tpu.memref_slice %arg16[%dma_start3A_139, %dma_start3A_140] : memref<10240x16xf32, #tpu.memory_space<vmem_shared>> -> memref<10240x16xf32, #tpu.memory_space<vmem_shared>>
      tpu.enqueue_indirect_dma source(%dma_start3A_141 : memref<10240x16xf32, #tpu.memory_space<vmem_shared>>) target(%arg12 : memref<128x16xf32, #tpu.memory_space<vmem>>) offsets(%dma_start3A_138 : memref<128xi32, #tpu.memory_space<vmem>>) semaphore(%arg23 : memref<!tpu.dma_semaphore, #tpu.memory_space<semaphore_mem>>)
      %mul3A_142 = arith.constant 8 : i32
      %mul3A_143 = arith.muli %scan3A_64, %mul3A_142 : i32
      %add3A_144 = arith.constant 7 : i32
      %add3A_145 = arith.addi %mul3A_143, %add3A_144 : i32
      %dma_start3A_146 = arith.constant 0 : i32
      %dma_start3A_147 = arith.constant 0 : i32
      %dma_start3A_148 = tpu.memref_slice %arg5[%dma_start3A_146, %add3A_145, %dma_start3A_147] : memref<2x80x128xi32, #tpu.memory_space<vmem>> -> memref<1x1x128xi32, #tpu.memory_space<vmem>>
      %dma_start3A_149 = tpu.memref_squeeze %dma_start3A_148 : memref<1x1x128xi32, #tpu.memory_space<vmem>> -> memref<128xi32, #tpu.memory_space<vmem>>
      %dma_start3A_150 = arith.constant 0 : i32
      %dma_start3A_151 = arith.constant 0 : i32
      %dma_start3A_152 = tpu.memref_slice %arg16[%dma_start3A_150, %dma_start3A_151] : memref<10240x16xf32, #tpu.memory_space<vmem_shared>> -> memref<10240x16xf32, #tpu.memory_space<vmem_shared>>
      tpu.enqueue_indirect_dma source(%dma_start3A_152 : memref<10240x16xf32, #tpu.memory_space<vmem_shared>>) target(%arg13 : memref<128x16xf32, #tpu.memory_space<vmem>>) offsets(%dma_start3A_149 : memref<128xi32, #tpu.memory_space<vmem>>) semaphore(%arg24 : memref<!tpu.dma_semaphore, #tpu.memory_space<semaphore_mem>>)
      %dma_wait3A_153 = arith.constant 0 : i32
      %dma_wait3A_154 = arith.constant 0 : i32
      %dma_wait3A_155 = tpu.memref_slice %arg5[%dma_wait3A_153, %add3A_68, %dma_wait3A_154] : memref<2x80x128xi32, #tpu.memory_space<vmem>> -> memref<1x1x128xi32, #tpu.memory_space<vmem>>
      %dma_wait3A_156 = tpu.memref_squeeze %dma_wait3A_155 : memref<1x1x128xi32, #tpu.memory_space<vmem>> -> memref<128xi32, #tpu.memory_space<vmem>>
      %dma_wait3A_157 = arith.constant 0 : i32
      %dma_wait3A_158 = arith.constant 0 : i32
      %dma_wait3A_159 = tpu.memref_slice %arg16[%dma_wait3A_157, %dma_wait3A_158] : memref<10240x16xf32, #tpu.memory_space<vmem_shared>> -> memref<10240x16xf32, #tpu.memory_space<vmem_shared>>
      tpu.wait_indirect_dma semaphore(%arg17 : memref<!tpu.dma_semaphore, #tpu.memory_space<semaphore_mem>>) src(%dma_wait3A_159 : memref<10240x16xf32, #tpu.memory_space<vmem_shared>>) dst(%arg6 : memref<128x16xf32, #tpu.memory_space<vmem>>)
      %mul3A_160 = arith.constant 8 : i32
      %mul3A_161 = arith.muli %scan3A_64, %mul3A_160 : i32
      %add3A_162 = arith.constant 0 : i32
      %add3A_163 = arith.addi %mul3A_161, %add3A_162 : i32
      %dma_start3A_164 = arith.constant 1 : i32
      %dma_start3A_165 = arith.constant 0 : i32
      %dma_start3A_166 = tpu.memref_slice %arg5[%dma_start3A_164, %add3A_163, %dma_start3A_165] : memref<2x80x128xi32, #tpu.memory_space<vmem>> -> memref<1x1x128xi32, #tpu.memory_space<vmem>>
      %dma_start3A_167 = tpu.memref_squeeze %dma_start3A_166 : memref<1x1x128xi32, #tpu.memory_space<vmem>> -> memref<128xi32, #tpu.memory_space<vmem>>
      %dma_start3A_168 = arith.constant 0 : i32
      %dma_start3A_169 = arith.constant 0 : i32
      %dma_start3A_170 = tpu.memref_slice %arg15[%dma_start3A_168, %dma_start3A_169] : memref<10240x16xf32, #tpu.memory_space<vmem_shared>> -> memref<10240x16xf32, #tpu.memory_space<vmem_shared>>
      tpu.enqueue_indirect_dma source(%arg6 : memref<128x16xf32, #tpu.memory_space<vmem>>) target(%dma_start3A_170 : memref<10240x16xf32, #tpu.memory_space<vmem_shared>>) offsets(%dma_start3A_167 : memref<128xi32, #tpu.memory_space<vmem>>) semaphore(%arg25 : memref<!tpu.dma_semaphore, #tpu.memory_space<semaphore_mem>>) {add = true}
      %dma_wait3A_171 = arith.constant 0 : i32
      %dma_wait3A_172 = arith.constant 0 : i32
      %dma_wait3A_173 = tpu.memref_slice %arg5[%dma_wait3A_171, %add3A_79, %dma_wait3A_172] : memref<2x80x128xi32, #tpu.memory_space<vmem>> -> memref<1x1x128xi32, #tpu.memory_space<vmem>>
      %dma_wait3A_174 = tpu.memref_squeeze %dma_wait3A_173 : memref<1x1x128xi32, #tpu.memory_space<vmem>> -> memref<128xi32, #tpu.memory_space<vmem>>
      %dma_wait3A_175 = arith.constant 0 : i32
      %dma_wait3A_176 = arith.constant 0 : i32
      %dma_wait3A_177 = tpu.memref_slice %arg16[%dma_wait3A_175, %dma_wait3A_176] : memref<10240x16xf32, #tpu.memory_space<vmem_shared>> -> memref<10240x16xf32, #tpu.memory_space<vmem_shared>>
      tpu.wait_indirect_dma semaphore(%arg18 : memref<!tpu.dma_semaphore, #tpu.memory_space<semaphore_mem>>) src(%dma_wait3A_177 : memref<10240x16xf32, #tpu.memory_space<vmem_shared>>) dst(%arg7 : memref<128x16xf32, #tpu.memory_space<vmem>>)
      %mul3A_178 = arith.constant 8 : i32
      %mul3A_179 = arith.muli %scan3A_64, %mul3A_178 : i32
      %add3A_180 = arith.constant 1 : i32
      %add3A_181 = arith.addi %mul3A_179, %add3A_180 : i32
      %dma_start3A_182 = arith.constant 1 : i32
      %dma_start3A_183 = arith.constant 0 : i32
      %dma_start3A_184 = tpu.memref_slice %arg5[%dma_start3A_182, %add3A_181, %dma_start3A_183] : memref<2x80x128xi32, #tpu.memory_space<vmem>> -> memref<1x1x128xi32, #tpu.memory_space<vmem>>
      %dma_start3A_185 = tpu.memref_squeeze %dma_start3A_184 : memref<1x1x128xi32, #tpu.memory_space<vmem>> -> memref<128xi32, #tpu.memory_space<vmem>>
      %dma_start3A_186 = arith.constant 0 : i32
      %dma_start3A_187 = arith.constant 0 : i32
      %dma_start3A_188 = tpu.memref_slice %arg15[%dma_start3A_186, %dma_start3A_187] : memref<10240x16xf32, #tpu.memory_space<vmem_shared>> -> memref<10240x16xf32, #tpu.memory_space<vmem_shared>>
      tpu.enqueue_indirect_dma source(%arg7 : memref<128x16xf32, #tpu.memory_space<vmem>>) target(%dma_start3A_188 : memref<10240x16xf32, #tpu.memory_space<vmem_shared>>) offsets(%dma_start3A_185 : memref<128xi32, #tpu.memory_space<vmem>>) semaphore(%arg26 : memref<!tpu.dma_semaphore, #tpu.memory_space<semaphore_mem>>) {add = true}
      %dma_wait3A_189 = arith.constant 0 : i32
      %dma_wait3A_190 = arith.constant 0 : i32
      %dma_wait3A_191 = tpu.memref_slice %arg5[%dma_wait3A_189, %add3A_90, %dma_wait3A_190] : memref<2x80x128xi32, #tpu.memory_space<vmem>> -> memref<1x1x128xi32, #tpu.memory_space<vmem>>
      %dma_wait3A_192 = tpu.memref_squeeze %dma_wait3A_191 : memref<1x1x128xi32, #tpu.memory_space<vmem>> -> memref<128xi32, #tpu.memory_space<vmem>>
      %dma_wait3A_193 = arith.constant 0 : i32
      %dma_wait3A_194 = arith.constant 0 : i32
      %dma_wait3A_195 = tpu.memref_slice %arg16[%dma_wait3A_193, %dma_wait3A_194] : memref<10240x16xf32, #tpu.memory_space<vmem_shared>> -> memref<10240x16xf32, #tpu.memory_space<vmem_shared>>
      tpu.wait_indirect_dma semaphore(%arg19 : memref<!tpu.dma_semaphore, #tpu.memory_space<semaphore_mem>>) src(%dma_wait3A_195 : memref<10240x16xf32, #tpu.memory_space<vmem_shared>>) dst(%arg8 : memref<128x16xf32, #tpu.memory_space<vmem>>)
      %mul3A_196 = arith.constant 8 : i32
      %mul3A_197 = arith.muli %scan3A_64, %mul3A_196 : i32
      %add3A_198 = arith.constant 2 : i32
      %add3A_199 = arith.addi %mul3A_197, %add3A_198 : i32
      %dma_start3A_200 = arith.constant 1 : i32
      %dma_start3A_201 = arith.constant 0 : i32
      %dma_start3A_202 = tpu.memref_slice %arg5[%dma_start3A_200, %add3A_199, %dma_start3A_201] : memref<2x80x128xi32, #tpu.memory_space<vmem>> -> memref<1x1x128xi32, #tpu.memory_space<vmem>>
      %dma_start3A_203 = tpu.memref_squeeze %dma_start3A_202 : memref<1x1x128xi32, #tpu.memory_space<vmem>> -> memref<128xi32, #tpu.memory_space<vmem>>
      %dma_start3A_204 = arith.constant 0 : i32
      %dma_start3A_205 = arith.constant 0 : i32
      %dma_start3A_206 = tpu.memref_slice %arg15[%dma_start3A_204, %dma_start3A_205] : memref<10240x16xf32, #tpu.memory_space<vmem_shared>> -> memref<10240x16xf32, #tpu.memory_space<vmem_shared>>
      tpu.enqueue_indirect_dma source(%arg8 : memref<128x16xf32, #tpu.memory_space<vmem>>) target(%dma_start3A_206 : memref<10240x16xf32, #tpu.memory_space<vmem_shared>>) offsets(%dma_start3A_203 : memref<128xi32, #tpu.memory_space<vmem>>) semaphore(%arg27 : memref<!tpu.dma_semaphore, #tpu.memory_space<semaphore_mem>>) {add = true}
      %dma_wait3A_207 = arith.constant 0 : i32
      %dma_wait3A_208 = arith.constant 0 : i32
      %dma_wait3A_209 = tpu.memref_slice %arg5[%dma_wait3A_207, %add3A_101, %dma_wait3A_208] : memref<2x80x128xi32, #tpu.memory_space<vmem>> -> memref<1x1x128xi32, #tpu.memory_space<vmem>>
      %dma_wait3A_210 = tpu.memref_squeeze %dma_wait3A_209 : memref<1x1x128xi32, #tpu.memory_space<vmem>> -> memref<128xi32, #tpu.memory_space<vmem>>
      %dma_wait3A_211 = arith.constant 0 : i32
      %dma_wait3A_212 = arith.constant 0 : i32
      %dma_wait3A_213 = tpu.memref_slice %arg16[%dma_wait3A_211, %dma_wait3A_212] : memref<10240x16xf32, #tpu.memory_space<vmem_shared>> -> memref<10240x16xf32, #tpu.memory_space<vmem_shared>>
      tpu.wait_indirect_dma semaphore(%arg20 : memref<!tpu.dma_semaphore, #tpu.memory_space<semaphore_mem>>) src(%dma_wait3A_213 : memref<10240x16xf32, #tpu.memory_space<vmem_shared>>) dst(%arg9 : memref<128x16xf32, #tpu.memory_space<vmem>>)
      %mul3A_214 = arith.constant 8 : i32
      %mul3A_215 = arith.muli %scan3A_64, %mul3A_214 : i32
      %add3A_216 = arith.constant 3 : i32
      %add3A_217 = arith.addi %mul3A_215, %add3A_216 : i32
      %dma_start3A_218 = arith.constant 1 : i32
      %dma_start3A_219 = arith.constant 0 : i32
      %dma_start3A_220 = tpu.memref_slice %arg5[%dma_start3A_218, %add3A_217, %dma_start3A_219] : memref<2x80x128xi32, #tpu.memory_space<vmem>> -> memref<1x1x128xi32, #tpu.memory_space<vmem>>
      %dma_start3A_221 = tpu.memref_squeeze %dma_start3A_220 : memref<1x1x128xi32, #tpu.memory_space<vmem>> -> memref<128xi32, #tpu.memory_space<vmem>>
      %dma_start3A_222 = arith.constant 0 : i32
      %dma_start3A_223 = arith.constant 0 : i32
      %dma_start3A_224 = tpu.memref_slice %arg15[%dma_start3A_222, %dma_start3A_223] : memref<10240x16xf32, #tpu.memory_space<vmem_shared>> -> memref<10240x16xf32, #tpu.memory_space<vmem_shared>>
      tpu.enqueue_indirect_dma source(%arg9 : memref<128x16xf32, #tpu.memory_space<vmem>>) target(%dma_start3A_224 : memref<10240x16xf32, #tpu.memory_space<vmem_shared>>) offsets(%dma_start3A_221 : memref<128xi32, #tpu.memory_space<vmem>>) semaphore(%arg28 : memref<!tpu.dma_semaphore, #tpu.memory_space<semaphore_mem>>) {add = true}
      %dma_wait3A_225 = arith.constant 0 : i32
      %dma_wait3A_226 = arith.constant 0 : i32
      %dma_wait3A_227 = tpu.memref_slice %arg5[%dma_wait3A_225, %add3A_112, %dma_wait3A_226] : memref<2x80x128xi32, #tpu.memory_space<vmem>> -> memref<1x1x128xi32, #tpu.memory_space<vmem>>
      %dma_wait3A_228 = tpu.memref_squeeze %dma_wait3A_227 : memref<1x1x128xi32, #tpu.memory_space<vmem>> -> memref<128xi32, #tpu.memory_space<vmem>>
      %dma_wait3A_229 = arith.constant 0 : i32
      %dma_wait3A_230 = arith.constant 0 : i32
      %dma_wait3A_231 = tpu.memref_slice %arg16[%dma_wait3A_229, %dma_wait3A_230] : memref<10240x16xf32, #tpu.memory_space<vmem_shared>> -> memref<10240x16xf32, #tpu.memory_space<vmem_shared>>
      tpu.wait_indirect_dma semaphore(%arg21 : memref<!tpu.dma_semaphore, #tpu.memory_space<semaphore_mem>>) src(%dma_wait3A_231 : memref<10240x16xf32, #tpu.memory_space<vmem_shared>>) dst(%arg10 : memref<128x16xf32, #tpu.memory_space<vmem>>)
      %mul3A_232 = arith.constant 8 : i32
      %mul3A_233 = arith.muli %scan3A_64, %mul3A_232 : i32
      %add3A_234 = arith.constant 4 : i32
      %add3A_235 = arith.addi %mul3A_233, %add3A_234 : i32
      %dma_start3A_236 = arith.constant 1 : i32
      %dma_start3A_237 = arith.constant 0 : i32
      %dma_start3A_238 = tpu.memref_slice %arg5[%dma_start3A_236, %add3A_235, %dma_start3A_237] : memref<2x80x128xi32, #tpu.memory_space<vmem>> -> memref<1x1x128xi32, #tpu.memory_space<vmem>>
      %dma_start3A_239 = tpu.memref_squeeze %dma_start3A_238 : memref<1x1x128xi32, #tpu.memory_space<vmem>> -> memref<128xi32, #tpu.memory_space<vmem>>
      %dma_start3A_240 = arith.constant 0 : i32
      %dma_start3A_241 = arith.constant 0 : i32
      %dma_start3A_242 = tpu.memref_slice %arg15[%dma_start3A_240, %dma_start3A_241] : memref<10240x16xf32, #tpu.memory_space<vmem_shared>> -> memref<10240x16xf32, #tpu.memory_space<vmem_shared>>
      tpu.enqueue_indirect_dma source(%arg10 : memref<128x16xf32, #tpu.memory_space<vmem>>) target(%dma_start3A_242 : memref<10240x16xf32, #tpu.memory_space<vmem_shared>>) offsets(%dma_start3A_239 : memref<128xi32, #tpu.memory_space<vmem>>) semaphore(%arg29 : memref<!tpu.dma_semaphore, #tpu.memory_space<semaphore_mem>>) {add = true}
      %dma_wait3A_243 = arith.constant 0 : i32
      %dma_wait3A_244 = arith.constant 0 : i32
      %dma_wait3A_245 = tpu.memref_slice %arg5[%dma_wait3A_243, %add3A_123, %dma_wait3A_244] : memref<2x80x128xi32, #tpu.memory_space<vmem>> -> memref<1x1x128xi32, #tpu.memory_space<vmem>>
      %dma_wait3A_246 = tpu.memref_squeeze %dma_wait3A_245 : memref<1x1x128xi32, #tpu.memory_space<vmem>> -> memref<128xi32, #tpu.memory_space<vmem>>
      %dma_wait3A_247 = arith.constant 0 : i32
      %dma_wait3A_248 = arith.constant 0 : i32
      %dma_wait3A_249 = tpu.memref_slice %arg16[%dma_wait3A_247, %dma_wait3A_248] : memref<10240x16xf32, #tpu.memory_space<vmem_shared>> -> memref<10240x16xf32, #tpu.memory_space<vmem_shared>>
      tpu.wait_indirect_dma semaphore(%arg22 : memref<!tpu.dma_semaphore, #tpu.memory_space<semaphore_mem>>) src(%dma_wait3A_249 : memref<10240x16xf32, #tpu.memory_space<vmem_shared>>) dst(%arg11 : memref<128x16xf32, #tpu.memory_space<vmem>>)
      %mul3A_250 = arith.constant 8 : i32
      %mul3A_251 = arith.muli %scan3A_64, %mul3A_250 : i32
      %add3A_252 = arith.constant 5 : i32
      %add3A_253 = arith.addi %mul3A_251, %add3A_252 : i32
      %dma_start3A_254 = arith.constant 1 : i32
      %dma_start3A_255 = arith.constant 0 : i32
      %dma_start3A_256 = tpu.memref_slice %arg5[%dma_start3A_254, %add3A_253, %dma_start3A_255] : memref<2x80x128xi32, #tpu.memory_space<vmem>> -> memref<1x1x128xi32, #tpu.memory_space<vmem>>
      %dma_start3A_257 = tpu.memref_squeeze %dma_start3A_256 : memref<1x1x128xi32, #tpu.memory_space<vmem>> -> memref<128xi32, #tpu.memory_space<vmem>>
      %dma_start3A_258 = arith.constant 0 : i32
      %dma_start3A_259 = arith.constant 0 : i32
      %dma_start3A_260 = tpu.memref_slice %arg15[%dma_start3A_258, %dma_start3A_259] : memref<10240x16xf32, #tpu.memory_space<vmem_shared>> -> memref<10240x16xf32, #tpu.memory_space<vmem_shared>>
      tpu.enqueue_indirect_dma source(%arg11 : memref<128x16xf32, #tpu.memory_space<vmem>>) target(%dma_start3A_260 : memref<10240x16xf32, #tpu.memory_space<vmem_shared>>) offsets(%dma_start3A_257 : memref<128xi32, #tpu.memory_space<vmem>>) semaphore(%arg30 : memref<!tpu.dma_semaphore, #tpu.memory_space<semaphore_mem>>) {add = true}
      %dma_wait3A_261 = arith.constant 0 : i32
      %dma_wait3A_262 = arith.constant 0 : i32
      %dma_wait3A_263 = tpu.memref_slice %arg5[%dma_wait3A_261, %add3A_134, %dma_wait3A_262] : memref<2x80x128xi32, #tpu.memory_space<vmem>> -> memref<1x1x128xi32, #tpu.memory_space<vmem>>
      %dma_wait3A_264 = tpu.memref_squeeze %dma_wait3A_263 : memref<1x1x128xi32, #tpu.memory_space<vmem>> -> memref<128xi32, #tpu.memory_space<vmem>>
      %dma_wait3A_265 = arith.constant 0 : i32
      %dma_wait3A_266 = arith.constant 0 : i32
      %dma_wait3A_267 = tpu.memref_slice %arg16[%dma_wait3A_265, %dma_wait3A_266] : memref<10240x16xf32, #tpu.memory_space<vmem_shared>> -> memref<10240x16xf32, #tpu.memory_space<vmem_shared>>
      tpu.wait_indirect_dma semaphore(%arg23 : memref<!tpu.dma_semaphore, #tpu.memory_space<semaphore_mem>>) src(%dma_wait3A_267 : memref<10240x16xf32, #tpu.memory_space<vmem_shared>>) dst(%arg12 : memref<128x16xf32, #tpu.memory_space<vmem>>)
      %mul3A_268 = arith.constant 8 : i32
      %mul3A_269 = arith.muli %scan3A_64, %mul3A_268 : i32
      %add3A_270 = arith.constant 6 : i32
      %add3A_271 = arith.addi %mul3A_269, %add3A_270 : i32
      %dma_start3A_272 = arith.constant 1 : i32
      %dma_start3A_273 = arith.constant 0 : i32
      %dma_start3A_274 = tpu.memref_slice %arg5[%dma_start3A_272, %add3A_271, %dma_start3A_273] : memref<2x80x128xi32, #tpu.memory_space<vmem>> -> memref<1x1x128xi32, #tpu.memory_space<vmem>>
      %dma_start3A_275 = tpu.memref_squeeze %dma_start3A_274 : memref<1x1x128xi32, #tpu.memory_space<vmem>> -> memref<128xi32, #tpu.memory_space<vmem>>
      %dma_start3A_276 = arith.constant 0 : i32
      %dma_start3A_277 = arith.constant 0 : i32
      %dma_start3A_278 = tpu.memref_slice %arg15[%dma_start3A_276, %dma_start3A_277] : memref<10240x16xf32, #tpu.memory_space<vmem_shared>> -> memref<10240x16xf32, #tpu.memory_space<vmem_shared>>
      tpu.enqueue_indirect_dma source(%arg12 : memref<128x16xf32, #tpu.memory_space<vmem>>) target(%dma_start3A_278 : memref<10240x16xf32, #tpu.memory_space<vmem_shared>>) offsets(%dma_start3A_275 : memref<128xi32, #tpu.memory_space<vmem>>) semaphore(%arg31 : memref<!tpu.dma_semaphore, #tpu.memory_space<semaphore_mem>>) {add = true}
      %dma_wait3A_279 = arith.constant 0 : i32
      %dma_wait3A_280 = arith.constant 0 : i32
      %dma_wait3A_281 = tpu.memref_slice %arg5[%dma_wait3A_279, %add3A_145, %dma_wait3A_280] : memref<2x80x128xi32, #tpu.memory_space<vmem>> -> memref<1x1x128xi32, #tpu.memory_space<vmem>>
      %dma_wait3A_282 = tpu.memref_squeeze %dma_wait3A_281 : memref<1x1x128xi32, #tpu.memory_space<vmem>> -> memref<128xi32, #tpu.memory_space<vmem>>
      %dma_wait3A_283 = arith.constant 0 : i32
      %dma_wait3A_284 = arith.constant 0 : i32
      %dma_wait3A_285 = tpu.memref_slice %arg16[%dma_wait3A_283, %dma_wait3A_284] : memref<10240x16xf32, #tpu.memory_space<vmem_shared>> -> memref<10240x16xf32, #tpu.memory_space<vmem_shared>>
      tpu.wait_indirect_dma semaphore(%arg24 : memref<!tpu.dma_semaphore, #tpu.memory_space<semaphore_mem>>) src(%dma_wait3A_285 : memref<10240x16xf32, #tpu.memory_space<vmem_shared>>) dst(%arg13 : memref<128x16xf32, #tpu.memory_space<vmem>>)
      %mul3A_286 = arith.constant 8 : i32
      %mul3A_287 = arith.muli %scan3A_64, %mul3A_286 : i32
      %add3A_288 = arith.constant 7 : i32
      %add3A_289 = arith.addi %mul3A_287, %add3A_288 : i32
      %dma_start3A_290 = arith.constant 1 : i32
      %dma_start3A_291 = arith.constant 0 : i32
      %dma_start3A_292 = tpu.memref_slice %arg5[%dma_start3A_290, %add3A_289, %dma_start3A_291] : memref<2x80x128xi32, #tpu.memory_space<vmem>> -> memref<1x1x128xi32, #tpu.memory_space<vmem>>
      %dma_start3A_293 = tpu.memref_squeeze %dma_start3A_292 : memref<1x1x128xi32, #tpu.memory_space<vmem>> -> memref<128xi32, #tpu.memory_space<vmem>>
      %dma_start3A_294 = arith.constant 0 : i32
      %dma_start3A_295 = arith.constant 0 : i32
      %dma_start3A_296 = tpu.memref_slice %arg15[%dma_start3A_294, %dma_start3A_295] : memref<10240x16xf32, #tpu.memory_space<vmem_shared>> -> memref<10240x16xf32, #tpu.memory_space<vmem_shared>>
      tpu.enqueue_indirect_dma source(%arg13 : memref<128x16xf32, #tpu.memory_space<vmem>>) target(%dma_start3A_296 : memref<10240x16xf32, #tpu.memory_space<vmem_shared>>) offsets(%dma_start3A_293 : memref<128xi32, #tpu.memory_space<vmem>>) semaphore(%arg32 : memref<!tpu.dma_semaphore, #tpu.memory_space<semaphore_mem>>) {add = true}
      %dma_wait3A_297 = arith.constant 1 : i32
      %dma_wait3A_298 = arith.constant 0 : i32
      %dma_wait3A_299 = tpu.memref_slice %arg5[%dma_wait3A_297, %add3A_163, %dma_wait3A_298] : memref<2x80x128xi32, #tpu.memory_space<vmem>> -> memref<1x1x128xi32, #tpu.memory_space<vmem>>
      %dma_wait3A_300 = tpu.memref_squeeze %dma_wait3A_299 : memref<1x1x128xi32, #tpu.memory_space<vmem>> -> memref<128xi32, #tpu.memory_space<vmem>>
      %dma_wait3A_301 = arith.constant 0 : i32
      %dma_wait3A_302 = arith.constant 0 : i32
      %dma_wait3A_303 = tpu.memref_slice %arg15[%dma_wait3A_301, %dma_wait3A_302] : memref<10240x16xf32, #tpu.memory_space<vmem_shared>> -> memref<10240x16xf32, #tpu.memory_space<vmem_shared>>
      tpu.wait_indirect_dma semaphore(%arg25 : memref<!tpu.dma_semaphore, #tpu.memory_space<semaphore_mem>>) src(%arg6 : memref<128x16xf32, #tpu.memory_space<vmem>>) dst(%dma_wait3A_303 : memref<10240x16xf32, #tpu.memory_space<vmem_shared>>)
      %dma_wait3A_304 = arith.constant 1 : i32
      %dma_wait3A_305 = arith.constant 0 : i32
      %dma_wait3A_306 = tpu.memref_slice %arg5[%dma_wait3A_304, %add3A_181, %dma_wait3A_305] : memref<2x80x128xi32, #tpu.memory_space<vmem>> -> memref<1x1x128xi32, #tpu.memory_space<vmem>>
      %dma_wait3A_307 = tpu.memref_squeeze %dma_wait3A_306 : memref<1x1x128xi32, #tpu.memory_space<vmem>> -> memref<128xi32, #tpu.memory_space<vmem>>
      %dma_wait3A_308 = arith.constant 0 : i32
      %dma_wait3A_309 = arith.constant 0 : i32
      %dma_wait3A_310 = tpu.memref_slice %arg15[%dma_wait3A_308, %dma_wait3A_309] : memref<10240x16xf32, #tpu.memory_space<vmem_shared>> -> memref<10240x16xf32, #tpu.memory_space<vmem_shared>>
      tpu.wait_indirect_dma semaphore(%arg26 : memref<!tpu.dma_semaphore, #tpu.memory_space<semaphore_mem>>) src(%arg7 : memref<128x16xf32, #tpu.memory_space<vmem>>) dst(%dma_wait3A_310 : memref<10240x16xf32, #tpu.memory_space<vmem_shared>>)
      %dma_wait3A_311 = arith.constant 1 : i32
      %dma_wait3A_312 = arith.constant 0 : i32
      %dma_wait3A_313 = tpu.memref_slice %arg5[%dma_wait3A_311, %add3A_199, %dma_wait3A_312] : memref<2x80x128xi32, #tpu.memory_space<vmem>> -> memref<1x1x128xi32, #tpu.memory_space<vmem>>
      %dma_wait3A_314 = tpu.memref_squeeze %dma_wait3A_313 : memref<1x1x128xi32, #tpu.memory_space<vmem>> -> memref<128xi32, #tpu.memory_space<vmem>>
      %dma_wait3A_315 = arith.constant 0 : i32
      %dma_wait3A_316 = arith.constant 0 : i32
      %dma_wait3A_317 = tpu.memref_slice %arg15[%dma_wait3A_315, %dma_wait3A_316] : memref<10240x16xf32, #tpu.memory_space<vmem_shared>> -> memref<10240x16xf32, #tpu.memory_space<vmem_shared>>
      tpu.wait_indirect_dma semaphore(%arg27 : memref<!tpu.dma_semaphore, #tpu.memory_space<semaphore_mem>>) src(%arg8 : memref<128x16xf32, #tpu.memory_space<vmem>>) dst(%dma_wait3A_317 : memref<10240x16xf32, #tpu.memory_space<vmem_shared>>)
      %dma_wait3A_318 = arith.constant 1 : i32
      %dma_wait3A_319 = arith.constant 0 : i32
      %dma_wait3A_320 = tpu.memref_slice %arg5[%dma_wait3A_318, %add3A_217, %dma_wait3A_319] : memref<2x80x128xi32, #tpu.memory_space<vmem>> -> memref<1x1x128xi32, #tpu.memory_space<vmem>>
      %dma_wait3A_321 = tpu.memref_squeeze %dma_wait3A_320 : memref<1x1x128xi32, #tpu.memory_space<vmem>> -> memref<128xi32, #tpu.memory_space<vmem>>
      %dma_wait3A_322 = arith.constant 0 : i32
      %dma_wait3A_323 = arith.constant 0 : i32
      %dma_wait3A_324 = tpu.memref_slice %arg15[%dma_wait3A_322, %dma_wait3A_323] : memref<10240x16xf32, #tpu.memory_space<vmem_shared>> -> memref<10240x16xf32, #tpu.memory_space<vmem_shared>>
      tpu.wait_indirect_dma semaphore(%arg28 : memref<!tpu.dma_semaphore, #tpu.memory_space<semaphore_mem>>) src(%arg9 : memref<128x16xf32, #tpu.memory_space<vmem>>) dst(%dma_wait3A_324 : memref<10240x16xf32, #tpu.memory_space<vmem_shared>>)
      %dma_wait3A_325 = arith.constant 1 : i32
      %dma_wait3A_326 = arith.constant 0 : i32
      %dma_wait3A_327 = tpu.memref_slice %arg5[%dma_wait3A_325, %add3A_235, %dma_wait3A_326] : memref<2x80x128xi32, #tpu.memory_space<vmem>> -> memref<1x1x128xi32, #tpu.memory_space<vmem>>
      %dma_wait3A_328 = tpu.memref_squeeze %dma_wait3A_327 : memref<1x1x128xi32, #tpu.memory_space<vmem>> -> memref<128xi32, #tpu.memory_space<vmem>>
      %dma_wait3A_329 = arith.constant 0 : i32
      %dma_wait3A_330 = arith.constant 0 : i32
      %dma_wait3A_331 = tpu.memref_slice %arg15[%dma_wait3A_329, %dma_wait3A_330] : memref<10240x16xf32, #tpu.memory_space<vmem_shared>> -> memref<10240x16xf32, #tpu.memory_space<vmem_shared>>
      tpu.wait_indirect_dma semaphore(%arg29 : memref<!tpu.dma_semaphore, #tpu.memory_space<semaphore_mem>>) src(%arg10 : memref<128x16xf32, #tpu.memory_space<vmem>>) dst(%dma_wait3A_331 : memref<10240x16xf32, #tpu.memory_space<vmem_shared>>)
      %dma_wait3A_332 = arith.constant 1 : i32
      %dma_wait3A_333 = arith.constant 0 : i32
      %dma_wait3A_334 = tpu.memref_slice %arg5[%dma_wait3A_332, %add3A_253, %dma_wait3A_333] : memref<2x80x128xi32, #tpu.memory_space<vmem>> -> memref<1x1x128xi32, #tpu.memory_space<vmem>>
      %dma_wait3A_335 = tpu.memref_squeeze %dma_wait3A_334 : memref<1x1x128xi32, #tpu.memory_space<vmem>> -> memref<128xi32, #tpu.memory_space<vmem>>
      %dma_wait3A_336 = arith.constant 0 : i32
      %dma_wait3A_337 = arith.constant 0 : i32
      %dma_wait3A_338 = tpu.memref_slice %arg15[%dma_wait3A_336, %dma_wait3A_337] : memref<10240x16xf32, #tpu.memory_space<vmem_shared>> -> memref<10240x16xf32, #tpu.memory_space<vmem_shared>>
      tpu.wait_indirect_dma semaphore(%arg30 : memref<!tpu.dma_semaphore, #tpu.memory_space<semaphore_mem>>) src(%arg11 : memref<128x16xf32, #tpu.memory_space<vmem>>) dst(%dma_wait3A_338 : memref<10240x16xf32, #tpu.memory_space<vmem_shared>>)
      %dma_wait3A_339 = arith.constant 1 : i32
      %dma_wait3A_340 = arith.constant 0 : i32
      %dma_wait3A_341 = tpu.memref_slice %arg5[%dma_wait3A_339, %add3A_271, %dma_wait3A_340] : memref<2x80x128xi32, #tpu.memory_space<vmem>> -> memref<1x1x128xi32, #tpu.memory_space<vmem>>
      %dma_wait3A_342 = tpu.memref_squeeze %dma_wait3A_341 : memref<1x1x128xi32, #tpu.memory_space<vmem>> -> memref<128xi32, #tpu.memory_space<vmem>>
      %dma_wait3A_343 = arith.constant 0 : i32
      %dma_wait3A_344 = arith.constant 0 : i32
      %dma_wait3A_345 = tpu.memref_slice %arg15[%dma_wait3A_343, %dma_wait3A_344] : memref<10240x16xf32, #tpu.memory_space<vmem_shared>> -> memref<10240x16xf32, #tpu.memory_space<vmem_shared>>
      tpu.wait_indirect_dma semaphore(%arg31 : memref<!tpu.dma_semaphore, #tpu.memory_space<semaphore_mem>>) src(%arg12 : memref<128x16xf32, #tpu.memory_space<vmem>>) dst(%dma_wait3A_345 : memref<10240x16xf32, #tpu.memory_space<vmem_shared>>)
      %dma_wait3A_346 = arith.constant 1 : i32
      %dma_wait3A_347 = arith.constant 0 : i32
      %dma_wait3A_348 = tpu.memref_slice %arg5[%dma_wait3A_346, %add3A_289, %dma_wait3A_347] : memref<2x80x128xi32, #tpu.memory_space<vmem>> -> memref<1x1x128xi32, #tpu.memory_space<vmem>>
      %dma_wait3A_349 = tpu.memref_squeeze %dma_wait3A_348 : memref<1x1x128xi32, #tpu.memory_space<vmem>> -> memref<128xi32, #tpu.memory_space<vmem>>
      %dma_wait3A_350 = arith.constant 0 : i32
      %dma_wait3A_351 = arith.constant 0 : i32
      %dma_wait3A_352 = tpu.memref_slice %arg15[%dma_wait3A_350, %dma_wait3A_351] : memref<10240x16xf32, #tpu.memory_space<vmem_shared>> -> memref<10240x16xf32, #tpu.memory_space<vmem_shared>>
      tpu.wait_indirect_dma semaphore(%arg32 : memref<!tpu.dma_semaphore, #tpu.memory_space<semaphore_mem>>) src(%arg13 : memref<128x16xf32, #tpu.memory_space<vmem>>) dst(%dma_wait3A_352 : memref<10240x16xf32, #tpu.memory_space<vmem_shared>>)
    }
    %scan3A_58 = arith.constant 10 : i32
    %barrier3A_59 = arith.constant 0 : index
    tpu.barrier barrier_id(%barrier3A_59)
    %mul3A_60 = arith.constant 640 : i32
    %mul3A_61 = arith.muli %arg1, %mul3A_60 : i32
    %mul3A_62 = arith.constant 640 : i32
    %mul3A_63 = arith.muli %arg1, %mul3A_62 : i32
    "tpu.region"() ({
      %run_scoped3A_64 = tpu.sem_alloc : memref<!tpu.dma_semaphore, #tpu.memory_space<semaphore_mem>>
      %dma_start3A_65 = arith.constant 0 : i32
      %dma_start3A_66 = tpu.memref_slice %arg4[%arg0, %mul3A_63, %dma_start3A_65] : memref<2x10240x16xf32, #tpu.memory_space<hbm>> -> memref<1x640x16xf32, #tpu.memory_space<hbm>>
      %dma_start3A_67 = tpu.memref_squeeze %dma_start3A_66 : memref<1x640x16xf32, #tpu.memory_space<hbm>> -> memref<640x16xf32, #tpu.memory_space<hbm>>
      %dma_start3A_68 = arith.constant 0 : i32
      %dma_start3A_69 = tpu.memref_slice %arg15[%mul3A_61, %dma_start3A_68] : memref<10240x16xf32, #tpu.memory_space<vmem_shared>> -> memref<640x16xf32, #tpu.memory_space<vmem_shared>>
      tpu.enqueue_dma source(%dma_start3A_69 : memref<640x16xf32, #tpu.memory_space<vmem_shared>>) target(%dma_start3A_67 : memref<640x16xf32, #tpu.memory_space<hbm>>) target_semaphore(%run_scoped3A_64 : memref<!tpu.dma_semaphore, #tpu.memory_space<semaphore_mem>>)
      %dma_wait3A_70 = arith.constant 0 : i32
      %dma_wait3A_71 = tpu.memref_slice %arg4[%arg0, %mul3A_63, %dma_wait3A_70] : memref<2x10240x16xf32, #tpu.memory_space<hbm>> -> memref<1x640x16xf32, #tpu.memory_space<hbm>>
      %dma_wait3A_72 = tpu.memref_squeeze %dma_wait3A_71 : memref<1x640x16xf32, #tpu.memory_space<hbm>> -> memref<640x16xf32, #tpu.memory_space<hbm>>
      %dma_wait3A_73 = arith.constant 0 : i32
      %dma_wait3A_74 = tpu.memref_slice %arg15[%mul3A_61, %dma_wait3A_73] : memref<10240x16xf32, #tpu.memory_space<vmem_shared>> -> memref<640x16xf32, #tpu.memory_space<vmem_shared>>
      tpu.wait_dma2 semaphore(%run_scoped3A_64 : memref<!tpu.dma_semaphore, #tpu.memory_space<semaphore_mem>>) src(%dma_wait3A_74 : memref<640x16xf32, #tpu.memory_space<vmem_shared>>) dst(%dma_wait3A_72 : memref<640x16xf32, #tpu.memory_space<hbm>>)
      tpu.yield
    }) : () -> ()
    return
  }
}

module attributes {stable_mosaic.version = 14 : i64} {
  func.func @_tc_pre_body(%arg0: memref<10000x128xf32, #tpu.memory_space<vmem>>, %arg1: memref<128x16xf32, #tpu.memory_space<vmem>>, %arg2: memref<2x10240x1xf32, #tpu.memory_space<vmem>>, %arg3: memref<10240x16xf32, #tpu.memory_space<vmem>>, %arg4: memref<10000x1xf32, #tpu.memory_space<vmem>>) attributes {dimension_semantics = [], scalar_prefetch = 0 : i64, scratch_operands = 0 : i64, tpu.core_type = #tpu.core_type<tc>} {
    %get3A = arith.constant 0 : index
    %get3A_0 = arith.constant 0 : index
    %get3A_1 = arith.constant 0 : index
    %get3A_2 = vector.load %arg2[%get3A, %get3A_0, %get3A_1] : memref<2x10240x1xf32, #tpu.memory_space<vmem>>, vector<1x10000x1xf32>
    %get3A_3 = vector.shape_cast %get3A_2 : vector<1x10000x1xf32> to vector<10000x1xf32>
    %get3A_4 = arith.constant 1 : index
    %get3A_5 = arith.constant 0 : index
    %get3A_6 = arith.constant 0 : index
    %get3A_7 = vector.load %arg2[%get3A_4, %get3A_5, %get3A_6] : memref<2x10240x1xf32, #tpu.memory_space<vmem>>, vector<1x10000x1xf32>
    %get3A_8 = vector.shape_cast %get3A_7 : vector<1x10000x1xf32> to vector<10000x1xf32>
    %add3A = arith.addf %get3A_3, %get3A_8 : vector<10000x1xf32>
    %add3A_9 = arith.constant 1.000000e+00 : f32
    %add3A_10 = vector.broadcast %add3A_9 : f32 to vector<10000x1xf32>
    %add3A_11 = arith.addf %add3A, %add3A_10 : vector<10000x1xf32>
    %rsqrt3A = math.rsqrt %add3A_11 : vector<10000x1xf32>
    %swap3A = arith.constant 0 : index
    %swap3A_12 = arith.constant 0 : index
    %swap3A_13 = vector.load %arg4[%swap3A, %swap3A_12] : memref<10000x1xf32, #tpu.memory_space<vmem>>, vector<10000x1xf32>
    tpu.vector_store %arg4[%swap3A, %swap3A_12], %rsqrt3A {strides = array<i32>} : memref<10000x1xf32, #tpu.memory_space<vmem>>, vector<10000x1xf32>,
    %get3A_14 = arith.constant 0 : index
    %get3A_15 = arith.constant 0 : index
    %get3A_16 = vector.load %arg0[%get3A_14, %get3A_15] : memref<10000x128xf32, #tpu.memory_space<vmem>>, vector<10000x128xf32>
    %get3A_17 = arith.constant 0 : index
    %get3A_18 = arith.constant 0 : index
    %get3A_19 = vector.load %arg1[%get3A_17, %get3A_18] : memref<128x16xf32, #tpu.memory_space<vmem>>, vector<128x16xf32>
    %dot_general3A = arith.constant dense<0.000000e+00> : vector<10000x16xf32>
    %dot_general3A_20 = tpu.matmul %get3A_16, %get3A_19, %dot_general3A {dimension_numbers = #tpu.dot_dimension_numbers<[1], [0], [0], [1], [0, 0, 1, 1], [], []>, transpose_lhs_hint = false} : vector<10000x128xf32>, vector<128x16xf32>, vector<10000x16xf32> -> vector<10000x16xf32>
    %mul3A = vector.broadcast %rsqrt3A : vector<10000x1xf32> to vector<10000x16xf32>
    %mul3A_21 = arith.mulf %dot_general3A_20, %mul3A : vector<10000x16xf32>
    %swap3A_22 = arith.constant 0 : index
    %swap3A_23 = arith.constant 0 : index
    %swap3A_24 = vector.load %arg3[%swap3A_22, %swap3A_23] : memref<10240x16xf32, #tpu.memory_space<vmem>>, vector<10000x16xf32>
    tpu.vector_store %arg3[%swap3A_22, %swap3A_23], %mul3A_21 {strides = array<i32>} : memref<10240x16xf32, #tpu.memory_space<vmem>>, vector<10000x16xf32>,
    %broadcast_in_dim3A = arith.constant 0.000000e+00 : f32
    %broadcast_in_dim3A_25 = vector.broadcast %broadcast_in_dim3A : f32 to vector<240x16xf32>
    %swap3A_26 = arith.constant 10000 : index
    %swap3A_27 = arith.constant 0 : index
    %swap3A_28 = vector.load %arg3[%swap3A_26, %swap3A_27] : memref<10240x16xf32, #tpu.memory_space<vmem>>, vector<240x16xf32>
    tpu.vector_store %arg3[%swap3A_26, %swap3A_27], %broadcast_in_dim3A_25 {strides = array<i32>} : memref<10240x16xf32, #tpu.memory_space<vmem>>, vector<240x16xf32>,
    return
  }
}

module attributes {stable_mosaic.version = 14 : i64} {
  func.func @_tc_mid_body(%arg0: memref<2x10240x16xf32, #tpu.memory_space<vmem>>, %arg1: memref<10240x16xf32, #tpu.memory_space<vmem>>, %arg2: memref<10000x1xf32, #tpu.memory_space<vmem>>, %arg3: memref<1x16xf32, #tpu.memory_space<vmem>>, %arg4: memref<16x16xf32, #tpu.memory_space<vmem>>, %arg5: memref<10240x16xf32, #tpu.memory_space<vmem>>) attributes {dimension_semantics = [], scalar_prefetch = 0 : i64, scratch_operands = 0 : i64, tpu.core_type = #tpu.core_type<tc>} {
    %get3A = arith.constant 0 : index
    %get3A_0 = arith.constant 0 : index
    %get3A_1 = arith.constant 0 : index
    %get3A_2 = vector.load %arg0[%get3A, %get3A_0, %get3A_1] : memref<2x10240x16xf32, #tpu.memory_space<vmem>>, vector<1x10000x16xf32>
    %get3A_3 = vector.shape_cast %get3A_2 : vector<1x10000x16xf32> to vector<10000x16xf32>
    %get3A_4 = arith.constant 1 : index
    %get3A_5 = arith.constant 0 : index
    %get3A_6 = arith.constant 0 : index
    %get3A_7 = vector.load %arg0[%get3A_4, %get3A_5, %get3A_6] : memref<2x10240x16xf32, #tpu.memory_space<vmem>>, vector<1x10000x16xf32>
    %get3A_8 = vector.shape_cast %get3A_7 : vector<1x10000x16xf32> to vector<10000x16xf32>
    %add3A = arith.addf %get3A_3, %get3A_8 : vector<10000x16xf32>
    %get3A_9 = arith.constant 0 : index
    %get3A_10 = arith.constant 0 : index
    %get3A_11 = vector.load %arg2[%get3A_9, %get3A_10] : memref<10000x1xf32, #tpu.memory_space<vmem>>, vector<10000x1xf32>
    %get3A_12 = arith.constant 0 : index
    %get3A_13 = arith.constant 0 : index
    %get3A_14 = vector.load %arg1[%get3A_12, %get3A_13] : memref<10240x16xf32, #tpu.memory_space<vmem>>, vector<10000x16xf32>
    %add3A_15 = arith.addf %add3A, %get3A_14 : vector<10000x16xf32>
    %mul3A = vector.broadcast %get3A_11 : vector<10000x1xf32> to vector<10000x16xf32>
    %mul3A_16 = arith.mulf %mul3A, %add3A_15 : vector<10000x16xf32>
    %get3A_17 = arith.constant 0 : index
    %get3A_18 = arith.constant 0 : index
    %get3A_19 = vector.load %arg3[%get3A_17, %get3A_18] : memref<1x16xf32, #tpu.memory_space<vmem>>, vector<1x16xf32>
    %add3A_20 = vector.broadcast %get3A_19 : vector<1x16xf32> to vector<10000x16xf32>
    %add3A_21 = arith.addf %mul3A_16, %add3A_20 : vector<10000x16xf32>
    %max3A = arith.constant 0.000000e+00 : f32
    %max3A_22 = vector.broadcast %max3A : f32 to vector<10000x16xf32>
    %max3A_23 = arith.maximumf %add3A_21, %max3A_22 : vector<10000x16xf32>
    %get3A_24 = arith.constant 0 : index
    %get3A_25 = arith.constant 0 : index
    %get3A_26 = vector.load %arg4[%get3A_24, %get3A_25] : memref<16x16xf32, #tpu.memory_space<vmem>>, vector<16x16xf32>
    %dot_general3A = arith.constant dense<0.000000e+00> : vector<10000x16xf32>
    %dot_general3A_27 = tpu.matmul %max3A_23, %get3A_26, %dot_general3A {dimension_numbers = #tpu.dot_dimension_numbers<[1], [0], [0], [1], [0, 0, 1, 1], [], []>, transpose_lhs_hint = false} : vector<10000x16xf32>, vector<16x16xf32>, vector<10000x16xf32> -> vector<10000x16xf32>
    %mul3A_28 = vector.broadcast %get3A_11 : vector<10000x1xf32> to vector<10000x16xf32>
    %mul3A_29 = arith.mulf %dot_general3A_27, %mul3A_28 : vector<10000x16xf32>
    %swap3A = arith.constant 0 : index
    %swap3A_30 = arith.constant 0 : index
    %swap3A_31 = vector.load %arg5[%swap3A, %swap3A_30] : memref<10240x16xf32, #tpu.memory_space<vmem>>, vector<10000x16xf32>
    tpu.vector_store %arg5[%swap3A, %swap3A_30], %mul3A_29 {strides = array<i32>} : memref<10240x16xf32, #tpu.memory_space<vmem>>, vector<10000x16xf32>,
    %broadcast_in_dim3A = arith.constant 0.000000e+00 : f32
    %broadcast_in_dim3A_32 = vector.broadcast %broadcast_in_dim3A : f32 to vector<240x16xf32>
    %swap3A_33 = arith.constant 10000 : index
    %swap3A_34 = arith.constant 0 : index
    %swap3A_35 = vector.load %arg5[%swap3A_33, %swap3A_34] : memref<10240x16xf32, #tpu.memory_space<vmem>>, vector<240x16xf32>
    tpu.vector_store %arg5[%swap3A_33, %swap3A_34], %broadcast_in_dim3A_32 {strides = array<i32>} : memref<10240x16xf32, #tpu.memory_space<vmem>>, vector<240x16xf32>,
    return
  }
}

module attributes {stable_mosaic.version = 14 : i64} {
  func.func @_tc_head_body(%arg0: memref<2x10240x16xf32, #tpu.memory_space<vmem>>, %arg1: memref<10240x16xf32, #tpu.memory_space<vmem>>, %arg2: memref<10000x1xf32, #tpu.memory_space<vmem>>, %arg3: memref<1x10xf32, #tpu.memory_space<vmem>>, %arg4: memref<10000x3xf32, #tpu.memory_space<vmem>>, %arg5: memref<10x10xf32, #tpu.memory_space<vmem>>, %arg6: memref<1x10xf32, #tpu.memory_space<vmem>>, %arg7: memref<20x10xf32, #tpu.memory_space<vmem>>, %arg8: memref<1x10xf32, #tpu.memory_space<vmem>>, %arg9: memref<30x10xf32, #tpu.memory_space<vmem>>, %arg10: memref<1x10xf32, #tpu.memory_space<vmem>>, %arg11: memref<1x10xf32, #tpu.memory_space<vmem>>, %arg12: memref<1x10xf32, #tpu.memory_space<vmem>>, %arg13: memref<10000x10xf32, #tpu.memory_space<vmem>>) attributes {dimension_semantics = [], scalar_prefetch = 0 : i64, scratch_operands = 0 : i64, tpu.core_type = #tpu.core_type<tc>} {
    %get3A = arith.constant 0 : index
    %get3A_0 = arith.constant 0 : index
    %get3A_1 = arith.constant 0 : index
    %get3A_2 = vector.load %arg0[%get3A, %get3A_0, %get3A_1] : memref<2x10240x16xf32, #tpu.memory_space<vmem>>, vector<1x10000x16xf32>
    %get3A_3 = vector.shape_cast %get3A_2 : vector<1x10000x16xf32> to vector<10000x16xf32>
    %get3A_4 = arith.constant 1 : index
    %get3A_5 = arith.constant 0 : index
    %get3A_6 = arith.constant 0 : index
    %get3A_7 = vector.load %arg0[%get3A_4, %get3A_5, %get3A_6] : memref<2x10240x16xf32, #tpu.memory_space<vmem>>, vector<1x10000x16xf32>
    %get3A_8 = vector.shape_cast %get3A_7 : vector<1x10000x16xf32> to vector<10000x16xf32>
    %add3A = arith.addf %get3A_3, %get3A_8 : vector<10000x16xf32>
    %get3A_9 = arith.constant 0 : index
    %get3A_10 = arith.constant 0 : index
    %get3A_11 = vector.load %arg2[%get3A_9, %get3A_10] : memref<10000x1xf32, #tpu.memory_space<vmem>>, vector<10000x1xf32>
    %get3A_12 = arith.constant 0 : index
    %get3A_13 = arith.constant 0 : index
    %get3A_14 = vector.load %arg1[%get3A_12, %get3A_13] : memref<10240x16xf32, #tpu.memory_space<vmem>>, vector<10000x16xf32>
    %add3A_15 = arith.addf %add3A, %get3A_14 : vector<10000x16xf32>
    %mul3A = vector.broadcast %get3A_11 : vector<10000x1xf32> to vector<10000x16xf32>
    %mul3A_16 = arith.mulf %mul3A, %add3A_15 : vector<10000x16xf32>
    %slice3A = vector.extract_strided_slice %mul3A_16 {offsets = [0, 0], sizes = [10000, 10], strides = [1, 1]} : vector<10000x16xf32> to vector<10000x10xf32>
    %get3A_17 = arith.constant 0 : index
    %get3A_18 = arith.constant 0 : index
    %get3A_19 = vector.load %arg3[%get3A_17, %get3A_18] : memref<1x10xf32, #tpu.memory_space<vmem>>, vector<1x10xf32>
    %add3A_20 = vector.broadcast %get3A_19 : vector<1x10xf32> to vector<10000x10xf32>
    %add3A_21 = arith.addf %slice3A, %add3A_20 : vector<10000x10xf32>
    %reduce_max3A = arith.constant dense<0xFF800000> : vector<10000xf32>
    %reduce_max3A_22 = vector.multi_reduction <maximumf>, %add3A_21, %reduce_max3A [1] : vector<10000x10xf32> to vector<10000xf32>
    %broadcast_in_dim3A = vector.shape_cast %reduce_max3A_22 : vector<10000xf32> to vector<10000x1xf32>
    %sub3A = vector.broadcast %broadcast_in_dim3A : vector<10000x1xf32> to vector<10000x10xf32>
    %sub3A_23 = arith.subf %add3A_21, %sub3A : vector<10000x10xf32>
    %exp3A = math.exp %sub3A_23 : vector<10000x10xf32>
    %reduce_sum3A = arith.constant dense<0.000000e+00> : vector<10000xf32>
    %reduce_sum3A_24 = vector.multi_reduction <add>, %exp3A, %reduce_sum3A [1] : vector<10000x10xf32> to vector<10000xf32>
    %broadcast_in_dim3A_25 = vector.shape_cast %reduce_sum3A_24 : vector<10000xf32> to vector<10000x1xf32>
    %log3A = math.log %broadcast_in_dim3A_25 : vector<10000x1xf32>
    %add3A_26 = arith.addf %broadcast_in_dim3A, %log3A : vector<10000x1xf32>
    %sub3A_27 = vector.broadcast %add3A_26 : vector<10000x1xf32> to vector<10000x10xf32>
    %sub3A_28 = arith.subf %add3A_21, %sub3A_27 : vector<10000x10xf32>
    %get3A_29 = arith.constant 0 : index
    %get3A_30 = arith.constant 0 : index
    %get3A_31 = vector.load %arg4[%get3A_29, %get3A_30] : memref<10000x3xf32, #tpu.memory_space<vmem>>, vector<10000x1xf32>
    %mul3A_32 = arith.constant 0.0141414283 : f32
    %mul3A_33 = vector.broadcast %mul3A_32 : f32 to vector<10000x1xf32>
    %mul3A_34 = arith.mulf %get3A_31, %mul3A_33 : vector<10000x1xf32>
    %exp3A_35 = math.exp %mul3A_34 : vector<10000x1xf32>
    %get3A_36 = arith.constant 0 : index
    %get3A_37 = arith.constant 1 : index
    %get3A_38 = vector.load %arg4[%get3A_36, %get3A_37] : memref<10000x3xf32, #tpu.memory_space<vmem>>, vector<10000x1xf32>
    %mul3A_39 = arith.constant 0.0141414283 : f32
    %mul3A_40 = vector.broadcast %mul3A_39 : f32 to vector<10000x1xf32>
    %mul3A_41 = arith.mulf %get3A_38, %mul3A_40 : vector<10000x1xf32>
    %exp3A_42 = math.exp %mul3A_41 : vector<10000x1xf32>
    %get3A_43 = arith.constant 0 : index
    %get3A_44 = arith.constant 2 : index
    %get3A_45 = vector.load %arg4[%get3A_43, %get3A_44] : memref<10000x3xf32, #tpu.memory_space<vmem>>, vector<10000x1xf32>
    %mul3A_46 = arith.constant 0.0141414283 : f32
    %mul3A_47 = vector.broadcast %mul3A_46 : f32 to vector<10000x1xf32>
    %mul3A_48 = arith.mulf %get3A_45, %mul3A_47 : vector<10000x1xf32>
    %exp3A_49 = math.exp %mul3A_48 : vector<10000x1xf32>
    %mul3A_50 = vector.broadcast %exp3A_35 : vector<10000x1xf32> to vector<10000x10xf32>
    %mul3A_51 = arith.mulf %mul3A_50, %sub3A_28 : vector<10000x10xf32>
    %get3A_52 = arith.constant 0 : index
    %get3A_53 = arith.constant 0 : index
    %get3A_54 = vector.load %arg5[%get3A_52, %get3A_53] : memref<10x10xf32, #tpu.memory_space<vmem>>, vector<10x10xf32>
    %dot_general3A = arith.constant dense<0.000000e+00> : vector<10000x10xf32>
    %dot_general3A_55 = tpu.matmul %mul3A_51, %get3A_54, %dot_general3A {dimension_numbers = #tpu.dot_dimension_numbers<[1], [0], [0], [1], [0, 0, 1, 1], [], []>, transpose_lhs_hint = false} : vector<10000x10xf32>, vector<10x10xf32>, vector<10000x10xf32> -> vector<10000x10xf32>
    %get3A_56 = arith.constant 0 : index
    %get3A_57 = arith.constant 0 : index
    %get3A_58 = vector.load %arg6[%get3A_56, %get3A_57] : memref<1x10xf32, #tpu.memory_space<vmem>>, vector<1x10xf32>
    %add3A_59 = vector.broadcast %get3A_58 : vector<1x10xf32> to vector<10000x10xf32>
    %add3A_60 = arith.addf %dot_general3A_55, %add3A_59 : vector<10000x10xf32>
    %mul3A_61 = vector.broadcast %exp3A_42 : vector<10000x1xf32> to vector<10000x10xf32>
    %mul3A_62 = arith.mulf %mul3A_61, %add3A_60 : vector<10000x10xf32>
    %concatenate3A = tpu.concatenate %mul3A_51, %mul3A_62 in 1 : vector<10000x10xf32>, vector<10000x10xf32> -> vector<10000x20xf32>
    %get3A_63 = arith.constant 0 : index
    %get3A_64 = arith.constant 0 : index
    %get3A_65 = vector.load %arg7[%get3A_63, %get3A_64] : memref<20x10xf32, #tpu.memory_space<vmem>>, vector<20x10xf32>
    %dot_general3A_66 = arith.constant dense<0.000000e+00> : vector<10000x10xf32>
    %dot_general3A_67 = tpu.matmul %concatenate3A, %get3A_65, %dot_general3A_66 {dimension_numbers = #tpu.dot_dimension_numbers<[1], [0], [0], [1], [0, 0, 1, 1], [], []>, transpose_lhs_hint = false} : vector<10000x20xf32>, vector<20x10xf32>, vector<10000x10xf32> -> vector<10000x10xf32>
    %get3A_68 = arith.constant 0 : index
    %get3A_69 = arith.constant 0 : index
    %get3A_70 = vector.load %arg8[%get3A_68, %get3A_69] : memref<1x10xf32, #tpu.memory_space<vmem>>, vector<1x10xf32>
    %add3A_71 = vector.broadcast %get3A_70 : vector<1x10xf32> to vector<10000x10xf32>
    %add3A_72 = arith.addf %dot_general3A_67, %add3A_71 : vector<10000x10xf32>
    %mul3A_73 = vector.broadcast %exp3A_49 : vector<10000x1xf32> to vector<10000x10xf32>
    %mul3A_74 = arith.mulf %mul3A_73, %add3A_72 : vector<10000x10xf32>
    %concatenate3A_75 = tpu.concatenate %concatenate3A, %mul3A_74 in 1 : vector<10000x20xf32>, vector<10000x10xf32> -> vector<10000x30xf32>
    %get3A_76 = arith.constant 0 : index
    %get3A_77 = arith.constant 0 : index
    %get3A_78 = vector.load %arg9[%get3A_76, %get3A_77] : memref<30x10xf32, #tpu.memory_space<vmem>>, vector<30x10xf32>
    %dot_general3A_79 = arith.constant dense<0.000000e+00> : vector<10000x10xf32>
    %dot_general3A_80 = tpu.matmul %concatenate3A_75, %get3A_78, %dot_general3A_79 {dimension_numbers = #tpu.dot_dimension_numbers<[1], [0], [0], [1], [0, 0, 1, 1], [], []>, transpose_lhs_hint = false} : vector<10000x30xf32>, vector<30x10xf32>, vector<10000x10xf32> -> vector<10000x10xf32>
    %get3A_81 = arith.constant 0 : index
    %get3A_82 = arith.constant 0 : index
    %get3A_83 = vector.load %arg10[%get3A_81, %get3A_82] : memref<1x10xf32, #tpu.memory_space<vmem>>, vector<1x10xf32>
    %add3A_84 = vector.broadcast %get3A_83 : vector<1x10xf32> to vector<10000x10xf32>
    %add3A_85 = arith.addf %dot_general3A_80, %add3A_84 : vector<10000x10xf32>
    %reduce_sum3A_86 = arith.constant dense<0.000000e+00> : vector<10xf32>
    %reduce_sum3A_87 = vector.multi_reduction <add>, %add3A_85, %reduce_sum3A_86 [0] : vector<10000x10xf32> to vector<10xf32>
    %broadcast_in_dim3A_88 = vector.shape_cast %reduce_sum3A_87 : vector<10xf32> to vector<1x10xf32>
    %div3A = arith.constant 1.000000e+04 : f32
    %div3A_89 = vector.broadcast %div3A : f32 to vector<1x10xf32>
    %div3A_90 = arith.divf %broadcast_in_dim3A_88, %div3A_89 : vector<1x10xf32>
    %sub3A_91 = vector.broadcast %div3A_90 : vector<1x10xf32> to vector<10000x10xf32>
    %sub3A_92 = arith.subf %add3A_85, %sub3A_91 : vector<10000x10xf32>
    %integer_pow3A = arith.mulf %sub3A_92, %sub3A_92 : vector<10000x10xf32>
    %reduce_sum3A_93 = arith.constant dense<0.000000e+00> : vector<10xf32>
    %reduce_sum3A_94 = vector.multi_reduction <add>, %integer_pow3A, %reduce_sum3A_93 [0] : vector<10000x10xf32> to vector<10xf32>
    %broadcast_in_dim3A_95 = vector.shape_cast %reduce_sum3A_94 : vector<10xf32> to vector<1x10xf32>
    %div3A_96 = arith.constant 1.000000e+04 : f32
    %div3A_97 = vector.broadcast %div3A_96 : f32 to vector<1x10xf32>
    %div3A_98 = arith.divf %broadcast_in_dim3A_95, %div3A_97 : vector<1x10xf32>
    %sub3A_99 = vector.broadcast %div3A_90 : vector<1x10xf32> to vector<10000x10xf32>
    %sub3A_100 = arith.subf %add3A_85, %sub3A_99 : vector<10000x10xf32>
    %add3A_101 = arith.constant 9.99999974E-6 : f32
    %add3A_102 = vector.broadcast %add3A_101 : f32 to vector<1x10xf32>
    %add3A_103 = arith.addf %div3A_98, %add3A_102 : vector<1x10xf32>
    %rsqrt3A = math.rsqrt %add3A_103 : vector<1x10xf32>
    %mul3A_104 = vector.broadcast %rsqrt3A : vector<1x10xf32> to vector<10000x10xf32>
    %mul3A_105 = arith.mulf %sub3A_100, %mul3A_104 : vector<10000x10xf32>
    %get3A_106 = arith.constant 0 : index
    %get3A_107 = arith.constant 0 : index
    %get3A_108 = vector.load %arg11[%get3A_106, %get3A_107] : memref<1x10xf32, #tpu.memory_space<vmem>>, vector<1x10xf32>
    %mul3A_109 = vector.broadcast %get3A_108 : vector<1x10xf32> to vector<10000x10xf32>
    %mul3A_110 = arith.mulf %mul3A_105, %mul3A_109 : vector<10000x10xf32>
    %get3A_111 = arith.constant 0 : index
    %get3A_112 = arith.constant 0 : index
    %get3A_113 = vector.load %arg12[%get3A_111, %get3A_112] : memref<1x10xf32, #tpu.memory_space<vmem>>, vector<1x10xf32>
    %add3A_114 = vector.broadcast %get3A_113 : vector<1x10xf32> to vector<10000x10xf32>
    %add3A_115 = arith.addf %mul3A_110, %add3A_114 : vector<10000x10xf32>
    %reduce_max3A_116 = arith.constant dense<0xFF800000> : vector<10000xf32>
    %reduce_max3A_117 = vector.multi_reduction <maximumf>, %add3A_115, %reduce_max3A_116 [1] : vector<10000x10xf32> to vector<10000xf32>
    %broadcast_in_dim3A_118 = vector.shape_cast %reduce_max3A_117 : vector<10000xf32> to vector<10000x1xf32>
    %sub3A_119 = vector.broadcast %broadcast_in_dim3A_118 : vector<10000x1xf32> to vector<10000x10xf32>
    %sub3A_120 = arith.subf %add3A_115, %sub3A_119 : vector<10000x10xf32>
    %exp3A_121 = math.exp %sub3A_120 : vector<10000x10xf32>
    %reduce_sum3A_122 = arith.constant dense<0.000000e+00> : vector<10000xf32>
    %reduce_sum3A_123 = vector.multi_reduction <add>, %exp3A_121, %reduce_sum3A_122 [1] : vector<10000x10xf32> to vector<10000xf32>
    %broadcast_in_dim3A_124 = vector.shape_cast %reduce_sum3A_123 : vector<10000xf32> to vector<10000x1xf32>
    %log3A_125 = math.log %broadcast_in_dim3A_124 : vector<10000x1xf32>
    %add3A_126 = arith.addf %broadcast_in_dim3A_118, %log3A_125 : vector<10000x1xf32>
    %sub3A_127 = vector.broadcast %add3A_126 : vector<10000x1xf32> to vector<10000x10xf32>
    %sub3A_128 = arith.subf %add3A_115, %sub3A_127 : vector<10000x10xf32>
    %swap3A = arith.constant 0 : index
    %swap3A_129 = arith.constant 0 : index
    %swap3A_130 = vector.load %arg13[%swap3A, %swap3A_129] : memref<10000x10xf32, #tpu.memory_space<vmem>>, vector<10000x10xf32>
    tpu.vector_store %arg13[%swap3A, %swap3A_129], %sub3A_128 {strides = array<i32>} : memref<10000x10xf32, #tpu.memory_space<vmem>>, vector<10000x10xf32>,
    return
  }
}

</mosaic_0001>

<sc_bundles>
// kernel: kernel.11.cloned.1.call-start
scs
__scs_entry_jumppad:
0x0: {  	(pc) =	sbr.rel $0x88, $3  }
0x1: {  	(tag) =	ssettag $0x0;
	lr =	simm.s32 $0x1  }
0x2: {  	[smem:$0x3F92] =	sst lr;
	_ =	strace $0xD0000000  }
0x3: {  	_ = 	snop  }
0x4: {  	_ = 	snop  }
0x5: {  	_ = 	snop  }
0x6: {  	_ = 	snop  }
0x7: {  	_ = 	snop  }
__scs_overlays_trampoline_lowered:
0x8: {  	[smem:$0x3FA1] =	sst s0  }
0x9: {  	[smem:$0x3FA2] =	sst s1  }
0xa: {  	[smem:$0x3FA3] =	sst s2  }
0xb: {  	[smem:$0x3FA4] =	sst s3  }
0xc: {  	[smem:$0x3FA5] =	sst s4  }
0xd: {  	[smem:$0x3FA6] =	sst s5  }
0xe: {  	[smem:$0x3FA7] =	sst s6  }
0xf: {  	[smem:$0x3FA8] =	sst s7  }
0x10: {  	[smem:$0x3FA9] =	sst s8  }
0x11: {  	[smem:$0x3FAA] =	sst s9;
	s0 =	simm.s32 @!p0 $0x0  }
0x12: {  	s1 =	sld [smem:$0x3F90];
	s0 =	simm.s32 @p0 $0x1  }
0x13: {  	[smem:$0x3FAB] =	sst s0;
	s0 =	simm.s32 @!p1 $0x0  }
0x14: {  	s2 =	sld [smem:$0x3F8F];
	s0 =	simm.s32 @p1 $0x1  }
0x15: {  	[smem:$0x3FAC] =	sst s0;
	s0 =	simm.s32 @!p2 $0x0  }
0x16: {  	s3 =	sld [smem:$0x3FDB];
	s0 =	simm.s32 @p2 $0x1  }
0x17: {  	s4 =	simm.s32 $0x1BF5;
	[smem:$0x3FAE] =	sst s0  }
0x18: {  	s0 =	sld [smem:$0x3F91];
	_ =	swait.ge [sflag:s4], $0x0  }
0x19: {  	s7 =	sld [smem:$0x3F92]  }
0x1a: {  	s8 =	sadd.s32 $0xFFFFE003, lr  }
0x1b: {  	s9 =	sadd.s32 $0xFFFFFEF7, lr;
	s5 =	simm.s32 $0xFFFFFFFF;
	p2 =	slt.u32 s8, $0xFFFFF086  }
0x1c: {  	p1 =	slt.u32 s9, $0xF7A;
	s5 =	simm.s32 @!p2 $0x0  }
0x1d: {  	s5 =	simm.s32 @p1 $0x1;
	p0 =	seq.s32 s7, s2  }
0x1e: {  	s7 =	smul.u32 @!p0 $0xF7A, s2;
	p2 =	seq.s32 @!p0 s5, $0x0  }
0x1f: {  	s9 =	smul.u32 $0xF7A, s1;
	s8 =	simm.s32 @!p0 $0x1BF5;
	p2 =	por !p2, p0  }
0x20: {  	[sflag:s8] =	ssyncset.s32 @!p0 $0xFFFFF086;
	s6 =	sadd.s32 @!p0 s3, s7;
	s7 =	simm.s32 @!p0 $0x108  }
0x21: {  	s3 =	sadd.s32 s3, s9;
	s6 =	sadd.s32 @!p0 $0x88, s6;
	s7 =	simm.s32 @p2 $0x1082  }
0x22: {  	[simem:s7], [sflag:s8] =	dma.local @!p0 [hbm:s6], $0xF7A  }
0x23: {  	s9 =	sor.u32 $0xD0000000, s2;
	s6 =	simm.s32 $0x108;
	_ =	swait.ge @!p0 [sflag:s8], $0x0  }
0x24: {  	s3 =	sadd.s32 $0x88, s3;
	s6 =	simm.s32 @!p1 $0x1082;
	[sflag:s4] =	ssyncset.s32 $0xFFFFF086  }
0x25: {  	[simem:s6], [sflag:s4] =	dma.local [hbm:s3], $0xF7A  }
0x26: {  	[smem:$0x3F92] =	sst s1;
	(tag) =	ssettag s2;
	_ =	strace s9  }
0x27: {  	s1 =	sld [smem:$0x3FA2]  }
0x28: {  	s2 =	sld [smem:$0x3FA3]  }
0x29: {  	s4 =	sld [smem:$0x3FA5]  }
0x2a: {  	p0 =	seq.s32 s5, $0x0;
	s5 =	sld [smem:$0x3FA6]  }
0x2b: {  	s6 =	sld [smem:$0x3FA7]  }
0x2c: {  	s7 =	sld [smem:$0x3FA8]  }
0x2d: {  	s3 =	simm.s32 $0x108;
	s8 =	sld [smem:$0x3FA9]  }
0x2e: {  	s3 =	simm.s32 @!p0 $0x1082;
	s9 =	sld [smem:$0x3FAA]  }
0x2f: {  	lr =	sadd.s32 s0, s3;
	s0 =	sld [smem:$0x3FA1]  }
0x30: {  	s3 =	sld [smem:$0x3FA4]  }
0x31: {  	[smem:$0x3FAD] =	sst s10  }
0x32: {  	s10 =	sld [smem:$0x3FAB];
	_ =	sdelay $0x3  }
0x33: {  	p0 =	seq.s32 s10, $0x1;
	s10 =	sld [smem:$0x3FAD];
	_ =	sdelay $0x3  }
0x34: {  	[smem:$0x3FAD] =	sst s10  }
0x35: {  	s10 =	sld [smem:$0x3FAC];
	_ =	sdelay $0x3  }
0x36: {  	p1 =	seq.s32 s10, $0x1;
	s10 =	sld [smem:$0x3FAD];
	_ =	sdelay $0x3  }
0x37: {  	[smem:$0x3FAD] =	sst s10  }
0x38: {  	s10 =	sld [smem:$0x3FAE]  }
0x39: {  	_ = 	snop;
	(pc) =	sbr.ind lr, $3  }
0x3a: {  	_ = 	snop  }
0x3b: {  	_ = 	snop  }
0x3c: {  	p2 =	seq.s32 s10, $0x1;
	s10 =	sld [smem:$0x3FAD]  }
0x3d: {  	_ =	shalt  }
0x3e: {  	_ =	shalt  }
0x3f: {  	_ =	shalt  }
0x40: {  	_ =	shalt  }
0x41: {  	_ =	shalt  }
0x42: {  	_ =	shalt  }
0x43: {  	_ =	shalt  }
0x44: {  	_ =	shalt  }
0x45: {  	_ =	shalt  }
0x46: {  	_ =	shalt  }
0x47: {  	_ =	shalt  }
0x48: {  	_ =	shalt  }
0x49: {  	_ =	shalt  }
0x4a: {  	_ =	shalt  }
0x4b: {  	_ =	shalt  }
0x4c: {  	_ =	shalt  }
0x4d: {  	_ =	shalt  }
0x4e: {  	_ =	shalt  }
0x4f: {  	_ =	shalt  }
0x50: {  	_ =	shalt  }
0x51: {  	_ =	shalt  }
0x52: {  	_ =	shalt  }
0x53: {  	_ =	shalt  }
0x54: {  	_ =	shalt  }
0x55: {  	_ =	shalt  }
0x56: {  	_ =	shalt  }
0x57: {  	_ =	shalt  }
0x58: {  	_ =	shalt  }
0x59: {  	_ =	shalt  }
0x5a: {  	_ =	shalt  }
0x5b: {  	_ =	shalt  }
0x5c: {  	_ =	shalt  }
0x5d: {  	_ =	shalt  }
0x5e: {  	_ =	shalt  }
0x5f: {  	_ =	shalt  }
0x60: {  	_ =	shalt  }
0x61: {  	_ =	shalt  }
0x62: {  	_ =	shalt  }
0x63: {  	_ =	shalt  }
0x64: {  	_ =	shalt  }
0x65: {  	_ =	shalt  }
0x66: {  	_ =	shalt  }
0x67: {  	_ =	shalt  }
0x68: {  	_ =	shalt  }
0x69: {  	_ =	shalt  }
0x6a: {  	_ =	shalt  }
0x6b: {  	_ =	shalt  }
0x6c: {  	_ =	shalt  }
0x6d: {  	_ =	shalt  }
0x6e: {  	_ =	shalt  }
0x6f: {  	_ =	shalt  }
0x70: {  	_ =	shalt  }
0x71: {  	_ =	shalt  }
0x72: {  	_ =	shalt  }
0x73: {  	_ =	shalt  }
0x74: {  	_ =	shalt  }
0x75: {  	_ =	shalt  }
0x76: {  	_ =	shalt  }
0x77: {  	_ =	shalt  }
0x78: {  	_ =	shalt  }
0x79: {  	_ =	shalt  }
0x7a: {  	_ =	shalt  }
0x7b: {  	_ =	shalt  }
0x7c: {  	_ =	shalt  }
0x7d: {  	_ =	shalt  }
0x7e: {  	_ =	shalt  }
0x7f: {  	_ =	shalt  }
0x80: {  	_ =	shalt  }
0x81: {  	_ =	shalt  }
0x82: {  	_ =	shalt  }
0x83: {  	_ =	shalt  }
0x84: {  	_ =	shalt  }
0x85: {  	_ =	shalt  }
0x86: {  	_ =	shalt  }
0x87: {  	_ =	shalt  }
.Lfunc_end0:
.L_simem_size_0:
called_computation.1_lowered:
.L_overlay_start_0:
0x88: {  	s2 =	sld [smem:$0x3FD9]  }
0x89: {  	s3 =	sld [smem:$0x3FFE];
	_ =	sdelay $0x1  }
0x8a: {  	s1 =	srdreg.scid  }
0x8b: {  	s0 =	sand.u32 $0x1, s1  }
0x8c: {  	s16 =	sshll.u32 s0, $0xA;
	s2 =	sadd.s32 s3, s2  }
0x8d: {  	s2 =	sadd.s32 s2, s16  }
0x8e: {  	[smem:$0x3FB9] =	sst s2  }
0x8f: {  	_ = 	snop  }
0x90: {  	(tm) =	ssettm $0x1  }
0x91: {  	s17 =	sld [smem:$0x3FFB];
	_ =	sdelay $0x3  }
0x92: {  	_ =	strace s17  }
0x93: {  	s2 =	sld [smem:$0x3FFC];
	_ =	sdelay $0x3  }
0x94: {  	_ =	strace s2  }
0x95: {  	s2 =	sld [smem:$0x3FFD];
	_ =	sdelay $0x3  }
0x96: {  	_ =	strace s2  }
0x97: {  	_ =	strace $0x8FFFFFFF  }
0x98: {  	s18 =	sld [smem:$0x3FDB];
	_ =	sdelay $0x1  }
0x99: {  	s19 =	simm.s32 $_scs_section_size  }
0x9a: {  	s4 =	simm.s32 $_size__tile_overlayer_lowered;
	s5 =	simm.s32 $_tile_overlayer_lowered  }
0x9b: {  	s22 =	simm.s32 $0x1BFF;
	s21 =	sshll.u32 s5, $0x1;
	s2 =	sadd.s32 s19, s18  }
0x9c: {  	s6 =	simm.s32 $0x0;
	s20 =	sshll.u32 s4, $0x1;
	s4 =	sadd.s32 s21, s2  }
0x9d: {  	[timem:s6], [sflag:s22] =	dma.local [hbm:s4], s20  }
0x9e: {  	_ =	swait.ge [sflag:s22], s20  }
0x9f: {  	s3 =	ssub.s32 $0x0, s20;
	[sflag:s22] =	ssyncset.done $0x0  }
0xa0: {  	[sflag:s22] =	ssyncadd.s32 s3;
	_ =	sdelay $0x1  }
0xa1: {  	s23 =	simm.s32 $0x1B8B  }
0xa2: {  	_ =	swait.ge [sflag:s23], $0x1  }
0xa3: {  	[sflag:s23] =	ssyncset.done $0x0  }
0xa4: {  	s25 =	simm.s32 $0x1B8E;
	s24 =	sld [smem:$0x3FFE];
	[sflag:s23] =	ssyncadd.s32 $0xFFFFFFFF  }
0xa5: {  	s26 =	simm.s32 $execute0_lowered;
	[smem:$0x3FD2] =	sst s25  }
0xa6: {  	s4 =	sshll.u32 s26, $0x1;
	_ =	strace $0x80000049;
	[dreg:$0x1] =	wrdreg $0xFFFFFFFF  }
0xa7: {  	s28 =	simm.s32 $_size_execute0_lowered;
	s2 =	sadd.s32 s2, s4;
	[dreg:$0x0] =	wrdreg $0x0  }
0xa8: {  	s4 =	sshll.u32 s28, $0x1;
	[dreg:$0x2] =	wrdreg s2  }
0xa9: {  	[dreg:$0x3] =	wrdreg s4  }
0xaa: {  	[dreg:$0x4] =	wrdreg $0xC0  }
0xab: {  	_ =	task [dreg:s6], $0x5FFFF  }
0xac: {  	[dreg:$0x1] =	wrdreg $0xFFFFFFFF  }
0xad: {  	[dreg:$0x0] =	wrdreg $0x60  }
0xae: {  	[dreg:$0x2] =	wrdreg s24  }
0xaf: {  	[dreg:$0x3] =	wrdreg $0xE0000  }
0xb0: {  	[dreg:$0x4] =	wrdreg $0xB8000  }
0xb1: {  	[dreg:$0x5] =	wrdreg $0x9  }
0xb2: {  	_ =	task.clear_ibuf [dreg:s6], $0x6FFFF;
	_ =	strace $0x90000049  }
0xb3: {  	s29 =	simm.s32 $0x9;
	_ =	strace $0x8000004B  }
0xb4: {  	_ =	swait.ge [sflag:s29], $0x1  }
0xb5: {  	[sflag:s29] =	ssyncadd.s32 $0xFFFFFFFF  }
0xb6: {  	_ =	strace $0x9000004B  }
0xb7: {  	_ =	sfence  }
0xb8: {  	s30 =	sld [smem:$0x0];
	_ =	sdelay $0x2  }
0xb9: {  	s31 =	sshll.u32 s1, $0xD;
	s1 =	sshrl.u32 s1, $0x2  }
0xba: {  	s3 =	sand.u32 $0x4000, s31;
	s1 =	sadd.s32 s1, s30  }
0xbb: {  	s0 =	sor.u32 s3, s0;
	s1 =	sshll.u32 s1, $0x11  }
0xbc: {  	s0 =	sor.u32 s1, s0  }
0xbd: {  	s0 =	sadd.s32 $0x8F2B, s0  }
0xbe: {  	[sflag:s0] =	ssyncadd.remote.s32 $0x1  }
0xbf: {  	_ =	sfence.sel $0xFFFF  }
0xc0: {  	[dreg:$0x0] =	wrdreg $0xFFFFFFFF;
	(pc) =	sbr.abs _section_cstart, $3  }
0xc1: {  	[dreg:$0x1] =	wrdreg $0xFFFFFFFF  }
0xc2: {  	_ =	task.clear_ibuf [dreg:s6], $0x2FFFF;
	_ =	strace $0x9FFFFFFF  }
0xc3: {  	(tm) =	ssettm $0x7FFFFFFF  }
tec
execute0_lowered:
.L_overlay_start_1:
0x0: {  	(tag) =	ssettag $0x1  }
0x1: {  	s0 =	rddreg [dreg:$0x0]  }
0x2: {  	s2 =	rddreg [dreg:$0x1]  }
0x3: {  	s3 =	rddreg [dreg:$0x2]  }
0x4: {  	s8 =	stileid.u32;
	s1 =	srdreg.scid;
	s7 =	simm.s32 $0x0  }
0x5: {  	s28 =	simm.s32 $0x8800;
	s29 =	simm.s32 $0x1;
	s30 =	simm.s32 $0x2  }
0x6: {  	s31 =	simm.s32 $0x3;
	s14 =	simm.s32 $0x7;
	s17 =	simm.s32 $0x8  }
0x7: {  	s10 =	simm.s32 $0xC;
	s11 =	simm.s32 $0xD;
	s12 =	simm.s32 $0xE  }
0x8: {  	s13 =	simm.s32 $0xF;
	s18 =	simm.s32 $0x0;
	s4 =	smul.u32 $0x2800, s8  }
0x9: {  	s1 =	sand.u32 $0x1, s1;
	s5 =	sshll.u32 s8, $0x1;
	[smem:$0x7FF] =	sst s7  }
0xa: {  	s8 =	sshll.u32 s8, $0x6;
	s5 =	sor.u32 s1, s5;
	s6 =	smul.u32 $0x28000, s1  }
0xb: {  	_ =	strace $0x8000004A;
	s1 =	ssub.s32 $0x2, s1;
	[dreg:$0x5] =	wrdreg s8  }
0xc: {  	s23 =	sor.u32 $0x1C12, s8;
	s8 =	simm.s32 $0xB;
	s19 =	sshrl.u32 s4, $0x3  }
0xd: {  	s5 =	smul.u32 $0x2800, s5;
	s20 =	sshrl.u32 s1, $0x1;
	s22 =	sadd.s32 s4, s2  }
0xe: {  	[dreg:$0x7] =	wrdreg s23;
	s16 =	sadd.s32 s4, s3;
	s23 =	simm.s32 $0x6800  }
0xf: {  	s7 =	sadd.s32 s19, s0;
	s6 =	sadd.s32 s4, s6;
	s1 =	ssub.s32 s1, s20  }
0x10: {  	s26 =	sshrl.u32 s22, $0x3;
	s19 =	simm.s32 $0x80;
	s20 =	simm.s32 $0x5000  }
0x11: {  	s22 =	simm.s32 $0x6000;
	s4 =	simm.s32 $0x6;
	[dreg:$0x8] =	wrdreg s16  }
0x12: {  	s5 =	sshrl.u32 s5, $0x3;
	s6 =	sshrl.u32 s6, $0x3;
	s7 =	sadd.s32 $0x17000, s7  }
0x13: {  	s25 =	smax.u32 s1, $0x1;
	[dreg:$0xc] =	wrdreg s26;
	s26 =	simm.s32 $0x8000  }
0x14: {  	s1 =	simm.s32 $0x5;
	s5 =	sadd.s32 s5, s0;
	[dreg:$0x6] =	wrdreg s7  }
0x15: {  	s0 =	sadd.s32 s6, s0;
	[dreg:$0xb] =	wrdreg s25;
	s21 =	sadd.s32 $0x3000, s5  }
0x16: {  	s25 =	simm.s32 $0x7800;
	s24 =	sadd.s32 $0xD000, s5;
	[dreg:$0x4] =	wrdreg s21  }
0x17: {  	s7 =	simm.s32 $0xA;
	s0 =	sadd.s32 $0x1C000, s0;
	[dreg:$0x9] =	wrdreg s24  }
0x18: {  	s6 =	simm.s32 $0x10;
	s5 =	simm.s32 $0x9;
	[dreg:$0xa] =	wrdreg s0  }
0x19: {  	v0 =	vimm.f32 $0.0e+00;
	s21 =	simm.s32 $0x5800;
	s24 =	simm.s32 $0x7000;
	s0 =	simm.s32 $0x4  }
.LBB2_1:
0x1a: {  	[dreg:$0xd] =	wrdreg s18  }
0x1b: {  	s15 =	rddreg [dreg:$0x4]  }
0x1c: {  	s9 =	simm.s32 $0x0;
	s18 =	rddreg [dreg:$0xc]  }
0x1d: {  	[tilespmem:s9], [sflag:$0x11] =	stream.linear.gather [hbm4b:s15+s9], $0x2800, $0x38;
	[tilespmem:$0x10800] =	vst v63  }
0x1e: {  	s9 =	rddreg [dreg:$0x6]  }
0x1f: {  	s15 =	rddreg [dreg:$0x7]  }
0x20: {  	[spmem:s18], [sflag:s15] =	dma.local [hbm:s9], $0x500  }
0x21: {  	s9 =	simm.s32 $0x40;
	s15 =	simm.s32 $0x0  }
.LBB2_2:
0x22: {  	p0 =	sne.s32 s9, $0x9FC0;
	[tilespmem:s15+$0x9000] =	vst v0;
	s15 =	smov.u32 s9;
	s9 =	sadd.s32 $0x40, s9  }
.Ltmp0:
0x23: {  	(pc) =	sbr.rel @p0 .LBB2_2-.Ltmp0, $2  }
0x24: {  	_ =	sdelay $0x2  }
0x25: {  	s15 =	sshra.s32 s15, $0x2  }
0x26: {  	[tilespmem:s15+$0x9000] =	vst v0;
	s9 =	simm.s32 $0x9000  }
0x27: {  	[spmem:s16] =	stream.linear.scatter [tilespmem:s9], [sflag:$0x13], $0x2800, $0x38;
	[tilespmem:$0x10800] =	vst v63  }
0x28: {  	s16 =	simm.s32 $0x13  }
0x29: {  	_ =	swait.ge [sflag:s16], $0x2800  }
0x2a: {  	[sflag:s16] =	ssyncset.done $0x0  }
0x2b: {  	s15 =	simm.s32 $0x11;
	[sflag:s16] =	ssyncadd.s32 $0xFFFFD800  }
0x2c: {  	_ =	swait.ge [sflag:s15], $0x2800  }
0x2d: {  	s18 =	simm.s32 $0x2800;
	[sflag:s15] =	ssyncset.done $0x0  }
0x2e: {  	s9 =	simm.s32 $0x0;
	[sflag:s15] =	ssyncadd.s32 $0xFFFFD800;
	s15 =	rddreg [dreg:$0x9]  }
0x2f: {  	[tilespmem:s18], [sflag:$0x13] =	stream.linear.gather [hbm4b:s15+s9], $0x2800, $0x38;
	[tilespmem:$0x10800] =	vst v63  }
0x30: {  	_ =	swait.ge [sflag:s16], $0x2800  }
0x31: {  	[sflag:s16] =	ssyncset.done $0x0  }
0x32: {  	[sflag:s16] =	ssyncadd.s32 $0xFFFFD800;
	s16 =	simm.s32 $0x12  }
0x33: {  	_ =	swait.ge [sflag:s16], $0x500  }
0x34: {  	[sflag:s16] =	ssyncset.done $0x0  }
0x35: {  	[sflag:s16] =	ssyncadd.s32 $0xFFFFFB00  }
0x36: {  	s18 =	simm.s32 $0x0;
	[bflag:$0x0] =	sbarrier.arrive $0xFFFF  }
0x37: {  	[tilespmem:s20], [sflag:$0x1] =	stream.indirect.gather [spmem:s2], $0x10, s18, s19, $0xb8;
	[tilespmem:$0x10800] =	vst v63  }
0x38: {  	s15 =	simm.s32 $0x80  }
0x39: {  	[tilespmem:s21], [sflag:$0x2] =	stream.indirect.gather [spmem:s2], $0x10, s15, s19, $0xb8;
	[tilespmem:$0x10800] =	vst v63  }
0x3a: {  	s16 =	simm.s32 $0x100  }
0x3b: {  	[tilespmem:s22], [sflag:$0x3] =	stream.indirect.gather [spmem:s2], $0x10, s16, s19, $0xb8;
	[tilespmem:$0x10800] =	vst v63  }
0x3c: {  	s18 =	simm.s32 $0x180  }
0x3d: {  	[tilespmem:s23], [sflag:$0x4] =	stream.indirect.gather [spmem:s2], $0x10, s18, s19, $0xb8;
	[tilespmem:$0x10800] =	vst v63  }
0x3e: {  	s15 =	simm.s32 $0x200  }
0x3f: {  	[tilespmem:s24], [sflag:$0x5] =	stream.indirect.gather [spmem:s2], $0x10, s15, s19, $0xb8;
	[tilespmem:$0x10800] =	vst v63  }
0x40: {  	s16 =	simm.s32 $0x280  }
0x41: {  	[tilespmem:s25], [sflag:$0x6] =	stream.indirect.gather [spmem:s2], $0x10, s16, s19, $0xb8;
	[tilespmem:$0x10800] =	vst v63  }
0x42: {  	s18 =	simm.s32 $0x300  }
0x43: {  	[tilespmem:s26], [sflag:$0x7] =	stream.indirect.gather [spmem:s2], $0x10, s18, s19, $0xb8;
	[tilespmem:$0x10800] =	vst v63  }
0x44: {  	s15 =	simm.s32 $0x380  }
0x45: {  	[tilespmem:s28], [sflag:$0x8] =	stream.indirect.gather [spmem:s2], $0x10, s15, s19, $0xb8;
	[tilespmem:$0x10800] =	vst v63  }
0x46: {  	_ =	swait.ge [sflag:s29], $0x800  }
0x47: {  	[sflag:s29] =	ssyncset.done $0x0  }
0x48: {  	s16 =	simm.s32 $0x2800;
	[sflag:s29] =	ssyncadd.s32 $0xFFFFF800  }
0x49: {  	[spmem:s3] =	stream.indirect.scatter.add.f32 [tilespmem:s20], [sflag:$0x9], $0x10, s16, s19, $0xb8;
	[tilespmem:$0x10800] =	vst v63  }
0x4a: {  	_ =	swait.ge [sflag:s30], $0x800  }
0x4b: {  	[sflag:s30] =	ssyncset.done $0x0  }
0x4c: {  	s18 =	simm.s32 $0x2880;
	[sflag:s30] =	ssyncadd.s32 $0xFFFFF800  }
0x4d: {  	[spmem:s3] =	stream.indirect.scatter.add.f32 [tilespmem:s21], [sflag:$0xA], $0x10, s18, s19, $0xb8;
	[tilespmem:$0x10800] =	vst v63  }
0x4e: {  	_ =	swait.ge [sflag:s31], $0x800  }
0x4f: {  	[sflag:s31] =	ssyncset.done $0x0  }
0x50: {  	s15 =	simm.s32 $0x2900;
	[sflag:s31] =	ssyncadd.s32 $0xFFFFF800  }
0x51: {  	[spmem:s3] =	stream.indirect.scatter.add.f32 [tilespmem:s22], [sflag:$0xB], $0x10, s15, s19, $0xb8;
	[tilespmem:$0x10800] =	vst v63  }
0x52: {  	_ =	swait.ge [sflag:s0], $0x800  }
0x53: {  	[sflag:s0] =	ssyncset.done $0x0  }
0x54: {  	s16 =	simm.s32 $0x2980;
	[sflag:s0] =	ssyncadd.s32 $0xFFFFF800  }
0x55: {  	[spmem:s3] =	stream.indirect.scatter.add.f32 [tilespmem:s23], [sflag:$0xC], $0x10, s16, s19, $0xb8;
	[tilespmem:$0x10800] =	vst v63  }
0x56: {  	_ =	swait.ge [sflag:s1], $0x800  }
0x57: {  	[sflag:s1] =	ssyncset.done $0x0  }
0x58: {  	s18 =	simm.s32 $0x2A00;
	[sflag:s1] =	ssyncadd.s32 $0xFFFFF800  }
0x59: {  	[spmem:s3] =	stream.indirect.scatter.add.f32 [tilespmem:s24], [sflag:$0xD], $0x10, s18, s19, $0xb8;
	[tilespmem:$0x10800] =	vst v63  }
0x5a: {  	_ =	swait.ge [sflag:s4], $0x800  }
0x5b: {  	[sflag:s4] =	ssyncset.done $0x0  }
0x5c: {  	s15 =	simm.s32 $0x2A80;
	[sflag:s4] =	ssyncadd.s32 $0xFFFFF800  }
0x5d: {  	[spmem:s3] =	stream.indirect.scatter.add.f32 [tilespmem:s25], [sflag:$0xE], $0x10, s15, s19, $0xb8;
	[tilespmem:$0x10800] =	vst v63  }
0x5e: {  	_ =	swait.ge [sflag:s14], $0x800  }
0x5f: {  	[sflag:s14] =	ssyncset.done $0x0  }
0x60: {  	s16 =	simm.s32 $0x2B00;
	[sflag:s14] =	ssyncadd.s32 $0xFFFFF800  }
0x61: {  	[spmem:s3] =	stream.indirect.scatter.add.f32 [tilespmem:s26], [sflag:$0xF], $0x10, s16, s19, $0xb8;
	[tilespmem:$0x10800] =	vst v63  }
0x62: {  	_ =	swait.ge [sflag:s17], $0x800  }
0x63: {  	[sflag:s17] =	ssyncset.done $0x0  }
0x64: {  	s18 =	simm.s32 $0x2B80;
	[sflag:s17] =	ssyncadd.s32 $0xFFFFF800  }
0x65: {  	[spmem:s3] =	stream.indirect.scatter.add.f32 [tilespmem:s28], [sflag:$0x10], $0x10, s18, s19, $0xb8;
	[tilespmem:$0x10800] =	vst v63  }
0x66: {  	_ =	swait.ge [sflag:s5], $0x800  }
0x67: {  	[sflag:s5] =	ssyncset.done $0x0  }
0x68: {  	[sflag:s5] =	ssyncadd.s32 $0xFFFFF800  }
0x69: {  	_ =	swait.ge [sflag:s7], $0x800  }
0x6a: {  	[sflag:s7] =	ssyncset.done $0x0  }
0x6b: {  	[sflag:s7] =	ssyncadd.s32 $0xFFFFF800  }
0x6c: {  	_ =	swait.ge [sflag:s8], $0x800  }
0x6d: {  	[sflag:s8] =	ssyncset.done $0x0  }
0x6e: {  	[sflag:s8] =	ssyncadd.s32 $0xFFFFF800  }
0x6f: {  	_ =	swait.ge [sflag:s10], $0x800  }
0x70: {  	[sflag:s10] =	ssyncset.done $0x0  }
0x71: {  	[sflag:s10] =	ssyncadd.s32 $0xFFFFF800  }
0x72: {  	_ =	swait.ge [sflag:s11], $0x800  }
0x73: {  	[sflag:s11] =	ssyncset.done $0x0  }
0x74: {  	[sflag:s11] =	ssyncadd.s32 $0xFFFFF800  }
0x75: {  	_ =	swait.ge [sflag:s12], $0x800  }
0x76: {  	[sflag:s12] =	ssyncset.done $0x0  }
0x77: {  	[sflag:s12] =	ssyncadd.s32 $0xFFFFF800  }
0x78: {  	_ =	swait.ge [sflag:s13], $0x800  }
0x79: {  	[sflag:s13] =	ssyncset.done $0x0  }
0x7a: {  	[sflag:s13] =	ssyncadd.s32 $0xFFFFF800  }
0x7b: {  	_ =	swait.ge [sflag:s6], $0x800  }
0x7c: {  	s9 =	simm.s32 $0x2000;
	s18 =	simm.s32 $0x1000;
	[sflag:s6] =	ssyncset.done $0x0  }
.LBB2_4:
0x7d: {  	s15 =	sshra.s32 s18, $0x2  }
0x7e: {  	[sflag:s6] =	ssyncadd.s32 $0xFFFFF800;
	s18 =	smov.u32 s9;
	s16 =	sadd.s32 $0x1000, s9  }
0x7f: {  	[tilespmem:s20], [sflag:$0x1] =	stream.indirect.gather [spmem:s2], $0x10, s15, s19, $0xb8;
	[tilespmem:$0x10800] =	vst v63  }
0x80: {  	p0 =	sne.s32 s9, $0x9000;
	s9 =	sadd.s32 $0x80, s15  }
0x81: {  	[tilespmem:s21], [sflag:$0x2] =	stream.indirect.gather [spmem:s2], $0x10, s9, s19, $0xb8;
	[tilespmem:$0x10800] =	vst v63  }
0x82: {  	s9 =	sadd.s32 $0x100, s15  }
0x83: {  	[tilespmem:s22], [sflag:$0x3] =	stream.indirect.gather [spmem:s2], $0x10, s9, s19, $0xb8;
	[tilespmem:$0x10800] =	vst v63  }
0x84: {  	s9 =	sadd.s32 $0x180, s15  }
0x85: {  	[tilespmem:s23], [sflag:$0x4] =	stream.indirect.gather [spmem:s2], $0x10, s9, s19, $0xb8;
	[tilespmem:$0x10800] =	vst v63  }
0x86: {  	s9 =	sadd.s32 $0x200, s15  }
0x87: {  	[tilespmem:s24], [sflag:$0x5] =	stream.indirect.gather [spmem:s2], $0x10, s9, s19, $0xb8;
	[tilespmem:$0x10800] =	vst v63  }
0x88: {  	s9 =	sadd.s32 $0x280, s15  }
0x89: {  	[tilespmem:s25], [sflag:$0x6] =	stream.indirect.gather [spmem:s2], $0x10, s9, s19, $0xb8;
	[tilespmem:$0x10800] =	vst v63  }
0x8a: {  	s9 =	sadd.s32 $0x300, s15  }
0x8b: {  	[tilespmem:s26], [sflag:$0x7] =	stream.indirect.gather [spmem:s2], $0x10, s9, s19, $0xb8;
	[tilespmem:$0x10800] =	vst v63  }
0x8c: {  	s9 =	sadd.s32 $0x380, s15  }
0x8d: {  	[tilespmem:s28], [sflag:$0x8] =	stream.indirect.gather [spmem:s2], $0x10, s9, s19, $0xb8;
	[tilespmem:$0x10800] =	vst v63  }
0x8e: {  	_ =	swait.ge [sflag:s29], $0x800  }
0x8f: {  	[sflag:s29] =	ssyncset.done $0x0  }
0x90: {  	s9 =	sadd.s32 $0x2800, s15;
	[sflag:s29] =	ssyncadd.s32 $0xFFFFF800  }
0x91: {  	[spmem:s3] =	stream.indirect.scatter.add.f32 [tilespmem:s20], [sflag:$0x9], $0x10, s9, s19, $0xb8;
	[tilespmem:$0x10800] =	vst v63  }
0x92: {  	_ =	swait.ge [sflag:s30], $0x800  }
0x93: {  	[sflag:s30] =	ssyncset.done $0x0  }
0x94: {  	s9 =	sadd.s32 $0x2880, s15;
	[sflag:s30] =	ssyncadd.s32 $0xFFFFF800  }
0x95: {  	[spmem:s3] =	stream.indirect.scatter.add.f32 [tilespmem:s21], [sflag:$0xA], $0x10, s9, s19, $0xb8;
	[tilespmem:$0x10800] =	vst v63  }
0x96: {  	_ =	swait.ge [sflag:s31], $0x800  }
0x97: {  	[sflag:s31] =	ssyncset.done $0x0  }
0x98: {  	s9 =	sadd.s32 $0x2900, s15;
	[sflag:s31] =	ssyncadd.s32 $0xFFFFF800  }
0x99: {  	[spmem:s3] =	stream.indirect.scatter.add.f32 [tilespmem:s22], [sflag:$0xB], $0x10, s9, s19, $0xb8;
	[tilespmem:$0x10800] =	vst v63  }
0x9a: {  	_ =	swait.ge [sflag:s0], $0x800  }
0x9b: {  	[sflag:s0] =	ssyncset.done $0x0  }
0x9c: {  	s9 =	sadd.s32 $0x2980, s15;
	[sflag:s0] =	ssyncadd.s32 $0xFFFFF800  }
0x9d: {  	[spmem:s3] =	stream.indirect.scatter.add.f32 [tilespmem:s23], [sflag:$0xC], $0x10, s9, s19, $0xb8;
	[tilespmem:$0x10800] =	vst v63  }
0x9e: {  	_ =	swait.ge [sflag:s1], $0x800  }
0x9f: {  	[sflag:s1] =	ssyncset.done $0x0  }
0xa0: {  	s9 =	sadd.s32 $0x2A00, s15;
	[sflag:s1] =	ssyncadd.s32 $0xFFFFF800  }
0xa1: {  	[spmem:s3] =	stream.indirect.scatter.add.f32 [tilespmem:s24], [sflag:$0xD], $0x10, s9, s19, $0xb8;
	[tilespmem:$0x10800] =	vst v63  }
0xa2: {  	_ =	swait.ge [sflag:s4], $0x800  }
0xa3: {  	[sflag:s4] =	ssyncset.done $0x0  }
0xa4: {  	s9 =	sadd.s32 $0x2A80, s15;
	[sflag:s4] =	ssyncadd.s32 $0xFFFFF800  }
0xa5: {  	[spmem:s3] =	stream.indirect.scatter.add.f32 [tilespmem:s25], [sflag:$0xE], $0x10, s9, s19, $0xb8;
	[tilespmem:$0x10800] =	vst v63  }
0xa6: {  	_ =	swait.ge [sflag:s14], $0x800  }
0xa7: {  	[sflag:s14] =	ssyncset.done $0x0  }
0xa8: {  	s9 =	sadd.s32 $0x2B00, s15;
	[sflag:s14] =	ssyncadd.s32 $0xFFFFF800  }
0xa9: {  	[spmem:s3] =	stream.indirect.scatter.add.f32 [tilespmem:s26], [sflag:$0xF], $0x10, s9, s19, $0xb8;
	[tilespmem:$0x10800] =	vst v63  }
0xaa: {  	_ =	swait.ge [sflag:s17], $0x800  }
0xab: {  	[sflag:s17] =	ssyncset.done $0x0  }
0xac: {  	s9 =	sadd.s32 $0x2B80, s15;
	[sflag:s17] =	ssyncadd.s32 $0xFFFFF800  }
0xad: {  	[spmem:s3] =	stream.indirect.scatter.add.f32 [tilespmem:s28], [sflag:$0x10], $0x10, s9, s19, $0xb8;
	[tilespmem:$0x10800] =	vst v63  }
0xae: {  	_ =	swait.ge [sflag:s5], $0x800  }
0xaf: {  	[sflag:s5] =	ssyncset.done $0x0  }
0xb0: {  	[sflag:s5] =	ssyncadd.s32 $0xFFFFF800  }
0xb1: {  	_ =	swait.ge [sflag:s7], $0x800  }
0xb2: {  	[sflag:s7] =	ssyncset.done $0x0  }
0xb3: {  	[sflag:s7] =	ssyncadd.s32 $0xFFFFF800  }
0xb4: {  	_ =	swait.ge [sflag:s8], $0x800  }
0xb5: {  	[sflag:s8] =	ssyncset.done $0x0  }
0xb6: {  	[sflag:s8] =	ssyncadd.s32 $0xFFFFF800  }
0xb7: {  	_ =	swait.ge [sflag:s10], $0x800  }
0xb8: {  	[sflag:s10] =	ssyncset.done $0x0  }
0xb9: {  	[sflag:s10] =	ssyncadd.s32 $0xFFFFF800  }
0xba: {  	_ =	swait.ge [sflag:s11], $0x800  }
0xbb: {  	[sflag:s11] =	ssyncset.done $0x0  }
0xbc: {  	[sflag:s11] =	ssyncadd.s32 $0xFFFFF800  }
0xbd: {  	_ =	swait.ge [sflag:s12], $0x800  }
0xbe: {  	[sflag:s12] =	ssyncset.done $0x0  }
0xbf: {  	[sflag:s12] =	ssyncadd.s32 $0xFFFFF800  }
.Ltmp1:
0xc0: {  	_ =	swait.ge [sflag:s13], $0x800;
	(pc) =	sbr.rel @p0 .LBB2_4-.Ltmp1, $4  }
0xc1: {  	[sflag:s13] =	ssyncset.done $0x0  }
0xc2: {  	[sflag:s13] =	ssyncadd.s32 $0xFFFFF800  }
0xc3: {  	_ =	swait.ge [sflag:s6], $0x800  }
0xc4: {  	s9 =	smov.u32 s16;
	[sflag:s6] =	ssyncset.done $0x0  }
0xc5: {  	s9 =	sshra.s32 s18, $0x2;
	[sflag:s6] =	ssyncadd.s32 $0xFFFFF800  }
0xc6: {  	[tilespmem:s20], [sflag:$0x1] =	stream.indirect.gather [spmem:s2], $0x10, s9, s19, $0xb8;
	[tilespmem:$0x10800] =	vst v63  }
0xc7: {  	s15 =	sadd.s32 $0x80, s9  }
0xc8: {  	[tilespmem:s21], [sflag:$0x2] =	stream.indirect.gather [spmem:s2], $0x10, s15, s19, $0xb8;
	[tilespmem:$0x10800] =	vst v63  }
0xc9: {  	s16 =	sadd.s32 $0x100, s9  }
0xca: {  	[tilespmem:s22], [sflag:$0x3] =	stream.indirect.gather [spmem:s2], $0x10, s16, s19, $0xb8;
	[tilespmem:$0x10800] =	vst v63  }
0xcb: {  	s18 =	sadd.s32 $0x180, s9  }
0xcc: {  	[tilespmem:s23], [sflag:$0x4] =	stream.indirect.gather [spmem:s2], $0x10, s18, s19, $0xb8;
	[tilespmem:$0x10800] =	vst v63  }
0xcd: {  	s16 =	sadd.s32 $0x200, s9  }
0xce: {  	[tilespmem:s24], [sflag:$0x5] =	stream.indirect.gather [spmem:s2], $0x10, s16, s19, $0xb8;
	[tilespmem:$0x10800] =	vst v63  }
0xcf: {  	s18 =	sadd.s32 $0x280, s9  }
0xd0: {  	[tilespmem:s25], [sflag:$0x6] =	stream.indirect.gather [spmem:s2], $0x10, s18, s19, $0xb8;
	[tilespmem:$0x10800] =	vst v63  }
0xd1: {  	s16 =	sadd.s32 $0x300, s9  }
0xd2: {  	[tilespmem:s26], [sflag:$0x7] =	stream.indirect.gather [spmem:s2], $0x10, s16, s19, $0xb8;
	[tilespmem:$0x10800] =	vst v63  }
0xd3: {  	s18 =	sadd.s32 $0x380, s9  }
0xd4: {  	[tilespmem:s28], [sflag:$0x8] =	stream.indirect.gather [spmem:s2], $0x10, s18, s19, $0xb8;
	[tilespmem:$0x10800] =	vst v63  }
0xd5: {  	_ =	swait.ge [sflag:s29], $0x800  }
0xd6: {  	[sflag:s29] =	ssyncset.done $0x0  }
0xd7: {  	s16 =	sadd.s32 $0x2800, s9;
	[sflag:s29] =	ssyncadd.s32 $0xFFFFF800  }
0xd8: {  	[spmem:s3] =	stream.indirect.scatter.add.f32 [tilespmem:s20], [sflag:$0x9], $0x10, s16, s19, $0xb8;
	[tilespmem:$0x10800] =	vst v63  }
0xd9: {  	_ =	swait.ge [sflag:s30], $0x800  }
0xda: {  	[sflag:s30] =	ssyncset.done $0x0  }
0xdb: {  	s18 =	sadd.s32 $0x2880, s9;
	[sflag:s30] =	ssyncadd.s32 $0xFFFFF800  }
0xdc: {  	[spmem:s3] =	stream.indirect.scatter.add.f32 [tilespmem:s21], [sflag:$0xA], $0x10, s18, s19, $0xb8;
	[tilespmem:$0x10800] =	vst v63  }
0xdd: {  	_ =	swait.ge [sflag:s31], $0x800  }
0xde: {  	[sflag:s31] =	ssyncset.done $0x0  }
0xdf: {  	s16 =	sadd.s32 $0x2900, s9;
	[sflag:s31] =	ssyncadd.s32 $0xFFFFF800  }
0xe0: {  	[spmem:s3] =	stream.indirect.scatter.add.f32 [tilespmem:s22], [sflag:$0xB], $0x10, s16, s19, $0xb8;
	[tilespmem:$0x10800] =	vst v63  }
0xe1: {  	_ =	swait.ge [sflag:s0], $0x800  }
0xe2: {  	[sflag:s0] =	ssyncset.done $0x0  }
0xe3: {  	s18 =	sadd.s32 $0x2980, s9;
	[sflag:s0] =	ssyncadd.s32 $0xFFFFF800  }
0xe4: {  	[spmem:s3] =	stream.indirect.scatter.add.f32 [tilespmem:s23], [sflag:$0xC], $0x10, s18, s19, $0xb8;
	[tilespmem:$0x10800] =	vst v63  }
0xe5: {  	_ =	swait.ge [sflag:s1], $0x800  }
0xe6: {  	[sflag:s1] =	ssyncset.done $0x0  }
0xe7: {  	s16 =	sadd.s32 $0x2A00, s9;
	[sflag:s1] =	ssyncadd.s32 $0xFFFFF800  }
0xe8: {  	[spmem:s3] =	stream.indirect.scatter.add.f32 [tilespmem:s24], [sflag:$0xD], $0x10, s16, s19, $0xb8;
	[tilespmem:$0x10800] =	vst v63  }
0xe9: {  	_ =	swait.ge [sflag:s4], $0x800  }
0xea: {  	[sflag:s4] =	ssyncset.done $0x0  }
0xeb: {  	s18 =	sadd.s32 $0x2A80, s9;
	[sflag:s4] =	ssyncadd.s32 $0xFFFFF800  }
0xec: {  	[spmem:s3] =	stream.indirect.scatter.add.f32 [tilespmem:s25], [sflag:$0xE], $0x10, s18, s19, $0xb8;
	[tilespmem:$0x10800] =	vst v63  }
0xed: {  	_ =	swait.ge [sflag:s14], $0x800  }
0xee: {  	[sflag:s14] =	ssyncset.done $0x0  }
0xef: {  	s16 =	sadd.s32 $0x2B00, s9;
	[sflag:s14] =	ssyncadd.s32 $0xFFFFF800  }
0xf0: {  	[spmem:s3] =	stream.indirect.scatter.add.f32 [tilespmem:s26], [sflag:$0xF], $0x10, s16, s19, $0xb8;
	[tilespmem:$0x10800] =	vst v63  }
0xf1: {  	_ =	swait.ge [sflag:s17], $0x800  }
0xf2: {  	[sflag:s17] =	ssyncset.done $0x0  }
0xf3: {  	s9 =	sadd.s32 $0x2B80, s9;
	[sflag:s17] =	ssyncadd.s32 $0xFFFFF800  }
0xf4: {  	[spmem:s3] =	stream.indirect.scatter.add.f32 [tilespmem:s28], [sflag:$0x10], $0x10, s9, s19, $0xb8;
	[tilespmem:$0x10800] =	vst v63  }
0xf5: {  	_ =	swait.ge [sflag:s5], $0x800  }
0xf6: {  	[sflag:s5] =	ssyncset.done $0x0  }
0xf7: {  	[sflag:s5] =	ssyncadd.s32 $0xFFFFF800  }
0xf8: {  	_ =	swait.ge [sflag:s7], $0x800  }
0xf9: {  	[sflag:s7] =	ssyncset.done $0x0  }
0xfa: {  	[sflag:s7] =	ssyncadd.s32 $0xFFFFF800  }
0xfb: {  	_ =	swait.ge [sflag:s8], $0x800  }
0xfc: {  	[sflag:s8] =	ssyncset.done $0x0  }
0xfd: {  	[sflag:s8] =	ssyncadd.s32 $0xFFFFF800  }
0xfe: {  	_ =	swait.ge [sflag:s10], $0x800  }
0xff: {  	[sflag:s10] =	ssyncset.done $0x0  }
0x100: {  	[sflag:s10] =	ssyncadd.s32 $0xFFFFF800  }
0x101: {  	_ =	swait.ge [sflag:s11], $0x800  }
0x102: {  	[sflag:s11] =	ssyncset.done $0x0  }
0x103: {  	[sflag:s11] =	ssyncadd.s32 $0xFFFFF800  }
0x104: {  	_ =	swait.ge [sflag:s12], $0x800  }
0x105: {  	[sflag:s12] =	ssyncset.done $0x0  }
0x106: {  	[sflag:s12] =	ssyncadd.s32 $0xFFFFF800  }
0x107: {  	_ =	swait.ge [sflag:s13], $0x800  }
0x108: {  	[sflag:s13] =	ssyncset.done $0x0  }
0x109: {  	[sflag:s13] =	ssyncadd.s32 $0xFFFFF800  }
0x10a: {  	_ =	swait.ge [sflag:s6], $0x800  }
0x10b: {  	[sflag:s6] =	ssyncset.done $0x0  }
0x10c: {  	[sflag:s6] =	ssyncadd.s32 $0xFFFFF800  }
0x10d: {  	[bflag:$0x0] =	sbarrier.arrive $0xFFFF  }
0x10e: {  	s18 =	rddreg [dreg:$0x5]  }
0x10f: {  	s16 =	rddreg [dreg:$0x8]  }
0x110: {  	s9 =	sor.u32 $0x1C13, s18;
	s15 =	sshrl.u32 s16, $0x3;
	s18 =	rddreg [dreg:$0xa]  }
0x111: {  	[hbm:s18], [sflag:s9] =	dma.local [spmem:s15], $0x500  }
0x112: {  	s15 =	simm.s32 $0x13  }
0x113: {  	_ =	swait.ge [sflag:s15], $0x500  }
0x114: {  	s9 =	rddreg [dreg:$0xd]  }
0x115: {  	s18 =	sadd.s32 $0x1, s9;
	s9 =	rddreg [dreg:$0xb]  }
0x116: {  	p0 =	sne.s32 s18, s9  }
.Ltmp2:
0x117: {  	_ = 	snop;
	(pc) =	sbr.rel @p0 .LBB2_1-.Ltmp2, $3  }
0x118: {  	_ =	sdelay $0x1  }
0x119: {  	[sflag:s15] =	ssyncset.done $0x0  }
0x11a: {  	[sflag:s15] =	ssyncadd.s32 $0xFFFFFB00  }
0x11b: {  	_ =	sfence.sel $0x180000  }
0x11c: {  	[bflag:$0x0] =	sbarrier.arrive $0xFFFF  }
0x11d: {  	_ =	strace $0x9000004A  }
0x11e: {  	s0 =	stileid.u32;
	[bflag:$0x2] =	sbarrier.arrive $0xFFFF  }
0x11f: {  	p0 =	sne.s32 s0, $0x0;
	s0 =	rddreg [dreg:$0x3]  }
0x120: {  	s0 =	sadd.s32 @!p0 $0x100000, s0  }
0x121: {  	[sflag:s0] =	ssyncadd.tile.s32 @!p0 $0x1;
	_ =	shalt  }
.Lfunc_end2:
_tile_overlayer_lowered:
.L_overlay_start_2:
0x122: {  	(tag) =	ssettag $0x2  }
0x123: {  	s0 =	rddreg [dreg:$0x0];
	s2 =	stileid.u32  }
0x124: {  	s1 =	rddreg [dreg:$0x1];
	p0 =	sne.s32 s2, $0x0  }
0x125: {  	s3 =	rddreg [dreg:$0x2];
	[bflag:$0x3] =	sbarrier.arrive $0xFFFF;
	s2 =	simm.s32 @!p0 $0x1C13  }
0x126: {  	[timem:s3], [sflag:s2] =	dma.local @!p0 [hbm:s0], s1  }
0x127: {  	s0 =	simm.s32 @!p0 $0x13  }
0x128: {  	_ =	swait.ge @!p0 [sflag:s0], s1  }
0x129: {  	s1 =	ssub.s32 @!p0 $0x0, s1;
	[sflag:s0] =	ssyncset.done @!p0 $0x0  }
0x12a: {  	[sflag:s0] =	ssyncadd.s32 @!p0 s1  }
0x12b: {  	[bflag:$0x3] =	sbarrier.arrive $0xFFFF  }
0x12c: {  	_ =	shalt  }

// kernel: kernel.14.cloned.1.call-start
scs
__scs_entry_jumppad:
0x0: {  	(pc) =	sbr.rel $0x88, $3  }
0x1: {  	(tag) =	ssettag $0x0;
	lr =	simm.s32 $0x1  }
0x2: {  	[smem:$0x3F92] =	sst lr;
	_ =	strace $0xD0000000  }
0x3: {  	_ = 	snop  }
0x4: {  	_ = 	snop  }
0x5: {  	_ = 	snop  }
0x6: {  	_ = 	snop  }
0x7: {  	_ = 	snop  }
__scs_overlays_trampoline_lowered:
0x8: {  	[smem:$0x3FA1] =	sst s0  }
0x9: {  	[smem:$0x3FA2] =	sst s1  }
0xa: {  	[smem:$0x3FA3] =	sst s2  }
0xb: {  	[smem:$0x3FA4] =	sst s3  }
0xc: {  	[smem:$0x3FA5] =	sst s4  }
0xd: {  	[smem:$0x3FA6] =	sst s5  }
0xe: {  	[smem:$0x3FA7] =	sst s6  }
0xf: {  	[smem:$0x3FA8] =	sst s7  }
0x10: {  	[smem:$0x3FA9] =	sst s8  }
0x11: {  	[smem:$0x3FAA] =	sst s9;
	s0 =	simm.s32 @!p0 $0x0  }
0x12: {  	s1 =	sld [smem:$0x3F90];
	s0 =	simm.s32 @p0 $0x1  }
0x13: {  	[smem:$0x3FAB] =	sst s0;
	s0 =	simm.s32 @!p1 $0x0  }
0x14: {  	s2 =	sld [smem:$0x3F8F];
	s0 =	simm.s32 @p1 $0x1  }
0x15: {  	[smem:$0x3FAC] =	sst s0;
	s0 =	simm.s32 @!p2 $0x0  }
0x16: {  	s3 =	sld [smem:$0x3FDB];
	s0 =	simm.s32 @p2 $0x1  }
0x17: {  	s4 =	simm.s32 $0x1BF5;
	[smem:$0x3FAE] =	sst s0  }
0x18: {  	s0 =	sld [smem:$0x3F91];
	_ =	swait.ge [sflag:s4], $0x0  }
0x19: {  	s7 =	sld [smem:$0x3F92]  }
0x1a: {  	s8 =	sadd.s32 $0xFFFFE003, lr  }
0x1b: {  	s9 =	sadd.s32 $0xFFFFFEF7, lr;
	s5 =	simm.s32 $0xFFFFFFFF;
	p2 =	slt.u32 s8, $0xFFFFF086  }
0x1c: {  	p1 =	slt.u32 s9, $0xF7A;
	s5 =	simm.s32 @!p2 $0x0  }
0x1d: {  	s5 =	simm.s32 @p1 $0x1;
	p0 =	seq.s32 s7, s2  }
0x1e: {  	s7 =	smul.u32 @!p0 $0xF7A, s2;
	p2 =	seq.s32 @!p0 s5, $0x0  }
0x1f: {  	s9 =	smul.u32 $0xF7A, s1;
	s8 =	simm.s32 @!p0 $0x1BF5;
	p2 =	por !p2, p0  }
0x20: {  	[sflag:s8] =	ssyncset.s32 @!p0 $0xFFFFF086;
	s6 =	sadd.s32 @!p0 s3, s7;
	s7 =	simm.s32 @!p0 $0x108  }
0x21: {  	s3 =	sadd.s32 s3, s9;
	s6 =	sadd.s32 @!p0 $0x88, s6;
	s7 =	simm.s32 @p2 $0x1082  }
0x22: {  	[simem:s7], [sflag:s8] =	dma.local @!p0 [hbm:s6], $0xF7A  }
0x23: {  	s9 =	sor.u32 $0xD0000000, s2;
	s6 =	simm.s32 $0x108;
	_ =	swait.ge @!p0 [sflag:s8], $0x0  }
0x24: {  	s3 =	sadd.s32 $0x88, s3;
	s6 =	simm.s32 @!p1 $0x1082;
	[sflag:s4] =	ssyncset.s32 $0xFFFFF086  }
0x25: {  	[simem:s6], [sflag:s4] =	dma.local [hbm:s3], $0xF7A  }
0x26: {  	[smem:$0x3F92] =	sst s1;
	(tag) =	ssettag s2;
	_ =	strace s9  }
0x27: {  	s1 =	sld [smem:$0x3FA2]  }
0x28: {  	s2 =	sld [smem:$0x3FA3]  }
0x29: {  	s4 =	sld [smem:$0x3FA5]  }
0x2a: {  	p0 =	seq.s32 s5, $0x0;
	s5 =	sld [smem:$0x3FA6]  }
0x2b: {  	s6 =	sld [smem:$0x3FA7]  }
0x2c: {  	s7 =	sld [smem:$0x3FA8]  }
0x2d: {  	s3 =	simm.s32 $0x108;
	s8 =	sld [smem:$0x3FA9]  }
0x2e: {  	s3 =	simm.s32 @!p0 $0x1082;
	s9 =	sld [smem:$0x3FAA]  }
0x2f: {  	lr =	sadd.s32 s0, s3;
	s0 =	sld [smem:$0x3FA1]  }
0x30: {  	s3 =	sld [smem:$0x3FA4]  }
0x31: {  	[smem:$0x3FAD] =	sst s10  }
0x32: {  	s10 =	sld [smem:$0x3FAB];
	_ =	sdelay $0x3  }
0x33: {  	p0 =	seq.s32 s10, $0x1;
	s10 =	sld [smem:$0x3FAD];
	_ =	sdelay $0x3  }
0x34: {  	[smem:$0x3FAD] =	sst s10  }
0x35: {  	s10 =	sld [smem:$0x3FAC];
	_ =	sdelay $0x3  }
0x36: {  	p1 =	seq.s32 s10, $0x1;
	s10 =	sld [smem:$0x3FAD];
	_ =	sdelay $0x3  }
0x37: {  	[smem:$0x3FAD] =	sst s10  }
0x38: {  	s10 =	sld [smem:$0x3FAE]  }
0x39: {  	_ = 	snop;
	(pc) =	sbr.ind lr, $3  }
0x3a: {  	_ = 	snop  }
0x3b: {  	_ = 	snop  }
0x3c: {  	p2 =	seq.s32 s10, $0x1;
	s10 =	sld [smem:$0x3FAD]  }
0x3d: {  	_ =	shalt  }
0x3e: {  	_ =	shalt  }
0x3f: {  	_ =	shalt  }
0x40: {  	_ =	shalt  }
0x41: {  	_ =	shalt  }
0x42: {  	_ =	shalt  }
0x43: {  	_ =	shalt  }
0x44: {  	_ =	shalt  }
0x45: {  	_ =	shalt  }
0x46: {  	_ =	shalt  }
0x47: {  	_ =	shalt  }
0x48: {  	_ =	shalt  }
0x49: {  	_ =	shalt  }
0x4a: {  	_ =	shalt  }
0x4b: {  	_ =	shalt  }
0x4c: {  	_ =	shalt  }
0x4d: {  	_ =	shalt  }
0x4e: {  	_ =	shalt  }
0x4f: {  	_ =	shalt  }
0x50: {  	_ =	shalt  }
0x51: {  	_ =	shalt  }
0x52: {  	_ =	shalt  }
0x53: {  	_ =	shalt  }
0x54: {  	_ =	shalt  }
0x55: {  	_ =	shalt  }
0x56: {  	_ =	shalt  }
0x57: {  	_ =	shalt  }
0x58: {  	_ =	shalt  }
0x59: {  	_ =	shalt  }
0x5a: {  	_ =	shalt  }
0x5b: {  	_ =	shalt  }
0x5c: {  	_ =	shalt  }
0x5d: {  	_ =	shalt  }
0x5e: {  	_ =	shalt  }
0x5f: {  	_ =	shalt  }
0x60: {  	_ =	shalt  }
0x61: {  	_ =	shalt  }
0x62: {  	_ =	shalt  }
0x63: {  	_ =	shalt  }
0x64: {  	_ =	shalt  }
0x65: {  	_ =	shalt  }
0x66: {  	_ =	shalt  }
0x67: {  	_ =	shalt  }
0x68: {  	_ =	shalt  }
0x69: {  	_ =	shalt  }
0x6a: {  	_ =	shalt  }
0x6b: {  	_ =	shalt  }
0x6c: {  	_ =	shalt  }
0x6d: {  	_ =	shalt  }
0x6e: {  	_ =	shalt  }
0x6f: {  	_ =	shalt  }
0x70: {  	_ =	shalt  }
0x71: {  	_ =	shalt  }
0x72: {  	_ =	shalt  }
0x73: {  	_ =	shalt  }
0x74: {  	_ =	shalt  }
0x75: {  	_ =	shalt  }
0x76: {  	_ =	shalt  }
0x77: {  	_ =	shalt  }
0x78: {  	_ =	shalt  }
0x79: {  	_ =	shalt  }
0x7a: {  	_ =	shalt  }
0x7b: {  	_ =	shalt  }
0x7c: {  	_ =	shalt  }
0x7d: {  	_ =	shalt  }
0x7e: {  	_ =	shalt  }
0x7f: {  	_ =	shalt  }
0x80: {  	_ =	shalt  }
0x81: {  	_ =	shalt  }
0x82: {  	_ =	shalt  }
0x83: {  	_ =	shalt  }
0x84: {  	_ =	shalt  }
0x85: {  	_ =	shalt  }
0x86: {  	_ =	shalt  }
0x87: {  	_ =	shalt  }
.Lfunc_end0:
.L_simem_size_0:
called_computation.2_lowered:
.L_overlay_start_0:
0x88: {  	s2 =	sld [smem:$0x3FD9]  }
0x89: {  	s3 =	sld [smem:$0x3FFE];
	_ =	sdelay $0x1  }
0x8a: {  	s1 =	srdreg.scid  }
0x8b: {  	s0 =	sand.u32 $0x1, s1  }
0x8c: {  	s16 =	sshll.u32 s0, $0xA;
	s2 =	sadd.s32 s3, s2  }
0x8d: {  	s2 =	sadd.s32 s2, s16  }
0x8e: {  	[smem:$0x3FB9] =	sst s2  }
0x8f: {  	_ = 	snop  }
0x90: {  	(tm) =	ssettm $0x1  }
0x91: {  	s17 =	sld [smem:$0x3FFB];
	_ =	sdelay $0x3  }
0x92: {  	_ =	strace s17  }
0x93: {  	s2 =	sld [smem:$0x3FFC];
	_ =	sdelay $0x3  }
0x94: {  	_ =	strace s2  }
0x95: {  	s2 =	sld [smem:$0x3FFD];
	_ =	sdelay $0x3  }
0x96: {  	_ =	strace s2  }
0x97: {  	_ =	strace $0x8FFFFFFF  }
0x98: {  	s18 =	sld [smem:$0x3FDB];
	_ =	sdelay $0x1  }
0x99: {  	s19 =	simm.s32 $_scs_section_size  }
0x9a: {  	s4 =	simm.s32 $_size__tile_overlayer_lowered;
	s5 =	simm.s32 $_tile_overlayer_lowered  }
0x9b: {  	s22 =	simm.s32 $0x1BFF;
	s21 =	sshll.u32 s5, $0x1;
	s2 =	sadd.s32 s19, s18  }
0x9c: {  	s6 =	simm.s32 $0x0;
	s20 =	sshll.u32 s4, $0x1;
	s4 =	sadd.s32 s21, s2  }
0x9d: {  	[timem:s6], [sflag:s22] =	dma.local [hbm:s4], s20  }
0x9e: {  	_ =	swait.ge [sflag:s22], s20  }
0x9f: {  	s3 =	ssub.s32 $0x0, s20;
	[sflag:s22] =	ssyncset.done $0x0  }
0xa0: {  	[sflag:s22] =	ssyncadd.s32 s3;
	_ =	sdelay $0x1  }
0xa1: {  	s23 =	simm.s32 $0x1B8B  }
0xa2: {  	_ =	swait.ge [sflag:s23], $0x1  }
0xa3: {  	[sflag:s23] =	ssyncset.done $0x0  }
0xa4: {  	s25 =	simm.s32 $0x1B8E;
	s24 =	sld [smem:$0x3FFE];
	[sflag:s23] =	ssyncadd.s32 $0xFFFFFFFF  }
0xa5: {  	s26 =	simm.s32 $execute0_lowered;
	[smem:$0x3FD2] =	sst s25  }
0xa6: {  	s4 =	sshll.u32 s26, $0x1;
	_ =	strace $0x8000004C;
	[dreg:$0x1] =	wrdreg $0xFFFFFFFF  }
0xa7: {  	s28 =	simm.s32 $_size_execute0_lowered;
	s2 =	sadd.s32 s2, s4;
	[dreg:$0x0] =	wrdreg $0x0  }
0xa8: {  	s4 =	sshll.u32 s28, $0x1;
	[dreg:$0x2] =	wrdreg s2  }
0xa9: {  	[dreg:$0x3] =	wrdreg s4  }
0xaa: {  	[dreg:$0x4] =	wrdreg $0xC0  }
0xab: {  	_ =	task [dreg:s6], $0x5FFFF  }
0xac: {  	[dreg:$0x1] =	wrdreg $0xFFFFFFFF  }
0xad: {  	[dreg:$0x0] =	wrdreg $0x60  }
0xae: {  	[dreg:$0x2] =	wrdreg s24  }
0xaf: {  	[dreg:$0x3] =	wrdreg $0xE0000  }
0xb0: {  	[dreg:$0x4] =	wrdreg $0xB8000  }
0xb1: {  	[dreg:$0x5] =	wrdreg $0x9  }
0xb2: {  	_ =	task.clear_ibuf [dreg:s6], $0x6FFFF;
	_ =	strace $0x9000004C  }
0xb3: {  	s29 =	simm.s32 $0x9;
	_ =	strace $0x8000004E  }
0xb4: {  	_ =	swait.ge [sflag:s29], $0x1  }
0xb5: {  	[sflag:s29] =	ssyncadd.s32 $0xFFFFFFFF  }
0xb6: {  	_ =	strace $0x9000004E  }
0xb7: {  	_ =	sfence  }
0xb8: {  	s30 =	sld [smem:$0x0];
	_ =	sdelay $0x2  }
0xb9: {  	s31 =	sshll.u32 s1, $0xD;
	s1 =	sshrl.u32 s1, $0x2  }
0xba: {  	s3 =	sand.u32 $0x4000, s31;
	s1 =	sadd.s32 s1, s30  }
0xbb: {  	s0 =	sor.u32 s3, s0;
	s1 =	sshll.u32 s1, $0x11  }
0xbc: {  	s0 =	sor.u32 s1, s0  }
0xbd: {  	s0 =	sadd.s32 $0x8F2B, s0  }
0xbe: {  	[sflag:s0] =	ssyncadd.remote.s32 $0x1  }
0xbf: {  	_ =	sfence.sel $0xFFFF  }
0xc0: {  	[dreg:$0x0] =	wrdreg $0xFFFFFFFF;
	(pc) =	sbr.abs _section_cstart, $3  }
0xc1: {  	[dreg:$0x1] =	wrdreg $0xFFFFFFFF  }
0xc2: {  	_ =	task.clear_ibuf [dreg:s6], $0x2FFFF;
	_ =	strace $0x9FFFFFFF  }
0xc3: {  	(tm) =	ssettm $0x7FFFFFFF  }
tec
execute0_lowered:
.L_overlay_start_1:
0x0: {  	(tag) =	ssettag $0x1  }
0x1: {  	s0 =	rddreg [dreg:$0x0]  }
0x2: {  	s2 =	rddreg [dreg:$0x1]  }
0x3: {  	s3 =	rddreg [dreg:$0x2]  }
0x4: {  	s8 =	stileid.u32;
	s1 =	srdreg.scid;
	s7 =	simm.s32 $0x0  }
0x5: {  	s28 =	simm.s32 $0x8800;
	s29 =	simm.s32 $0x1;
	s30 =	simm.s32 $0x2  }
0x6: {  	s31 =	simm.s32 $0x3;
	s14 =	simm.s32 $0x7;
	s17 =	simm.s32 $0x8  }
0x7: {  	s10 =	simm.s32 $0xC;
	s11 =	simm.s32 $0xD;
	s12 =	simm.s32 $0xE  }
0x8: {  	s13 =	simm.s32 $0xF;
	s18 =	simm.s32 $0x0;
	s4 =	smul.u32 $0x2800, s8  }
0x9: {  	s1 =	sand.u32 $0x1, s1;
	s5 =	sshll.u32 s8, $0x1;
	[smem:$0x7FF] =	sst s7  }
0xa: {  	s8 =	sshll.u32 s8, $0x6;
	s5 =	sor.u32 s1, s5;
	s6 =	smul.u32 $0x28000, s1  }
0xb: {  	_ =	strace $0x8000004D;
	s1 =	ssub.s32 $0x2, s1;
	[dreg:$0x5] =	wrdreg s8  }
0xc: {  	s23 =	sor.u32 $0x1C12, s8;
	s8 =	simm.s32 $0xB;
	s19 =	sshrl.u32 s4, $0x3  }
0xd: {  	s5 =	smul.u32 $0x2800, s5;
	s20 =	sshrl.u32 s1, $0x1;
	s22 =	sadd.s32 s4, s2  }
0xe: {  	[dreg:$0x7] =	wrdreg s23;
	s16 =	sadd.s32 s4, s3;
	s23 =	simm.s32 $0x6800  }
0xf: {  	s7 =	sadd.s32 s19, s0;
	s6 =	sadd.s32 s4, s6;
	s1 =	ssub.s32 s1, s20  }
0x10: {  	s26 =	sshrl.u32 s22, $0x3;
	s19 =	simm.s32 $0x80;
	s20 =	simm.s32 $0x5000  }
0x11: {  	s22 =	simm.s32 $0x6000;
	s4 =	simm.s32 $0x6;
	[dreg:$0x8] =	wrdreg s16  }
0x12: {  	s5 =	sshrl.u32 s5, $0x3;
	s6 =	sshrl.u32 s6, $0x3;
	s7 =	sadd.s32 $0x17000, s7  }
0x13: {  	s25 =	smax.u32 s1, $0x1;
	[dreg:$0xc] =	wrdreg s26;
	s26 =	simm.s32 $0x8000  }
0x14: {  	s1 =	simm.s32 $0x5;
	s5 =	sadd.s32 s5, s0;
	[dreg:$0x6] =	wrdreg s7  }
0x15: {  	s0 =	sadd.s32 s6, s0;
	[dreg:$0xb] =	wrdreg s25;
	s21 =	sadd.s32 $0x3000, s5  }
0x16: {  	s25 =	simm.s32 $0x7800;
	s24 =	sadd.s32 $0xD000, s5;
	[dreg:$0x4] =	wrdreg s21  }
0x17: {  	s7 =	simm.s32 $0xA;
	s0 =	sadd.s32 $0x1C000, s0;
	[dreg:$0x9] =	wrdreg s24  }
0x18: {  	s6 =	simm.s32 $0x10;
	s5 =	simm.s32 $0x9;
	[dreg:$0xa] =	wrdreg s0  }
0x19: {  	v0 =	vimm.f32 $0.0e+00;
	s21 =	simm.s32 $0x5800;
	s24 =	simm.s32 $0x7000;
	s0 =	simm.s32 $0x4  }
.LBB2_1:
0x1a: {  	[dreg:$0xd] =	wrdreg s18  }
0x1b: {  	s15 =	rddreg [dreg:$0x4]  }
0x1c: {  	s9 =	simm.s32 $0x0;
	s18 =	rddreg [dreg:$0xc]  }
0x1d: {  	[tilespmem:s9], [sflag:$0x11] =	stream.linear.gather [hbm4b:s15+s9], $0x2800, $0x38;
	[tilespmem:$0x10800] =	vst v63  }
0x1e: {  	s9 =	rddreg [dreg:$0x6]  }
0x1f: {  	s15 =	rddreg [dreg:$0x7]  }
0x20: {  	[spmem:s18], [sflag:s15] =	dma.local [hbm:s9], $0x500  }
0x21: {  	s9 =	simm.s32 $0x40;
	s15 =	simm.s32 $0x0  }
.LBB2_2:
0x22: {  	p0 =	sne.s32 s9, $0x9FC0;
	[tilespmem:s15+$0x9000] =	vst v0;
	s15 =	smov.u32 s9;
	s9 =	sadd.s32 $0x40, s9  }
.Ltmp0:
0x23: {  	(pc) =	sbr.rel @p0 .LBB2_2-.Ltmp0, $2  }
0x24: {  	_ =	sdelay $0x2  }
0x25: {  	s15 =	sshra.s32 s15, $0x2  }
0x26: {  	[tilespmem:s15+$0x9000] =	vst v0;
	s9 =	simm.s32 $0x9000  }
0x27: {  	[spmem:s16] =	stream.linear.scatter [tilespmem:s9], [sflag:$0x13], $0x2800, $0x38;
	[tilespmem:$0x10800] =	vst v63  }
0x28: {  	s16 =	simm.s32 $0x13  }
0x29: {  	_ =	swait.ge [sflag:s16], $0x2800  }
0x2a: {  	[sflag:s16] =	ssyncset.done $0x0  }
0x2b: {  	s15 =	simm.s32 $0x11;
	[sflag:s16] =	ssyncadd.s32 $0xFFFFD800  }
0x2c: {  	_ =	swait.ge [sflag:s15], $0x2800  }
0x2d: {  	s18 =	simm.s32 $0x2800;
	[sflag:s15] =	ssyncset.done $0x0  }
0x2e: {  	s9 =	simm.s32 $0x0;
	[sflag:s15] =	ssyncadd.s32 $0xFFFFD800;
	s15 =	rddreg [dreg:$0x9]  }
0x2f: {  	[tilespmem:s18], [sflag:$0x13] =	stream.linear.gather [hbm4b:s15+s9], $0x2800, $0x38;
	[tilespmem:$0x10800] =	vst v63  }
0x30: {  	_ =	swait.ge [sflag:s16], $0x2800  }
0x31: {  	[sflag:s16] =	ssyncset.done $0x0  }
0x32: {  	[sflag:s16] =	ssyncadd.s32 $0xFFFFD800;
	s16 =	simm.s32 $0x12  }
0x33: {  	_ =	swait.ge [sflag:s16], $0x500  }
0x34: {  	[sflag:s16] =	ssyncset.done $0x0  }
0x35: {  	[sflag:s16] =	ssyncadd.s32 $0xFFFFFB00  }
0x36: {  	s18 =	simm.s32 $0x0;
	[bflag:$0x0] =	sbarrier.arrive $0xFFFF  }
0x37: {  	[tilespmem:s20], [sflag:$0x1] =	stream.indirect.gather [spmem:s2], $0x10, s18, s19, $0xb8;
	[tilespmem:$0x10800] =	vst v63  }
0x38: {  	s15 =	simm.s32 $0x80  }
0x39: {  	[tilespmem:s21], [sflag:$0x2] =	stream.indirect.gather [spmem:s2], $0x10, s15, s19, $0xb8;
	[tilespmem:$0x10800] =	vst v63  }
0x3a: {  	s16 =	simm.s32 $0x100  }
0x3b: {  	[tilespmem:s22], [sflag:$0x3] =	stream.indirect.gather [spmem:s2], $0x10, s16, s19, $0xb8;
	[tilespmem:$0x10800] =	vst v63  }
0x3c: {  	s18 =	simm.s32 $0x180  }
0x3d: {  	[tilespmem:s23], [sflag:$0x4] =	stream.indirect.gather [spmem:s2], $0x10, s18, s19, $0xb8;
	[tilespmem:$0x10800] =	vst v63  }
0x3e: {  	s15 =	simm.s32 $0x200  }
0x3f: {  	[tilespmem:s24], [sflag:$0x5] =	stream.indirect.gather [spmem:s2], $0x10, s15, s19, $0xb8;
	[tilespmem:$0x10800] =	vst v63  }
0x40: {  	s16 =	simm.s32 $0x280  }
0x41: {  	[tilespmem:s25], [sflag:$0x6] =	stream.indirect.gather [spmem:s2], $0x10, s16, s19, $0xb8;
	[tilespmem:$0x10800] =	vst v63  }
0x42: {  	s18 =	simm.s32 $0x300  }
0x43: {  	[tilespmem:s26], [sflag:$0x7] =	stream.indirect.gather [spmem:s2], $0x10, s18, s19, $0xb8;
	[tilespmem:$0x10800] =	vst v63  }
0x44: {  	s15 =	simm.s32 $0x380  }
0x45: {  	[tilespmem:s28], [sflag:$0x8] =	stream.indirect.gather [spmem:s2], $0x10, s15, s19, $0xb8;
	[tilespmem:$0x10800] =	vst v63  }
0x46: {  	_ =	swait.ge [sflag:s29], $0x800  }
0x47: {  	[sflag:s29] =	ssyncset.done $0x0  }
0x48: {  	s16 =	simm.s32 $0x2800;
	[sflag:s29] =	ssyncadd.s32 $0xFFFFF800  }
0x49: {  	[spmem:s3] =	stream.indirect.scatter.add.f32 [tilespmem:s20], [sflag:$0x9], $0x10, s16, s19, $0xb8;
	[tilespmem:$0x10800] =	vst v63  }
0x4a: {  	_ =	swait.ge [sflag:s30], $0x800  }
0x4b: {  	[sflag:s30] =	ssyncset.done $0x0  }
0x4c: {  	s18 =	simm.s32 $0x2880;
	[sflag:s30] =	ssyncadd.s32 $0xFFFFF800  }
0x4d: {  	[spmem:s3] =	stream.indirect.scatter.add.f32 [tilespmem:s21], [sflag:$0xA], $0x10, s18, s19, $0xb8;
	[tilespmem:$0x10800] =	vst v63  }
0x4e: {  	_ =	swait.ge [sflag:s31], $0x800  }
0x4f: {  	[sflag:s31] =	ssyncset.done $0x0  }
0x50: {  	s15 =	simm.s32 $0x2900;
	[sflag:s31] =	ssyncadd.s32 $0xFFFFF800  }
0x51: {  	[spmem:s3] =	stream.indirect.scatter.add.f32 [tilespmem:s22], [sflag:$0xB], $0x10, s15, s19, $0xb8;
	[tilespmem:$0x10800] =	vst v63  }
0x52: {  	_ =	swait.ge [sflag:s0], $0x800  }
0x53: {  	[sflag:s0] =	ssyncset.done $0x0  }
0x54: {  	s16 =	simm.s32 $0x2980;
	[sflag:s0] =	ssyncadd.s32 $0xFFFFF800  }
0x55: {  	[spmem:s3] =	stream.indirect.scatter.add.f32 [tilespmem:s23], [sflag:$0xC], $0x10, s16, s19, $0xb8;
	[tilespmem:$0x10800] =	vst v63  }
0x56: {  	_ =	swait.ge [sflag:s1], $0x800  }
0x57: {  	[sflag:s1] =	ssyncset.done $0x0  }
0x58: {  	s18 =	simm.s32 $0x2A00;
	[sflag:s1] =	ssyncadd.s32 $0xFFFFF800  }
0x59: {  	[spmem:s3] =	stream.indirect.scatter.add.f32 [tilespmem:s24], [sflag:$0xD], $0x10, s18, s19, $0xb8;
	[tilespmem:$0x10800] =	vst v63  }
0x5a: {  	_ =	swait.ge [sflag:s4], $0x800  }
0x5b: {  	[sflag:s4] =	ssyncset.done $0x0  }
0x5c: {  	s15 =	simm.s32 $0x2A80;
	[sflag:s4] =	ssyncadd.s32 $0xFFFFF800  }
0x5d: {  	[spmem:s3] =	stream.indirect.scatter.add.f32 [tilespmem:s25], [sflag:$0xE], $0x10, s15, s19, $0xb8;
	[tilespmem:$0x10800] =	vst v63  }
0x5e: {  	_ =	swait.ge [sflag:s14], $0x800  }
0x5f: {  	[sflag:s14] =	ssyncset.done $0x0  }
0x60: {  	s16 =	simm.s32 $0x2B00;
	[sflag:s14] =	ssyncadd.s32 $0xFFFFF800  }
0x61: {  	[spmem:s3] =	stream.indirect.scatter.add.f32 [tilespmem:s26], [sflag:$0xF], $0x10, s16, s19, $0xb8;
	[tilespmem:$0x10800] =	vst v63  }
0x62: {  	_ =	swait.ge [sflag:s17], $0x800  }
0x63: {  	[sflag:s17] =	ssyncset.done $0x0  }
0x64: {  	s18 =	simm.s32 $0x2B80;
	[sflag:s17] =	ssyncadd.s32 $0xFFFFF800  }
0x65: {  	[spmem:s3] =	stream.indirect.scatter.add.f32 [tilespmem:s28], [sflag:$0x10], $0x10, s18, s19, $0xb8;
	[tilespmem:$0x10800] =	vst v63  }
0x66: {  	_ =	swait.ge [sflag:s5], $0x800  }
0x67: {  	[sflag:s5] =	ssyncset.done $0x0  }
0x68: {  	[sflag:s5] =	ssyncadd.s32 $0xFFFFF800  }
0x69: {  	_ =	swait.ge [sflag:s7], $0x800  }
0x6a: {  	[sflag:s7] =	ssyncset.done $0x0  }
0x6b: {  	[sflag:s7] =	ssyncadd.s32 $0xFFFFF800  }
0x6c: {  	_ =	swait.ge [sflag:s8], $0x800  }
0x6d: {  	[sflag:s8] =	ssyncset.done $0x0  }
0x6e: {  	[sflag:s8] =	ssyncadd.s32 $0xFFFFF800  }
0x6f: {  	_ =	swait.ge [sflag:s10], $0x800  }
0x70: {  	[sflag:s10] =	ssyncset.done $0x0  }
0x71: {  	[sflag:s10] =	ssyncadd.s32 $0xFFFFF800  }
0x72: {  	_ =	swait.ge [sflag:s11], $0x800  }
0x73: {  	[sflag:s11] =	ssyncset.done $0x0  }
0x74: {  	[sflag:s11] =	ssyncadd.s32 $0xFFFFF800  }
0x75: {  	_ =	swait.ge [sflag:s12], $0x800  }
0x76: {  	[sflag:s12] =	ssyncset.done $0x0  }
0x77: {  	[sflag:s12] =	ssyncadd.s32 $0xFFFFF800  }
0x78: {  	_ =	swait.ge [sflag:s13], $0x800  }
0x79: {  	[sflag:s13] =	ssyncset.done $0x0  }
0x7a: {  	[sflag:s13] =	ssyncadd.s32 $0xFFFFF800  }
0x7b: {  	_ =	swait.ge [sflag:s6], $0x800  }
0x7c: {  	s9 =	simm.s32 $0x2000;
	s18 =	simm.s32 $0x1000;
	[sflag:s6] =	ssyncset.done $0x0  }
.LBB2_4:
0x7d: {  	s15 =	sshra.s32 s18, $0x2  }
0x7e: {  	[sflag:s6] =	ssyncadd.s32 $0xFFFFF800;
	s18 =	smov.u32 s9;
	s16 =	sadd.s32 $0x1000, s9  }
0x7f: {  	[tilespmem:s20], [sflag:$0x1] =	stream.indirect.gather [spmem:s2], $0x10, s15, s19, $0xb8;
	[tilespmem:$0x10800] =	vst v63  }
0x80: {  	p0 =	sne.s32 s9, $0x9000;
	s9 =	sadd.s32 $0x80, s15  }
0x81: {  	[tilespmem:s21], [sflag:$0x2] =	stream.indirect.gather [spmem:s2], $0x10, s9, s19, $0xb8;
	[tilespmem:$0x10800] =	vst v63  }
0x82: {  	s9 =	sadd.s32 $0x100, s15  }
0x83: {  	[tilespmem:s22], [sflag:$0x3] =	stream.indirect.gather [spmem:s2], $0x10, s9, s19, $0xb8;
	[tilespmem:$0x10800] =	vst v63  }
0x84: {  	s9 =	sadd.s32 $0x180, s15  }
0x85: {  	[tilespmem:s23], [sflag:$0x4] =	stream.indirect.gather [spmem:s2], $0x10, s9, s19, $0xb8;
	[tilespmem:$0x10800] =	vst v63  }
0x86: {  	s9 =	sadd.s32 $0x200, s15  }
0x87: {  	[tilespmem:s24], [sflag:$0x5] =	stream.indirect.gather [spmem:s2], $0x10, s9, s19, $0xb8;
	[tilespmem:$0x10800] =	vst v63  }
0x88: {  	s9 =	sadd.s32 $0x280, s15  }
0x89: {  	[tilespmem:s25], [sflag:$0x6] =	stream.indirect.gather [spmem:s2], $0x10, s9, s19, $0xb8;
	[tilespmem:$0x10800] =	vst v63  }
0x8a: {  	s9 =	sadd.s32 $0x300, s15  }
0x8b: {  	[tilespmem:s26], [sflag:$0x7] =	stream.indirect.gather [spmem:s2], $0x10, s9, s19, $0xb8;
	[tilespmem:$0x10800] =	vst v63  }
0x8c: {  	s9 =	sadd.s32 $0x380, s15  }
0x8d: {  	[tilespmem:s28], [sflag:$0x8] =	stream.indirect.gather [spmem:s2], $0x10, s9, s19, $0xb8;
	[tilespmem:$0x10800] =	vst v63  }
0x8e: {  	_ =	swait.ge [sflag:s29], $0x800  }
0x8f: {  	[sflag:s29] =	ssyncset.done $0x0  }
0x90: {  	s9 =	sadd.s32 $0x2800, s15;
	[sflag:s29] =	ssyncadd.s32 $0xFFFFF800  }
0x91: {  	[spmem:s3] =	stream.indirect.scatter.add.f32 [tilespmem:s20], [sflag:$0x9], $0x10, s9, s19, $0xb8;
	[tilespmem:$0x10800] =	vst v63  }
0x92: {  	_ =	swait.ge [sflag:s30], $0x800  }
0x93: {  	[sflag:s30] =	ssyncset.done $0x0  }
0x94: {  	s9 =	sadd.s32 $0x2880, s15;
	[sflag:s30] =	ssyncadd.s32 $0xFFFFF800  }
0x95: {  	[spmem:s3] =	stream.indirect.scatter.add.f32 [tilespmem:s21], [sflag:$0xA], $0x10, s9, s19, $0xb8;
	[tilespmem:$0x10800] =	vst v63  }
0x96: {  	_ =	swait.ge [sflag:s31], $0x800  }
0x97: {  	[sflag:s31] =	ssyncset.done $0x0  }
0x98: {  	s9 =	sadd.s32 $0x2900, s15;
	[sflag:s31] =	ssyncadd.s32 $0xFFFFF800  }
0x99: {  	[spmem:s3] =	stream.indirect.scatter.add.f32 [tilespmem:s22], [sflag:$0xB], $0x10, s9, s19, $0xb8;
	[tilespmem:$0x10800] =	vst v63  }
0x9a: {  	_ =	swait.ge [sflag:s0], $0x800  }
0x9b: {  	[sflag:s0] =	ssyncset.done $0x0  }
0x9c: {  	s9 =	sadd.s32 $0x2980, s15;
	[sflag:s0] =	ssyncadd.s32 $0xFFFFF800  }
0x9d: {  	[spmem:s3] =	stream.indirect.scatter.add.f32 [tilespmem:s23], [sflag:$0xC], $0x10, s9, s19, $0xb8;
	[tilespmem:$0x10800] =	vst v63  }
0x9e: {  	_ =	swait.ge [sflag:s1], $0x800  }
0x9f: {  	[sflag:s1] =	ssyncset.done $0x0  }
0xa0: {  	s9 =	sadd.s32 $0x2A00, s15;
	[sflag:s1] =	ssyncadd.s32 $0xFFFFF800  }
0xa1: {  	[spmem:s3] =	stream.indirect.scatter.add.f32 [tilespmem:s24], [sflag:$0xD], $0x10, s9, s19, $0xb8;
	[tilespmem:$0x10800] =	vst v63  }
0xa2: {  	_ =	swait.ge [sflag:s4], $0x800  }
0xa3: {  	[sflag:s4] =	ssyncset.done $0x0  }
0xa4: {  	s9 =	sadd.s32 $0x2A80, s15;
	[sflag:s4] =	ssyncadd.s32 $0xFFFFF800  }
0xa5: {  	[spmem:s3] =	stream.indirect.scatter.add.f32 [tilespmem:s25], [sflag:$0xE], $0x10, s9, s19, $0xb8;
	[tilespmem:$0x10800] =	vst v63  }
0xa6: {  	_ =	swait.ge [sflag:s14], $0x800  }
0xa7: {  	[sflag:s14] =	ssyncset.done $0x0  }
0xa8: {  	s9 =	sadd.s32 $0x2B00, s15;
	[sflag:s14] =	ssyncadd.s32 $0xFFFFF800  }
0xa9: {  	[spmem:s3] =	stream.indirect.scatter.add.f32 [tilespmem:s26], [sflag:$0xF], $0x10, s9, s19, $0xb8;
	[tilespmem:$0x10800] =	vst v63  }
0xaa: {  	_ =	swait.ge [sflag:s17], $0x800  }
0xab: {  	[sflag:s17] =	ssyncset.done $0x0  }
0xac: {  	s9 =	sadd.s32 $0x2B80, s15;
	[sflag:s17] =	ssyncadd.s32 $0xFFFFF800  }
0xad: {  	[spmem:s3] =	stream.indirect.scatter.add.f32 [tilespmem:s28], [sflag:$0x10], $0x10, s9, s19, $0xb8;
	[tilespmem:$0x10800] =	vst v63  }
0xae: {  	_ =	swait.ge [sflag:s5], $0x800  }
0xaf: {  	[sflag:s5] =	ssyncset.done $0x0  }
0xb0: {  	[sflag:s5] =	ssyncadd.s32 $0xFFFFF800  }
0xb1: {  	_ =	swait.ge [sflag:s7], $0x800  }
0xb2: {  	[sflag:s7] =	ssyncset.done $0x0  }
0xb3: {  	[sflag:s7] =	ssyncadd.s32 $0xFFFFF800  }
0xb4: {  	_ =	swait.ge [sflag:s8], $0x800  }
0xb5: {  	[sflag:s8] =	ssyncset.done $0x0  }
0xb6: {  	[sflag:s8] =	ssyncadd.s32 $0xFFFFF800  }
0xb7: {  	_ =	swait.ge [sflag:s10], $0x800  }
0xb8: {  	[sflag:s10] =	ssyncset.done $0x0  }
0xb9: {  	[sflag:s10] =	ssyncadd.s32 $0xFFFFF800  }
0xba: {  	_ =	swait.ge [sflag:s11], $0x800  }
0xbb: {  	[sflag:s11] =	ssyncset.done $0x0  }
0xbc: {  	[sflag:s11] =	ssyncadd.s32 $0xFFFFF800  }
0xbd: {  	_ =	swait.ge [sflag:s12], $0x800  }
0xbe: {  	[sflag:s12] =	ssyncset.done $0x0  }
0xbf: {  	[sflag:s12] =	ssyncadd.s32 $0xFFFFF800  }
.Ltmp1:
0xc0: {  	_ =	swait.ge [sflag:s13], $0x800;
	(pc) =	sbr.rel @p0 .LBB2_4-.Ltmp1, $4  }
0xc1: {  	[sflag:s13] =	ssyncset.done $0x0  }
0xc2: {  	[sflag:s13] =	ssyncadd.s32 $0xFFFFF800  }
0xc3: {  	_ =	swait.ge [sflag:s6], $0x800  }
0xc4: {  	s9 =	smov.u32 s16;
	[sflag:s6] =	ssyncset.done $0x0  }
0xc5: {  	s9 =	sshra.s32 s18, $0x2;
	[sflag:s6] =	ssyncadd.s32 $0xFFFFF800  }
0xc6: {  	[tilespmem:s20], [sflag:$0x1] =	stream.indirect.gather [spmem:s2], $0x10, s9, s19, $0xb8;
	[tilespmem:$0x10800] =	vst v63  }
0xc7: {  	s15 =	sadd.s32 $0x80, s9  }
0xc8: {  	[tilespmem:s21], [sflag:$0x2] =	stream.indirect.gather [spmem:s2], $0x10, s15, s19, $0xb8;
	[tilespmem:$0x10800] =	vst v63  }
0xc9: {  	s16 =	sadd.s32 $0x100, s9  }
0xca: {  	[tilespmem:s22], [sflag:$0x3] =	stream.indirect.gather [spmem:s2], $0x10, s16, s19, $0xb8;
	[tilespmem:$0x10800] =	vst v63  }
0xcb: {  	s18 =	sadd.s32 $0x180, s9  }
0xcc: {  	[tilespmem:s23], [sflag:$0x4] =	stream.indirect.gather [spmem:s2], $0x10, s18, s19, $0xb8;
	[tilespmem:$0x10800] =	vst v63  }
0xcd: {  	s16 =	sadd.s32 $0x200, s9  }
0xce: {  	[tilespmem:s24], [sflag:$0x5] =	stream.indirect.gather [spmem:s2], $0x10, s16, s19, $0xb8;
	[tilespmem:$0x10800] =	vst v63  }
0xcf: {  	s18 =	sadd.s32 $0x280, s9  }
0xd0: {  	[tilespmem:s25], [sflag:$0x6] =	stream.indirect.gather [spmem:s2], $0x10, s18, s19, $0xb8;
	[tilespmem:$0x10800] =	vst v63  }
0xd1: {  	s16 =	sadd.s32 $0x300, s9  }
0xd2: {  	[tilespmem:s26], [sflag:$0x7] =	stream.indirect.gather [spmem:s2], $0x10, s16, s19, $0xb8;
	[tilespmem:$0x10800] =	vst v63  }
0xd3: {  	s18 =	sadd.s32 $0x380, s9  }
0xd4: {  	[tilespmem:s28], [sflag:$0x8] =	stream.indirect.gather [spmem:s2], $0x10, s18, s19, $0xb8;
	[tilespmem:$0x10800] =	vst v63  }
0xd5: {  	_ =	swait.ge [sflag:s29], $0x800  }
0xd6: {  	[sflag:s29] =	ssyncset.done $0x0  }
0xd7: {  	s16 =	sadd.s32 $0x2800, s9;
	[sflag:s29] =	ssyncadd.s32 $0xFFFFF800  }
0xd8: {  	[spmem:s3] =	stream.indirect.scatter.add.f32 [tilespmem:s20], [sflag:$0x9], $0x10, s16, s19, $0xb8;
	[tilespmem:$0x10800] =	vst v63  }
0xd9: {  	_ =	swait.ge [sflag:s30], $0x800  }
0xda: {  	[sflag:s30] =	ssyncset.done $0x0  }
0xdb: {  	s18 =	sadd.s32 $0x2880, s9;
	[sflag:s30] =	ssyncadd.s32 $0xFFFFF800  }
0xdc: {  	[spmem:s3] =	stream.indirect.scatter.add.f32 [tilespmem:s21], [sflag:$0xA], $0x10, s18, s19, $0xb8;
	[tilespmem:$0x10800] =	vst v63  }
0xdd: {  	_ =	swait.ge [sflag:s31], $0x800  }
0xde: {  	[sflag:s31] =	ssyncset.done $0x0  }
0xdf: {  	s16 =	sadd.s32 $0x2900, s9;
	[sflag:s31] =	ssyncadd.s32 $0xFFFFF800  }
0xe0: {  	[spmem:s3] =	stream.indirect.scatter.add.f32 [tilespmem:s22], [sflag:$0xB], $0x10, s16, s19, $0xb8;
	[tilespmem:$0x10800] =	vst v63  }
0xe1: {  	_ =	swait.ge [sflag:s0], $0x800  }
0xe2: {  	[sflag:s0] =	ssyncset.done $0x0  }
0xe3: {  	s18 =	sadd.s32 $0x2980, s9;
	[sflag:s0] =	ssyncadd.s32 $0xFFFFF800  }
0xe4: {  	[spmem:s3] =	stream.indirect.scatter.add.f32 [tilespmem:s23], [sflag:$0xC], $0x10, s18, s19, $0xb8;
	[tilespmem:$0x10800] =	vst v63  }
0xe5: {  	_ =	swait.ge [sflag:s1], $0x800  }
0xe6: {  	[sflag:s1] =	ssyncset.done $0x0  }
0xe7: {  	s16 =	sadd.s32 $0x2A00, s9;
	[sflag:s1] =	ssyncadd.s32 $0xFFFFF800  }
0xe8: {  	[spmem:s3] =	stream.indirect.scatter.add.f32 [tilespmem:s24], [sflag:$0xD], $0x10, s16, s19, $0xb8;
	[tilespmem:$0x10800] =	vst v63  }
0xe9: {  	_ =	swait.ge [sflag:s4], $0x800  }
0xea: {  	[sflag:s4] =	ssyncset.done $0x0  }
0xeb: {  	s18 =	sadd.s32 $0x2A80, s9;
	[sflag:s4] =	ssyncadd.s32 $0xFFFFF800  }
0xec: {  	[spmem:s3] =	stream.indirect.scatter.add.f32 [tilespmem:s25], [sflag:$0xE], $0x10, s18, s19, $0xb8;
	[tilespmem:$0x10800] =	vst v63  }
0xed: {  	_ =	swait.ge [sflag:s14], $0x800  }
0xee: {  	[sflag:s14] =	ssyncset.done $0x0  }
0xef: {  	s16 =	sadd.s32 $0x2B00, s9;
	[sflag:s14] =	ssyncadd.s32 $0xFFFFF800  }
0xf0: {  	[spmem:s3] =	stream.indirect.scatter.add.f32 [tilespmem:s26], [sflag:$0xF], $0x10, s16, s19, $0xb8;
	[tilespmem:$0x10800] =	vst v63  }
0xf1: {  	_ =	swait.ge [sflag:s17], $0x800  }
0xf2: {  	[sflag:s17] =	ssyncset.done $0x0  }
0xf3: {  	s9 =	sadd.s32 $0x2B80, s9;
	[sflag:s17] =	ssyncadd.s32 $0xFFFFF800  }
0xf4: {  	[spmem:s3] =	stream.indirect.scatter.add.f32 [tilespmem:s28], [sflag:$0x10], $0x10, s9, s19, $0xb8;
	[tilespmem:$0x10800] =	vst v63  }
0xf5: {  	_ =	swait.ge [sflag:s5], $0x800  }
0xf6: {  	[sflag:s5] =	ssyncset.done $0x0  }
0xf7: {  	[sflag:s5] =	ssyncadd.s32 $0xFFFFF800  }
0xf8: {  	_ =	swait.ge [sflag:s7], $0x800  }
0xf9: {  	[sflag:s7] =	ssyncset.done $0x0  }
0xfa: {  	[sflag:s7] =	ssyncadd.s32 $0xFFFFF800  }
0xfb: {  	_ =	swait.ge [sflag:s8], $0x800  }
0xfc: {  	[sflag:s8] =	ssyncset.done $0x0  }
0xfd: {  	[sflag:s8] =	ssyncadd.s32 $0xFFFFF800  }
0xfe: {  	_ =	swait.ge [sflag:s10], $0x800  }
0xff: {  	[sflag:s10] =	ssyncset.done $0x0  }
0x100: {  	[sflag:s10] =	ssyncadd.s32 $0xFFFFF800  }
0x101: {  	_ =	swait.ge [sflag:s11], $0x800  }
0x102: {  	[sflag:s11] =	ssyncset.done $0x0  }
0x103: {  	[sflag:s11] =	ssyncadd.s32 $0xFFFFF800  }
0x104: {  	_ =	swait.ge [sflag:s12], $0x800  }
0x105: {  	[sflag:s12] =	ssyncset.done $0x0  }
0x106: {  	[sflag:s12] =	ssyncadd.s32 $0xFFFFF800  }
0x107: {  	_ =	swait.ge [sflag:s13], $0x800  }
0x108: {  	[sflag:s13] =	ssyncset.done $0x0  }
0x109: {  	[sflag:s13] =	ssyncadd.s32 $0xFFFFF800  }
0x10a: {  	_ =	swait.ge [sflag:s6], $0x800  }
0x10b: {  	[sflag:s6] =	ssyncset.done $0x0  }
0x10c: {  	[sflag:s6] =	ssyncadd.s32 $0xFFFFF800  }
0x10d: {  	[bflag:$0x0] =	sbarrier.arrive $0xFFFF  }
0x10e: {  	s18 =	rddreg [dreg:$0x5]  }
0x10f: {  	s16 =	rddreg [dreg:$0x8]  }
0x110: {  	s9 =	sor.u32 $0x1C13, s18;
	s15 =	sshrl.u32 s16, $0x3;
	s18 =	rddreg [dreg:$0xa]  }
0x111: {  	[hbm:s18], [sflag:s9] =	dma.local [spmem:s15], $0x500  }
0x112: {  	s15 =	simm.s32 $0x13  }
0x113: {  	_ =	swait.ge [sflag:s15], $0x500  }
0x114: {  	s9 =	rddreg [dreg:$0xd]  }
0x115: {  	s18 =	sadd.s32 $0x1, s9;
	s9 =	rddreg [dreg:$0xb]  }
0x116: {  	p0 =	sne.s32 s18, s9  }
.Ltmp2:
0x117: {  	_ = 	snop;
	(pc) =	sbr.rel @p0 .LBB2_1-.Ltmp2, $3  }
0x118: {  	_ =	sdelay $0x1  }
0x119: {  	[sflag:s15] =	ssyncset.done $0x0  }
0x11a: {  	[sflag:s15] =	ssyncadd.s32 $0xFFFFFB00  }
0x11b: {  	_ =	sfence.sel $0x180000  }
0x11c: {  	[bflag:$0x0] =	sbarrier.arrive $0xFFFF  }
0x11d: {  	_ =	strace $0x9000004D  }
0x11e: {  	s0 =	stileid.u32;
	[bflag:$0x2] =	sbarrier.arrive $0xFFFF  }
0x11f: {  	p0 =	sne.s32 s0, $0x0;
	s0 =	rddreg [dreg:$0x3]  }
0x120: {  	s0 =	sadd.s32 @!p0 $0x100000, s0  }
0x121: {  	[sflag:s0] =	ssyncadd.tile.s32 @!p0 $0x1;
	_ =	shalt  }
.Lfunc_end2:
_tile_overlayer_lowered:
.L_overlay_start_2:
0x122: {  	(tag) =	ssettag $0x2  }
0x123: {  	s0 =	rddreg [dreg:$0x0];
	s2 =	stileid.u32  }
0x124: {  	s1 =	rddreg [dreg:$0x1];
	p0 =	sne.s32 s2, $0x0  }
0x125: {  	s3 =	rddreg [dreg:$0x2];
	[bflag:$0x3] =	sbarrier.arrive $0xFFFF;
	s2 =	simm.s32 @!p0 $0x1C13  }
0x126: {  	[timem:s3], [sflag:s2] =	dma.local @!p0 [hbm:s0], s1  }
0x127: {  	s0 =	simm.s32 @!p0 $0x13  }
0x128: {  	_ =	swait.ge @!p0 [sflag:s0], s1  }
0x129: {  	s1 =	ssub.s32 @!p0 $0x0, s1;
	[sflag:s0] =	ssyncset.done @!p0 $0x0  }
0x12a: {  	[sflag:s0] =	ssyncadd.s32 @!p0 s1  }
0x12b: {  	[bflag:$0x3] =	sbarrier.arrive $0xFFFF  }
0x12c: {  	_ =	shalt  }

// kernel: kernel.8.cloned.1.call-start
scs
__scs_entry_jumppad:
0x0: {  	(pc) =	sbr.rel $0x88, $3  }
0x1: {  	(tag) =	ssettag $0x0;
	lr =	simm.s32 $0x1  }
0x2: {  	[smem:$0x3F92] =	sst lr;
	_ =	strace $0xD0000000  }
0x3: {  	_ = 	snop  }
0x4: {  	_ = 	snop  }
0x5: {  	_ = 	snop  }
0x6: {  	_ = 	snop  }
0x7: {  	_ = 	snop  }
__scs_overlays_trampoline_lowered:
0x8: {  	[smem:$0x3FA1] =	sst s0  }
0x9: {  	[smem:$0x3FA2] =	sst s1  }
0xa: {  	[smem:$0x3FA3] =	sst s2  }
0xb: {  	[smem:$0x3FA4] =	sst s3  }
0xc: {  	[smem:$0x3FA5] =	sst s4  }
0xd: {  	[smem:$0x3FA6] =	sst s5  }
0xe: {  	[smem:$0x3FA7] =	sst s6  }
0xf: {  	[smem:$0x3FA8] =	sst s7  }
0x10: {  	[smem:$0x3FA9] =	sst s8  }
0x11: {  	[smem:$0x3FAA] =	sst s9;
	s0 =	simm.s32 @!p0 $0x0  }
0x12: {  	s1 =	sld [smem:$0x3F90];
	s0 =	simm.s32 @p0 $0x1  }
0x13: {  	[smem:$0x3FAB] =	sst s0;
	s0 =	simm.s32 @!p1 $0x0  }
0x14: {  	s2 =	sld [smem:$0x3F8F];
	s0 =	simm.s32 @p1 $0x1  }
0x15: {  	[smem:$0x3FAC] =	sst s0;
	s0 =	simm.s32 @!p2 $0x0  }
0x16: {  	s3 =	sld [smem:$0x3FDB];
	s0 =	simm.s32 @p2 $0x1  }
0x17: {  	s4 =	simm.s32 $0x1BF5;
	[smem:$0x3FAE] =	sst s0  }
0x18: {  	s0 =	sld [smem:$0x3F91];
	_ =	swait.ge [sflag:s4], $0x0  }
0x19: {  	s7 =	sld [smem:$0x3F92]  }
0x1a: {  	s8 =	sadd.s32 $0xFFFFE003, lr  }
0x1b: {  	s9 =	sadd.s32 $0xFFFFFEF7, lr;
	s5 =	simm.s32 $0xFFFFFFFF;
	p2 =	slt.u32 s8, $0xFFFFF086  }
0x1c: {  	p1 =	slt.u32 s9, $0xF7A;
	s5 =	simm.s32 @!p2 $0x0  }
0x1d: {  	s5 =	simm.s32 @p1 $0x1;
	p0 =	seq.s32 s7, s2  }
0x1e: {  	s7 =	smul.u32 @!p0 $0xF7A, s2;
	p2 =	seq.s32 @!p0 s5, $0x0  }
0x1f: {  	s9 =	smul.u32 $0xF7A, s1;
	s8 =	simm.s32 @!p0 $0x1BF5;
	p2 =	por !p2, p0  }
0x20: {  	[sflag:s8] =	ssyncset.s32 @!p0 $0xFFFFF086;
	s6 =	sadd.s32 @!p0 s3, s7;
	s7 =	simm.s32 @!p0 $0x108  }
0x21: {  	s3 =	sadd.s32 s3, s9;
	s6 =	sadd.s32 @!p0 $0x88, s6;
	s7 =	simm.s32 @p2 $0x1082  }
0x22: {  	[simem:s7], [sflag:s8] =	dma.local @!p0 [hbm:s6], $0xF7A  }
0x23: {  	s9 =	sor.u32 $0xD0000000, s2;
	s6 =	simm.s32 $0x108;
	_ =	swait.ge @!p0 [sflag:s8], $0x0  }
0x24: {  	s3 =	sadd.s32 $0x88, s3;
	s6 =	simm.s32 @!p1 $0x1082;
	[sflag:s4] =	ssyncset.s32 $0xFFFFF086  }
0x25: {  	[simem:s6], [sflag:s4] =	dma.local [hbm:s3], $0xF7A  }
0x26: {  	[smem:$0x3F92] =	sst s1;
	(tag) =	ssettag s2;
	_ =	strace s9  }
0x27: {  	s1 =	sld [smem:$0x3FA2]  }
0x28: {  	s2 =	sld [smem:$0x3FA3]  }
0x29: {  	s4 =	sld [smem:$0x3FA5]  }
0x2a: {  	p0 =	seq.s32 s5, $0x0;
	s5 =	sld [smem:$0x3FA6]  }
0x2b: {  	s6 =	sld [smem:$0x3FA7]  }
0x2c: {  	s7 =	sld [smem:$0x3FA8]  }
0x2d: {  	s3 =	simm.s32 $0x108;
	s8 =	sld [smem:$0x3FA9]  }
0x2e: {  	s3 =	simm.s32 @!p0 $0x1082;
	s9 =	sld [smem:$0x3FAA]  }
0x2f: {  	lr =	sadd.s32 s0, s3;
	s0 =	sld [smem:$0x3FA1]  }
0x30: {  	s3 =	sld [smem:$0x3FA4]  }
0x31: {  	[smem:$0x3FAD] =	sst s10  }
0x32: {  	s10 =	sld [smem:$0x3FAB];
	_ =	sdelay $0x3  }
0x33: {  	p0 =	seq.s32 s10, $0x1;
	s10 =	sld [smem:$0x3FAD];
	_ =	sdelay $0x3  }
0x34: {  	[smem:$0x3FAD] =	sst s10  }
0x35: {  	s10 =	sld [smem:$0x3FAC];
	_ =	sdelay $0x3  }
0x36: {  	p1 =	seq.s32 s10, $0x1;
	s10 =	sld [smem:$0x3FAD];
	_ =	sdelay $0x3  }
0x37: {  	[smem:$0x3FAD] =	sst s10  }
0x38: {  	s10 =	sld [smem:$0x3FAE]  }
0x39: {  	_ = 	snop;
	(pc) =	sbr.ind lr, $3  }
0x3a: {  	_ = 	snop  }
0x3b: {  	_ = 	snop  }
0x3c: {  	p2 =	seq.s32 s10, $0x1;
	s10 =	sld [smem:$0x3FAD]  }
0x3d: {  	_ =	shalt  }
0x3e: {  	_ =	shalt  }
0x3f: {  	_ =	shalt  }
0x40: {  	_ =	shalt  }
0x41: {  	_ =	shalt  }
0x42: {  	_ =	shalt  }
0x43: {  	_ =	shalt  }
0x44: {  	_ =	shalt  }
0x45: {  	_ =	shalt  }
0x46: {  	_ =	shalt  }
0x47: {  	_ =	shalt  }
0x48: {  	_ =	shalt  }
0x49: {  	_ =	shalt  }
0x4a: {  	_ =	shalt  }
0x4b: {  	_ =	shalt  }
0x4c: {  	_ =	shalt  }
0x4d: {  	_ =	shalt  }
0x4e: {  	_ =	shalt  }
0x4f: {  	_ =	shalt  }
0x50: {  	_ =	shalt  }
0x51: {  	_ =	shalt  }
0x52: {  	_ =	shalt  }
0x53: {  	_ =	shalt  }
0x54: {  	_ =	shalt  }
0x55: {  	_ =	shalt  }
0x56: {  	_ =	shalt  }
0x57: {  	_ =	shalt  }
0x58: {  	_ =	shalt  }
0x59: {  	_ =	shalt  }
0x5a: {  	_ =	shalt  }
0x5b: {  	_ =	shalt  }
0x5c: {  	_ =	shalt  }
0x5d: {  	_ =	shalt  }
0x5e: {  	_ =	shalt  }
0x5f: {  	_ =	shalt  }
0x60: {  	_ =	shalt  }
0x61: {  	_ =	shalt  }
0x62: {  	_ =	shalt  }
0x63: {  	_ =	shalt  }
0x64: {  	_ =	shalt  }
0x65: {  	_ =	shalt  }
0x66: {  	_ =	shalt  }
0x67: {  	_ =	shalt  }
0x68: {  	_ =	shalt  }
0x69: {  	_ =	shalt  }
0x6a: {  	_ =	shalt  }
0x6b: {  	_ =	shalt  }
0x6c: {  	_ =	shalt  }
0x6d: {  	_ =	shalt  }
0x6e: {  	_ =	shalt  }
0x6f: {  	_ =	shalt  }
0x70: {  	_ =	shalt  }
0x71: {  	_ =	shalt  }
0x72: {  	_ =	shalt  }
0x73: {  	_ =	shalt  }
0x74: {  	_ =	shalt  }
0x75: {  	_ =	shalt  }
0x76: {  	_ =	shalt  }
0x77: {  	_ =	shalt  }
0x78: {  	_ =	shalt  }
0x79: {  	_ =	shalt  }
0x7a: {  	_ =	shalt  }
0x7b: {  	_ =	shalt  }
0x7c: {  	_ =	shalt  }
0x7d: {  	_ =	shalt  }
0x7e: {  	_ =	shalt  }
0x7f: {  	_ =	shalt  }
0x80: {  	_ =	shalt  }
0x81: {  	_ =	shalt  }
0x82: {  	_ =	shalt  }
0x83: {  	_ =	shalt  }
0x84: {  	_ =	shalt  }
0x85: {  	_ =	shalt  }
0x86: {  	_ =	shalt  }
0x87: {  	_ =	shalt  }
.Lfunc_end0:
.L_simem_size_0:
called_computation_lowered:
.L_overlay_start_0:
0x88: {  	s2 =	sld [smem:$0x3FD9]  }
0x89: {  	s3 =	sld [smem:$0x3FFE];
	_ =	sdelay $0x1  }
0x8a: {  	s1 =	srdreg.scid  }
0x8b: {  	s0 =	sand.u32 $0x1, s1  }
0x8c: {  	s17 =	sshll.u32 s0, $0xA;
	s2 =	sadd.s32 s3, s2  }
0x8d: {  	s2 =	sadd.s32 s2, s17  }
0x8e: {  	[smem:$0x3FB9] =	sst s2  }
0x8f: {  	_ = 	snop  }
0x90: {  	s2 =	sld [smem:$0x3FD0];
	(tm) =	ssettm $0x1  }
0x91: {  	s18 =	sld [smem:$0x3FFB];
	_ =	sdelay $0x3  }
0x92: {  	_ =	strace s18  }
0x93: {  	s3 =	sld [smem:$0x3FFC];
	_ =	sdelay $0x3  }
0x94: {  	_ =	strace s3  }
0x95: {  	s3 =	sld [smem:$0x3FFD];
	_ =	sdelay $0x3  }
0x96: {  	_ =	strace s3  }
0x97: {  	_ =	strace $0x8FFFFFFF  }
0x98: {  	s19 =	sld [smem:$0x3FDB];
	_ =	sdelay $0x1  }
0x99: {  	s4 =	simm.s32 $_scs_section_size  }
0x9a: {  	s5 =	simm.s32 $_size__tile_overlayer_lowered;
	s6 =	simm.s32 $_tile_overlayer_lowered  }
0x9b: {  	s22 =	simm.s32 $0x1BFF;
	s21 =	sshll.u32 s6, $0x1;
	s3 =	sadd.s32 s4, s19  }
0x9c: {  	s7 =	simm.s32 $0x0;
	s20 =	sshll.u32 s5, $0x1;
	s5 =	sadd.s32 s21, s3  }
0x9d: {  	[timem:s7], [sflag:s22] =	dma.local [hbm:s5], s20  }
0x9e: {  	_ =	swait.ge [sflag:s22], s20  }
0x9f: {  	s4 =	ssub.s32 $0x0, s20;
	[sflag:s22] =	ssyncset.done $0x0  }
0xa0: {  	[sflag:s22] =	ssyncadd.s32 s4;
	_ =	sdelay $0x1  }
0xa1: {  	s23 =	simm.s32 $0x1B8B  }
0xa2: {  	_ =	swait.ge [sflag:s23], $0x1  }
0xa3: {  	[sflag:s23] =	ssyncset.done $0x0  }
0xa4: {  	s25 =	simm.s32 $0x1B8E;
	s24 =	sld [smem:$0x3FFE];
	[sflag:s23] =	ssyncadd.s32 $0xFFFFFFFF  }
0xa5: {  	s26 =	simm.s32 $execute0_lowered;
	[smem:$0x3FD2] =	sst s25  }
0xa6: {  	s5 =	sshll.u32 s26, $0x1;
	_ =	strace $0x80000046;
	[dreg:$0x1] =	wrdreg $0xFFFFFFFF  }
0xa7: {  	s28 =	simm.s32 $_size_execute0_lowered;
	s3 =	sadd.s32 s3, s5;
	[dreg:$0x0] =	wrdreg $0x0  }
0xa8: {  	s5 =	sshll.u32 s28, $0x1;
	[dreg:$0x2] =	wrdreg s3  }
0xa9: {  	[dreg:$0x3] =	wrdreg s5  }
0xaa: {  	[dreg:$0x4] =	wrdreg $0xC0  }
0xab: {  	_ =	task [dreg:s7], $0x5FFFF  }
0xac: {  	[dreg:$0x1] =	wrdreg $0xFFFFFFFF  }
0xad: {  	[dreg:$0x0] =	wrdreg $0x60  }
0xae: {  	[dreg:$0x2] =	wrdreg s24  }
0xaf: {  	[dreg:$0x3] =	wrdreg s2  }
0xb0: {  	[dreg:$0x4] =	wrdreg $0x2B000  }
0xb1: {  	[dreg:$0x5] =	wrdreg $0x9  }
0xb2: {  	_ =	task.clear_ibuf [dreg:s7], $0x6FFFF;
	_ =	strace $0x90000046  }
0xb3: {  	s29 =	simm.s32 $0x9;
	_ =	strace $0x80000048  }
0xb4: {  	_ =	swait.ge [sflag:s29], $0x1  }
0xb5: {  	[sflag:s29] =	ssyncadd.s32 $0xFFFFFFFF  }
0xb6: {  	_ =	strace $0x90000048  }
0xb7: {  	_ =	sfence  }
0xb8: {  	s30 =	sld [smem:$0x0];
	_ =	sdelay $0x2  }
0xb9: {  	s31 =	sshll.u32 s1, $0xD;
	s1 =	sshrl.u32 s1, $0x2  }
0xba: {  	s3 =	sand.u32 $0x4000, s31;
	s1 =	sadd.s32 s1, s30  }
0xbb: {  	s0 =	sor.u32 s3, s0;
	s1 =	sshll.u32 s1, $0x11  }
0xbc: {  	s0 =	sor.u32 s1, s0  }
0xbd: {  	s0 =	sadd.s32 $0x8F2B, s0  }
0xbe: {  	[sflag:s0] =	ssyncadd.remote.s32 $0x1  }
0xbf: {  	_ =	sfence.sel $0xFFFF  }
0xc0: {  	[dreg:$0x0] =	wrdreg $0xFFFFFFFF;
	(pc) =	sbr.abs _section_cstart, $3  }
0xc1: {  	[dreg:$0x1] =	wrdreg $0xFFFFFFFF  }
0xc2: {  	_ =	task.clear_ibuf [dreg:s7], $0x2FFFF;
	_ =	strace $0x9FFFFFFF  }
0xc3: {  	(tm) =	ssettm $0x7FFFFFFF  }
tec
execute0_lowered:
.L_overlay_start_1:
0x0: {  	(tag) =	ssettag $0x1  }
0x1: {  	s1 =	srdreg.scid;
	s4 =	rddreg [dreg:$0x0]  }
0x2: {  	s0 =	stileid.u32;
	s6 =	rddreg [dreg:$0x1]  }
0x3: {  	s2 =	rddreg [dreg:$0x2];
	s3 =	simm.s32 $0x0;
	s11 =	simm.s32 $0x80  }
0x4: {  	s12 =	simm.s32 $0x2800;
	s13 =	simm.s32 $0x2;
	s14 =	simm.s32 $0x3  }
0x5: {  	s15 =	simm.s32 $0x4;
	s16 =	simm.s32 $0x5;
	s17 =	simm.s32 $0x6  }
0x6: {  	s18 =	simm.s32 $0x7;
	s19 =	simm.s32 $0x8;
	s20 =	simm.s32 $0x9  }
0x7: {  	s23 =	simm.s32 $0x0;
	s5 =	sand.u32 $0x1, s1;
	s30 =	sshll.u32 s0, $0x1  }
0x8: {  	s8 =	smul.u32 $0x280, s0;
	[smem:$0x7FF] =	sst s3;
	s21 =	sshll.u32 s0, $0x6  }
0x9: {  	s1 =	sor.u32 s5, s30;
	s9 =	smul.u32 $0x2800, s5;
	s5 =	ssub.s32 $0x2, s5  }
0xa: {  	s21 =	sor.u32 $0x1C0A, s21;
	s7 =	smul.u32 $0x2800, s1;
	s1 =	rddreg [dreg:$0x3]  }
0xb: {  	_ =	strace $0x80000047;
	s10 =	sshrl.u32 s5, $0x1;
	s9 =	sadd.s32 s8, s9  }
0xc: {  	s10 =	ssub.s32 s5, s10;
	s5 =	sadd.s32 s8, s2;
	s8 =	simm.s32 $0x2880  }
0xd: {  	s7 =	sshrl.u32 s7, $0x3;
	s31 =	sshrl.u32 s9, $0x3;
	s9 =	simm.s32 $0xA  }
0xe: {  	s22 =	sshrl.u32 s5, $0x3;
	s4 =	sadd.s32 s4, s7;
	s6 =	sadd.s32 s6, s31  }
0xf: {  	v0 =	vimm.f32 $1.000000000e+00;
	v1 =	vimm.f32 $0.0e+00;
	s7 =	smax.u32 s10, $0x1;
	s10 =	simm.s32 $0x1;
	s4 =	sadd.s32 $0xD000, s4  }
.LBB2_1:
0x10: {  	[tilespmem:s3], [sflag:$0x1] =	stream.linear.gather [hbm4b:s4+s3], $0x2800, $0x38;
	[tilespmem:$0x2D80] =	vst v63  }
0x11: {  	[tilespmem:$0x2800] =	vst v0  }
0x12: {  	[tilespmem:$0x2810] =	vst v0  }
0x13: {  	[tilespmem:$0x2820] =	vst v0  }
0x14: {  	[tilespmem:$0x2830] =	vst v0  }
0x15: {  	[tilespmem:$0x2840] =	vst v0  }
0x16: {  	[tilespmem:$0x2850] =	vst v0  }
0x17: {  	[tilespmem:$0x2860] =	vst v0  }
0x18: {  	[tilespmem:$0x2870] =	vst v0  }
0x19: {  	[tilespmem:$0x2880] =	vst v1  }
0x1a: {  	[tilespmem:$0x2890] =	vst v1  }
0x1b: {  	[tilespmem:$0x28A0] =	vst v1  }
0x1c: {  	[tilespmem:$0x28B0] =	vst v1  }
0x1d: {  	[tilespmem:$0x28C0] =	vst v1  }
0x1e: {  	[tilespmem:$0x28D0] =	vst v1  }
0x1f: {  	[tilespmem:$0x28E0] =	vst v1  }
0x20: {  	[tilespmem:$0x28F0] =	vst v1  }
0x21: {  	[tilespmem:$0x2900] =	vst v1  }
0x22: {  	[tilespmem:$0x2910] =	vst v1  }
0x23: {  	[tilespmem:$0x2920] =	vst v1  }
0x24: {  	[tilespmem:$0x2930] =	vst v1  }
0x25: {  	[tilespmem:$0x2940] =	vst v1  }
0x26: {  	[tilespmem:$0x2950] =	vst v1  }
0x27: {  	[tilespmem:$0x2960] =	vst v1  }
0x28: {  	[tilespmem:$0x2970] =	vst v1  }
0x29: {  	[tilespmem:$0x2980] =	vst v1  }
0x2a: {  	[tilespmem:$0x2990] =	vst v1  }
0x2b: {  	[tilespmem:$0x29A0] =	vst v1  }
0x2c: {  	[tilespmem:$0x29B0] =	vst v1  }
0x2d: {  	[tilespmem:$0x29C0] =	vst v1  }
0x2e: {  	[tilespmem:$0x29D0] =	vst v1  }
0x2f: {  	[tilespmem:$0x29E0] =	vst v1  }
0x30: {  	[tilespmem:$0x29F0] =	vst v1  }
0x31: {  	[tilespmem:$0x2A00] =	vst v1  }
0x32: {  	[tilespmem:$0x2A10] =	vst v1  }
0x33: {  	[tilespmem:$0x2A20] =	vst v1  }
0x34: {  	[tilespmem:$0x2A30] =	vst v1  }
0x35: {  	[tilespmem:$0x2A40] =	vst v1  }
0x36: {  	[tilespmem:$0x2A50] =	vst v1  }
0x37: {  	[tilespmem:$0x2A60] =	vst v1  }
0x38: {  	[tilespmem:$0x2A70] =	vst v1  }
0x39: {  	[tilespmem:$0x2A80] =	vst v1  }
0x3a: {  	[tilespmem:$0x2A90] =	vst v1  }
0x3b: {  	[tilespmem:$0x2AA0] =	vst v1  }
0x3c: {  	[tilespmem:$0x2AB0] =	vst v1  }
0x3d: {  	[tilespmem:$0x2AC0] =	vst v1  }
0x3e: {  	[tilespmem:$0x2AD0] =	vst v1  }
0x3f: {  	[tilespmem:$0x2AE0] =	vst v1  }
0x40: {  	[tilespmem:$0x2AF0] =	vst v1  }
0x41: {  	[spmem:s5] =	stream.linear.scatter [tilespmem:s8], [sflag:$0xA], $0x280, $0x38;
	[tilespmem:$0x2D80] =	vst v63  }
0x42: {  	_ =	swait.ge [sflag:s9], $0x280  }
0x43: {  	[sflag:s9] =	ssyncset.done $0x0  }
0x44: {  	[sflag:s9] =	ssyncadd.s32 $0xFFFFFD80  }
0x45: {  	_ =	swait.ge [sflag:s10], $0x2800  }
0x46: {  	[sflag:s10] =	ssyncset.done $0x0  }
0x47: {  	[sflag:s10] =	ssyncadd.s32 $0xFFFFD800  }
0x48: {  	s24 =	simm.s32 $0x0;
	[bflag:$0x0] =	sbarrier.arrive $0xFFFF  }
0x49: {  	[spmem:s2] =	stream.indirect.scatter.add.f32 [tilespmem:s12], [sflag:$0x2], $0x1, s24, s11, $0xb8;
	[tilespmem:$0x2D80] =	vst v63  }
0x4a: {  	s31 =	simm.s32 $0x80  }
0x4b: {  	[spmem:s2] =	stream.indirect.scatter.add.f32 [tilespmem:s12], [sflag:$0x3], $0x1, s31, s11, $0xb8;
	[tilespmem:$0x2D80] =	vst v63  }
0x4c: {  	s25 =	simm.s32 $0x100  }
0x4d: {  	[spmem:s2] =	stream.indirect.scatter.add.f32 [tilespmem:s12], [sflag:$0x4], $0x1, s25, s11, $0xb8;
	[tilespmem:$0x2D80] =	vst v63  }
0x4e: {  	s26 =	simm.s32 $0x180  }
0x4f: {  	[spmem:s2] =	stream.indirect.scatter.add.f32 [tilespmem:s12], [sflag:$0x5], $0x1, s26, s11, $0xb8;
	[tilespmem:$0x2D80] =	vst v63  }
0x50: {  	s28 =	simm.s32 $0x200  }
0x51: {  	[spmem:s2] =	stream.indirect.scatter.add.f32 [tilespmem:s12], [sflag:$0x6], $0x1, s28, s11, $0xb8;
	[tilespmem:$0x2D80] =	vst v63  }
0x52: {  	s29 =	simm.s32 $0x280  }
0x53: {  	[spmem:s2] =	stream.indirect.scatter.add.f32 [tilespmem:s12], [sflag:$0x7], $0x1, s29, s11, $0xb8;
	[tilespmem:$0x2D80] =	vst v63  }
0x54: {  	s30 =	simm.s32 $0x300  }
0x55: {  	[spmem:s2] =	stream.indirect.scatter.add.f32 [tilespmem:s12], [sflag:$0x8], $0x1, s30, s11, $0xb8;
	[tilespmem:$0x2D80] =	vst v63  }
0x56: {  	s31 =	simm.s32 $0x380  }
0x57: {  	[spmem:s2] =	stream.indirect.scatter.add.f32 [tilespmem:s12], [sflag:$0x9], $0x1, s31, s11, $0xb8;
	[tilespmem:$0x2D80] =	vst v63  }
0x58: {  	_ =	swait.ge [sflag:s13], $0x80  }
0x59: {  	[sflag:s13] =	ssyncset.done $0x0  }
0x5a: {  	[sflag:s13] =	ssyncadd.s32 $0xFFFFFF80  }
0x5b: {  	_ =	swait.ge [sflag:s14], $0x80  }
0x5c: {  	[sflag:s14] =	ssyncset.done $0x0  }
0x5d: {  	[sflag:s14] =	ssyncadd.s32 $0xFFFFFF80  }
0x5e: {  	_ =	swait.ge [sflag:s15], $0x80  }
0x5f: {  	[sflag:s15] =	ssyncset.done $0x0  }
0x60: {  	[sflag:s15] =	ssyncadd.s32 $0xFFFFFF80  }
0x61: {  	_ =	swait.ge [sflag:s16], $0x80  }
0x62: {  	[sflag:s16] =	ssyncset.done $0x0  }
0x63: {  	[sflag:s16] =	ssyncadd.s32 $0xFFFFFF80  }
0x64: {  	_ =	swait.ge [sflag:s17], $0x80  }
0x65: {  	[sflag:s17] =	ssyncset.done $0x0  }
0x66: {  	[sflag:s17] =	ssyncadd.s32 $0xFFFFFF80  }
0x67: {  	_ =	swait.ge [sflag:s18], $0x80  }
0x68: {  	[sflag:s18] =	ssyncset.done $0x0  }
0x69: {  	[sflag:s18] =	ssyncadd.s32 $0xFFFFFF80  }
0x6a: {  	_ =	swait.ge [sflag:s19], $0x80  }
0x6b: {  	[sflag:s19] =	ssyncset.done $0x0  }
0x6c: {  	[sflag:s19] =	ssyncadd.s32 $0xFFFFFF80  }
0x6d: {  	_ =	swait.ge [sflag:s20], $0x80  }
0x6e: {  	s24 =	simm.s32 $0x1000;
	s26 =	simm.s32 $0x2000;
	[sflag:s20] =	ssyncset.done $0x0  }
.LBB2_2:
0x6f: {  	s28 =	sshra.s32 s24, $0x2  }
0x70: {  	[sflag:s20] =	ssyncadd.s32 $0xFFFFFF80;
	s24 =	smov.u32 s26;
	s25 =	sadd.s32 $0x1000, s26  }
0x71: {  	[spmem:s2] =	stream.indirect.scatter.add.f32 [tilespmem:s12], [sflag:$0x2], $0x1, s28, s11, $0xb8;
	[tilespmem:$0x2D80] =	vst v63  }
0x72: {  	p0 =	sne.s32 s26, $0x9000;
	s26 =	sadd.s32 $0x80, s28  }
0x73: {  	[spmem:s2] =	stream.indirect.scatter.add.f32 [tilespmem:s12], [sflag:$0x3], $0x1, s26, s11, $0xb8;
	[tilespmem:$0x2D80] =	vst v63  }
0x74: {  	s26 =	sadd.s32 $0x100, s28  }
0x75: {  	[spmem:s2] =	stream.indirect.scatter.add.f32 [tilespmem:s12], [sflag:$0x4], $0x1, s26, s11, $0xb8;
	[tilespmem:$0x2D80] =	vst v63  }
0x76: {  	s26 =	sadd.s32 $0x180, s28  }
0x77: {  	[spmem:s2] =	stream.indirect.scatter.add.f32 [tilespmem:s12], [sflag:$0x5], $0x1, s26, s11, $0xb8;
	[tilespmem:$0x2D80] =	vst v63  }
0x78: {  	s26 =	sadd.s32 $0x200, s28  }
0x79: {  	[spmem:s2] =	stream.indirect.scatter.add.f32 [tilespmem:s12], [sflag:$0x6], $0x1, s26, s11, $0xb8;
	[tilespmem:$0x2D80] =	vst v63  }
0x7a: {  	s26 =	sadd.s32 $0x280, s28  }
0x7b: {  	[spmem:s2] =	stream.indirect.scatter.add.f32 [tilespmem:s12], [sflag:$0x7], $0x1, s26, s11, $0xb8;
	[tilespmem:$0x2D80] =	vst v63  }
0x7c: {  	s26 =	sadd.s32 $0x300, s28  }
0x7d: {  	[spmem:s2] =	stream.indirect.scatter.add.f32 [tilespmem:s12], [sflag:$0x8], $0x1, s26, s11, $0xb8;
	[tilespmem:$0x2D80] =	vst v63  }
0x7e: {  	s26 =	sadd.s32 $0x380, s28  }
0x7f: {  	[spmem:s2] =	stream.indirect.scatter.add.f32 [tilespmem:s12], [sflag:$0x9], $0x1, s26, s11, $0xb8;
	[tilespmem:$0x2D80] =	vst v63  }
0x80: {  	_ =	swait.ge [sflag:s13], $0x80  }
0x81: {  	[sflag:s13] =	ssyncset.done $0x0  }
0x82: {  	[sflag:s13] =	ssyncadd.s32 $0xFFFFFF80  }
0x83: {  	_ =	swait.ge [sflag:s14], $0x80  }
0x84: {  	[sflag:s14] =	ssyncset.done $0x0  }
0x85: {  	[sflag:s14] =	ssyncadd.s32 $0xFFFFFF80  }
0x86: {  	_ =	swait.ge [sflag:s15], $0x80  }
0x87: {  	[sflag:s15] =	ssyncset.done $0x0  }
0x88: {  	[sflag:s15] =	ssyncadd.s32 $0xFFFFFF80  }
0x89: {  	_ =	swait.ge [sflag:s16], $0x80  }
0x8a: {  	[sflag:s16] =	ssyncset.done $0x0  }
0x8b: {  	[sflag:s16] =	ssyncadd.s32 $0xFFFFFF80  }
0x8c: {  	_ =	swait.ge [sflag:s17], $0x80  }
0x8d: {  	[sflag:s17] =	ssyncset.done $0x0  }
0x8e: {  	[sflag:s17] =	ssyncadd.s32 $0xFFFFFF80  }
0x8f: {  	_ =	swait.ge [sflag:s18], $0x80  }
0x90: {  	[sflag:s18] =	ssyncset.done $0x0  }
0x91: {  	[sflag:s18] =	ssyncadd.s32 $0xFFFFFF80  }
.Ltmp0:
0x92: {  	_ =	swait.ge [sflag:s19], $0x80;
	(pc) =	sbr.rel @p0 .LBB2_2-.Ltmp0, $4  }
0x93: {  	[sflag:s19] =	ssyncset.done $0x0  }
0x94: {  	[sflag:s19] =	ssyncadd.s32 $0xFFFFFF80  }
0x95: {  	_ =	swait.ge [sflag:s20], $0x80  }
0x96: {  	s26 =	smov.u32 s25;
	[sflag:s20] =	ssyncset.done $0x0  }
0x97: {  	s24 =	sshra.s32 s24, $0x2;
	[sflag:s20] =	ssyncadd.s32 $0xFFFFFF80  }
0x98: {  	[spmem:s2] =	stream.indirect.scatter.add.f32 [tilespmem:s12], [sflag:$0x2], $0x1, s24, s11, $0xb8;
	[tilespmem:$0x2D80] =	vst v63  }
0x99: {  	s25 =	sadd.s32 $0x80, s24  }
0x9a: {  	[spmem:s2] =	stream.indirect.scatter.add.f32 [tilespmem:s12], [sflag:$0x3], $0x1, s25, s11, $0xb8;
	[tilespmem:$0x2D80] =	vst v63  }
0x9b: {  	s26 =	sadd.s32 $0x100, s24  }
0x9c: {  	[spmem:s2] =	stream.indirect.scatter.add.f32 [tilespmem:s12], [sflag:$0x4], $0x1, s26, s11, $0xb8;
	[tilespmem:$0x2D80] =	vst v63  }
0x9d: {  	s28 =	sadd.s32 $0x180, s24  }
0x9e: {  	[spmem:s2] =	stream.indirect.scatter.add.f32 [tilespmem:s12], [sflag:$0x5], $0x1, s28, s11, $0xb8;
	[tilespmem:$0x2D80] =	vst v63  }
0x9f: {  	s29 =	sadd.s32 $0x200, s24  }
0xa0: {  	[spmem:s2] =	stream.indirect.scatter.add.f32 [tilespmem:s12], [sflag:$0x6], $0x1, s29, s11, $0xb8;
	[tilespmem:$0x2D80] =	vst v63  }
0xa1: {  	s30 =	sadd.s32 $0x280, s24  }
0xa2: {  	[spmem:s2] =	stream.indirect.scatter.add.f32 [tilespmem:s12], [sflag:$0x7], $0x1, s30, s11, $0xb8;
	[tilespmem:$0x2D80] =	vst v63  }
0xa3: {  	s31 =	sadd.s32 $0x300, s24  }
0xa4: {  	[spmem:s2] =	stream.indirect.scatter.add.f32 [tilespmem:s12], [sflag:$0x8], $0x1, s31, s11, $0xb8;
	[tilespmem:$0x2D80] =	vst v63  }
0xa5: {  	s24 =	sadd.s32 $0x380, s24  }
0xa6: {  	[spmem:s2] =	stream.indirect.scatter.add.f32 [tilespmem:s12], [sflag:$0x9], $0x1, s24, s11, $0xb8;
	[tilespmem:$0x2D80] =	vst v63  }
0xa7: {  	_ =	swait.ge [sflag:s13], $0x80  }
0xa8: {  	[sflag:s13] =	ssyncset.done $0x0  }
0xa9: {  	[sflag:s13] =	ssyncadd.s32 $0xFFFFFF80  }
0xaa: {  	_ =	swait.ge [sflag:s14], $0x80  }
0xab: {  	[sflag:s14] =	ssyncset.done $0x0  }
0xac: {  	[sflag:s14] =	ssyncadd.s32 $0xFFFFFF80  }
0xad: {  	_ =	swait.ge [sflag:s15], $0x80  }
0xae: {  	[sflag:s15] =	ssyncset.done $0x0  }
0xaf: {  	[sflag:s15] =	ssyncadd.s32 $0xFFFFFF80  }
0xb0: {  	_ =	swait.ge [sflag:s16], $0x80  }
0xb1: {  	[sflag:s16] =	ssyncset.done $0x0  }
0xb2: {  	[sflag:s16] =	ssyncadd.s32 $0xFFFFFF80  }
0xb3: {  	_ =	swait.ge [sflag:s17], $0x80  }
0xb4: {  	[sflag:s17] =	ssyncset.done $0x0  }
0xb5: {  	[sflag:s17] =	ssyncadd.s32 $0xFFFFFF80  }
0xb6: {  	_ =	swait.ge [sflag:s18], $0x80  }
0xb7: {  	[sflag:s18] =	ssyncset.done $0x0  }
0xb8: {  	[sflag:s18] =	ssyncadd.s32 $0xFFFFFF80  }
0xb9: {  	_ =	swait.ge [sflag:s19], $0x80  }
0xba: {  	[sflag:s19] =	ssyncset.done $0x0  }
0xbb: {  	[sflag:s19] =	ssyncadd.s32 $0xFFFFFF80  }
0xbc: {  	_ =	swait.ge [sflag:s20], $0x80  }
0xbd: {  	s23 =	sadd.s32 $0x1, s23;
	[sflag:s20] =	ssyncset.done $0x0  }
0xbe: {  	p0 =	sne.s32 s23, s7;
	[sflag:s20] =	ssyncadd.s32 $0xFFFFFF80  }
.Ltmp1:
0xbf: {  	[bflag:$0x0] =	sbarrier.arrive $0xFFFF;
	(pc) =	sbr.rel @p0 .LBB2_1-.Ltmp1, $4  }
0xc0: {  	[hbm:s6], [sflag:s21] =	dma.local [spmem:s22], $0x50  }
0xc1: {  	_ =	swait.ge [sflag:s9], $0x50  }
0xc2: {  	[sflag:s9] =	ssyncset.done $0x0  }
0xc3: {  	[sflag:s9] =	ssyncadd.s32 $0xFFFFFFB0  }
0xc4: {  	_ =	sfence.sel $0x180000  }
0xc5: {  	[bflag:$0x0] =	sbarrier.arrive $0xFFFF  }
0xc6: {  	p0 =	sne.s32 s0, $0x0;
	_ =	strace $0x90000047  }
0xc7: {  	s0 =	sadd.s32 @!p0 $0x100000, s1;
	[bflag:$0x2] =	sbarrier.arrive $0xFFFF  }
0xc8: {  	[sflag:s0] =	ssyncadd.tile.s32 @!p0 $0x1;
	_ =	shalt  }
.Lfunc_end2:
_tile_overlayer_lowered:
.L_overlay_start_2:
0xc9: {  	(tag) =	ssettag $0x2  }
0xca: {  	s0 =	rddreg [dreg:$0x0];
	s2 =	stileid.u32  }
0xcb: {  	s1 =	rddreg [dreg:$0x1];
	p0 =	sne.s32 s2, $0x0  }
0xcc: {  	s3 =	rddreg [dreg:$0x2];
	[bflag:$0x3] =	sbarrier.arrive $0xFFFF;
	s2 =	simm.s32 @!p0 $0x1C0A  }
0xcd: {  	[timem:s3], [sflag:s2] =	dma.local @!p0 [hbm:s0], s1  }
0xce: {  	s0 =	simm.s32 @!p0 $0xA  }
0xcf: {  	_ =	swait.ge @!p0 [sflag:s0], s1  }
0xd0: {  	s1 =	ssub.s32 @!p0 $0x0, s1;
	[sflag:s0] =	ssyncset.done @!p0 $0x0  }
0xd1: {  	[sflag:s0] =	ssyncadd.s32 @!p0 s1  }
0xd2: {  	[bflag:$0x3] =	sbarrier.arrive $0xFFFF  }
0xd3: {  	_ =	shalt  }

</sc_bundles>
